<compile_context>
chip_gen: v7x
topology: tpu7x:2x2x1
jax: 0.10.2.dev20260603
libtpu: 0.0.44.dev20260713+nightly
codegen_flags: <defaults>
</compile_context>

<pallas_src>
import functools

import jax
import jax.numpy as jnp
from jax import lax
from jax.experimental import pallas as pl
from jax.experimental.pallas import tpu as pltpu
from jax.experimental.pallas import tpu_sc as plsc

NC = 2
NS = 16
NW = NC * NS
C = 128


def _mesh():
    return plsc.VectorSubcoreMesh(
        core_axis_name="c", subcore_axis_name="s",
        num_cores=NC, num_subcores=NS)


def _chunks(total, step):
    off = 0
    while off < total:
        yield off, min(step, total - off)
        off += step


@functools.lru_cache(maxsize=None)
def _make_degree_kernel(NP, D, CH):
    RPT = NP // NS

    @functools.partial(
        pl.kernel,
        mesh=_mesh(),
        out_type=jax.ShapeDtypeStruct((NC, NP, D), jnp.float32),
        scratch_types=[
            pltpu.VMEM((CH, C), jnp.int32),
            pltpu.VMEM((C, D), jnp.float32),
            pltpu.VMEM_SHARED((NP, D), jnp.float32),
            pltpu.SemaphoreType.DMA,
        ],
    )
    def deg_kernel(zeros_hbm, ones_hbm, idx_hbm, out_hbm,
                   idx_v, buf_v, acc, sem):
        c = lax.axis_index("c")
        s = lax.axis_index("s")
        r0 = pl.multiple_of(s * RPT, 8)
        pltpu.sync_copy(zeros_hbm, buf_v)
        for off, size in _chunks(RPT, C):
            rs = pl.ds(pl.multiple_of(r0 + off, 8), size)
            pltpu.sync_copy(buf_v.at[pl.ds(0, size)], acc.at[rs])
        pltpu.sync_copy(idx_hbm.at[c, s], idx_v)
        pltpu.sync_copy(ones_hbm, buf_v)
        plsc.subcore_barrier()

        DEPTH = 4

        def fire(j):
            pltpu.async_copy(buf_v, acc.at[idx_v.at[j]], sem, add=True)

        def drain(j):
            pltpu.make_async_copy(buf_v, acc.at[idx_v.at[j]], sem).wait()

        for j in range(DEPTH):
            fire(j)

        @pl.loop(DEPTH, CH)
        def body(j):
            drain(j - DEPTH)
            fire(j)

        for j in range(DEPTH):
            drain(CH - DEPTH + j)

        plsc.subcore_barrier()
        for off, size in _chunks(RPT, C):
            rs = pl.ds(pl.multiple_of(r0 + off, 8), size)
            bs = pl.ds(0, size)
            pltpu.sync_copy(acc.at[rs], buf_v.at[bs])
            pltpu.sync_copy(buf_v.at[bs], out_hbm.at[c, rs])

    return deg_kernel


@functools.lru_cache(maxsize=None)
def _make_agg_kernel(NP, D, J, NPH):
    RPT = NP // NS
    PH = J // NPH
    assert PH % 2 == 0 and PH >= 4

    @functools.partial(
        pl.kernel,
        mesh=_mesh(),
        out_type=jax.ShapeDtypeStruct((NC, NP, D), jnp.float32),
        scratch_types=[
            pltpu.VMEM((PH, C), jnp.int32),
            pltpu.VMEM((PH, C), jnp.int32),
            pltpu.VMEM((C, D), jnp.float32),
            pltpu.VMEM((C, D), jnp.float32),
            pltpu.VMEM_SHARED((NP, D), jnp.float32),
            pltpu.SemaphoreType.DMA,
            pltpu.SemaphoreType.DMA,
        ],
    )
    def agg_kernel(hs_hbm, src_hbm, dst_hbm, zeros_hbm, out_hbm,
                   src_v, dst_v, rows0, rows1, acc, sem0, sem1):
        c = lax.axis_index("c")
        s = lax.axis_index("s")
        w = c * NS + s
        r0 = pl.multiple_of(s * RPT, 8)
        pltpu.sync_copy(zeros_hbm, rows0)
        for off, size in _chunks(RPT, C):
            rs = pl.ds(pl.multiple_of(r0 + off, 8), size)
            pltpu.sync_copy(rows0.at[pl.ds(0, size)], acc.at[rs])
        plsc.subcore_barrier()

        def gather(j, rows, sem):
            pltpu.async_copy(hs_hbm.at[src_v.at[j]], rows, sem)

        def gwait(j, rows, sem):
            pltpu.make_async_copy(hs_hbm.at[src_v.at[j]], rows, sem).wait()

        def scat(j, rows):
            pltpu.sync_copy(rows, acc.at[dst_v.at[j]], add=True)

        @pl.loop(0, NPH)
        def phase(p):
            pltpu.sync_copy(src_hbm.at[w, pl.ds(p * PH, PH)], src_v)
            pltpu.sync_copy(dst_hbm.at[w, pl.ds(p * PH, PH)], dst_v)
            gather(0, rows0, sem0)

            @pl.loop(0, PH // 2 - 1)
            def body(jj):
                j0 = jj * 2
                gather(j0 + 1, rows1, sem1)
                gwait(j0, rows0, sem0)
                scat(j0, rows0)
                gather(j0 + 2, rows0, sem0)
                gwait(j0 + 1, rows1, sem1)
                scat(j0 + 1, rows1)

            gather(PH - 1, rows1, sem1)
            gwait(PH - 2, rows0, sem0)
            scat(PH - 2, rows0)
            gwait(PH - 1, rows1, sem1)
            scat(PH - 1, rows1)

        plsc.subcore_barrier()
        for off, size in _chunks(RPT, C):
            rs = pl.ds(pl.multiple_of(r0 + off, 8), size)
            bs = pl.ds(0, size)
            pltpu.sync_copy(acc.at[rs], rows0.at[bs])
            pltpu.sync_copy(rows0.at[bs], out_hbm.at[c, rs])

    return agg_kernel


def _norms_body(N, NP, deg_ref, x_ref, h0s_ref, nin_ref, nout_ref):
    d = deg_ref[...]
    scale = 1.0 / d.shape[-1]
    cnt_out = jnp.sum(d[0], axis=1, keepdims=True) * scale
    cnt_in = jnp.sum(d[1], axis=1, keepdims=True) * scale
    nout = lax.rsqrt(1.0 + cnt_out)
    nin = lax.rsqrt(1.0 + cnt_in)
    nout_ref[...] = nout
    nin_ref[...] = nin
    h0s_ref[:N] = x_ref[...] * nout[:N]
    h0s_ref[N:] = jnp.zeros((NP - N, x_ref.shape[1]), jnp.float32)


@functools.lru_cache(maxsize=None)
def _make_norms_call(N, NP, D):
    return pl.pallas_call(
        functools.partial(_norms_body, N, NP),
        out_shape=(
            jax.ShapeDtypeStruct((NP, D), jnp.float32),
            jax.ShapeDtypeStruct((NP, 1), jnp.float32),
            jax.ShapeDtypeStruct((NP, 1), jnp.float32),
        ),
    )


def _layer_body(scale_out, p_ref, hs_ref, nin_ref, nout_ref, w_ref, b_ref,
                out_ref):
    pre = (p_ref[0] + p_ref[1] + hs_ref[...]) * nin_ref[...]
    h = jnp.dot(pre, w_ref[...], preferred_element_type=jnp.float32) + b_ref[...]
    if scale_out:
        h = h * nout_ref[...]
    out_ref[...] = h


@functools.lru_cache(maxsize=None)
def _make_layer_call(NR, NP, D, H, scale_out, bn):
    grid = NR // bn
    return pl.pallas_call(
        functools.partial(_layer_body, scale_out),
        grid=(grid,),
        in_specs=[
            pl.BlockSpec((NC, bn, D), lambda i: (0, i, 0)),
            pl.BlockSpec((bn, D), lambda i: (i, 0)),
            pl.BlockSpec((bn, 1), lambda i: (i, 0)),
            pl.BlockSpec((bn, 1), lambda i: (i, 0)),
            pl.BlockSpec((D, H), lambda i: (0, 0)),
            pl.BlockSpec((1, H), lambda i: (0, 0)),
        ],
        out_specs=pl.BlockSpec((bn, H), lambda i: (i, 0)),
        out_shape=jax.ShapeDtypeStruct((NR, H), jnp.float32),
    )


def kernel(x, edge_index, W1, b1, W2, b2):
    N, D = x.shape
    H = W1.shape[1]
    E = edge_index.shape[1]
    NP = -(-N // (NS * 8)) * (NS * 8)
    J = (-(-E // (NW * C)) + 3) // 4 * 4
    EP = NW * J * C
    CH = EP // (NS * C)
    assert N % 8 == 0 and NP > N

    pad = N + (jnp.arange(EP - E, dtype=jnp.int32) % (NP - N))
    srcp = jnp.concatenate([edge_index[0], pad])
    dstp = jnp.concatenate([edge_index[1], pad])
    src3 = srcp.reshape(NW, J, C)
    dst3 = dstp.reshape(NW, J, C)
    idx4 = jnp.stack([srcp, dstp]).reshape(NC, NS, CH, C)
    zeros_d = jnp.zeros((C, D), jnp.float32)
    ones_d = jnp.ones((C, D), jnp.float32)

    deg = _make_degree_kernel(NP, D, CH)(zeros_d, ones_d, idx4)
    h0s, nin, nout = _make_norms_call(N, NP, D)(deg, x)

    agg = _make_agg_kernel(NP, D, J, 2)
    p1 = agg(h0s, src3, dst3, zeros_d)
    h1s = _make_layer_call(NP, NP, D, H, True, 632)(p1, h0s, nin, nout, W1,
                                                    b1.reshape(1, H))
    p2 = agg(h1s, src3, dst3, zeros_d)
    out = _make_layer_call(N, NP, H, H, False, 2000)(p2, h1s, nin, nout, W2,
                                                     b2.reshape(1, H))
    return out

# --- scband reference (transcript-rebuilt; emitter-appended) ---
"""Pipeline reference for scband-gcn-52501680226728 (READ-ONLY COPY).

The authoritative reference and input builder live on the scoring server;
editing this copy changes nothing except your own understanding.
"""

import jax, jax.numpy as jnp
import numpy as np

N = 10000
E = 320000
D = 128
H = 128

def setup_inputs(seed: int = 0) -> dict:
    key = jax.random.key(seed)
    k1, k2, k3, k4, k5, k6 = jax.random.split(key, 6)
    x = jax.random.normal(k1, (N, D), dtype=jnp.float32)
    edge_index = jax.random.randint(k2, (2, E), 0, N, dtype=jnp.int32)
    W1 = jax.random.normal(k3, (D, H), dtype=jnp.float32) * (1.0 / np.sqrt(D))
    b1 = jnp.zeros((H,), dtype=jnp.float32)
    W2 = jax.random.normal(k4, (H, H), dtype=jnp.float32) * (1.0 / np.sqrt(H))
    b2 = jnp.zeros((H,), dtype=jnp.float32)
    return {"x": x, "edge_index": edge_index, "W1": W1, "b1": b1, "W2": W2, "b2": b2}


def reference(x, edge_index, W1, b1, W2, b2):
    # GCN (DGL GraphConv, norm='both') with self-loops added, 2 layers, dropout=0 (eval).
    self_loops = jnp.arange(N, dtype=edge_index.dtype)
    src = jnp.concatenate([edge_index[0], self_loops])
    dst = jnp.concatenate([edge_index[1], self_loops])
    ones = jnp.ones(src.shape[0], dtype=jnp.float32)
    deg_out = jax.ops.segment_sum(ones, src, num_segments=N)
    deg_in = jax.ops.segment_sum(ones, dst, num_segments=N)
    norm_out = jnp.where(deg_out > 0, jax.lax.rsqrt(jnp.maximum(deg_out, 1e-12)), 0.0)
    norm_in = jnp.where(deg_in > 0, jax.lax.rsqrt(jnp.maximum(deg_in, 1e-12)), 0.0)

    def graph_conv(h, W, b):
        h = h * norm_out[:, None]
        m = jnp.take(h, src, axis=0)
        agg = jax.ops.segment_sum(m, dst, num_segments=N)
        h = agg * norm_in[:, None]
        return h @ W + b

    h = graph_conv(x, W1, b1)
    h = graph_conv(h, W2, b2)
    return h

if __name__ == "__main__":
    import jax
    _d = setup_inputs()
    print(jax.jit(kernel)(*tuple(_d.values())))

</pallas_src>

<mosaic_0001>
#map = affine_map<(d0, d1) -> (0, 0)>
#map1 = affine_map<(d0, d1) -> (0, 0, 0, 0)>
#map2 = affine_map<(d0, d1) -> (0, 0, 0)>
module attributes {stable_mosaic.version = 14 : i64} {
  func.func @deg_kernel(%arg0: i32, %arg1: i32, %arg2: memref<128x128xf32, #tpu.memory_space<hbm>>, %arg3: memref<128x128xf32, #tpu.memory_space<hbm>>, %arg4: memref<2x16x160x128xi32, #tpu.memory_space<hbm>>, %arg5: memref<2x10112x128xf32, #tpu.memory_space<hbm>>, %arg6: memref<160x128xi32, #tpu.memory_space<vmem>>, %arg7: memref<128x128xf32, #tpu.memory_space<vmem>>, %arg8: memref<10112x128xf32, #tpu.memory_space<vmem_shared>>, %arg9: memref<!tpu.dma_semaphore, #tpu.memory_space<semaphore_mem>>) attributes {dimension_semantics = [#tpu.dimension_semantics<core_parallel>, #tpu.dimension_semantics<subcore_parallel>], iteration_bounds = array<i64: 2, 16>, scalar_prefetch = 0 : i64, scratch_operands = 4 : i64, tpu.core_type = #tpu.core_type<sc_vector_subcore>, window_params = [{transform_indices = #map}, {transform_indices = #map}, {transform_indices = #map1}, {transform_indices = #map2}]} {
    %mul3A = arith.constant 632 : i32
    %mul3A_0 = arith.muli %arg1, %mul3A : i32
    %multiple_of3A = tpu.assume_multiple %mul3A_0, 8 : i32
    "tpu.region"() ({
      %run_scoped3A = tpu.sem_alloc : memref<!tpu.dma_semaphore, #tpu.memory_space<semaphore_mem>>
      tpu.enqueue_dma source(%arg2 : memref<128x128xf32, #tpu.memory_space<hbm>>) target(%arg7 : memref<128x128xf32, #tpu.memory_space<vmem>>) target_semaphore(%run_scoped3A : memref<!tpu.dma_semaphore, #tpu.memory_space<semaphore_mem>>)
      tpu.wait_dma2 semaphore(%run_scoped3A : memref<!tpu.dma_semaphore, #tpu.memory_space<semaphore_mem>>) src(%arg2 : memref<128x128xf32, #tpu.memory_space<hbm>>) dst(%arg7 : memref<128x128xf32, #tpu.memory_space<vmem>>)
      tpu.yield
    }) : () -> ()
    %add3A = arith.constant 0 : i32
    %add3A_1 = arith.addi %multiple_of3A, %add3A : i32
    %multiple_of3A_2 = tpu.assume_multiple %add3A_1, 8 : i32
    "tpu.region"() ({
      %run_scoped3A = tpu.sem_alloc : memref<!tpu.dma_semaphore, #tpu.memory_space<semaphore_mem>>
      %dma_start3A_89 = arith.constant 0 : i32
      %dma_start3A_90 = arith.constant 0 : i32
      %dma_start3A_91 = tpu.memref_slice %arg7[%dma_start3A_89, %dma_start3A_90] : memref<128x128xf32, #tpu.memory_space<vmem>> -> memref<128x128xf32, #tpu.memory_space<vmem>>
      %dma_start3A_92 = arith.constant 0 : i32
      %dma_start3A_93 = tpu.memref_slice %arg8[%multiple_of3A_2, %dma_start3A_92] : memref<10112x128xf32, #tpu.memory_space<vmem_shared>> -> memref<128x128xf32, #tpu.memory_space<vmem_shared>>
      %dma_start3A_94 = arith.constant 0 : i32
      %dma_start3A_95 = tpu.memref_slice %arg8[%multiple_of3A_2, %dma_start3A_94] : memref<10112x128xf32, #tpu.memory_space<vmem_shared>> -> memref<128x128xf32, #tpu.memory_space<vmem_shared>>
      %dma_start3A_96 = arith.constant 0 : i32
      %dma_start3A_97 = arith.constant 0 : i32
      %dma_start3A_98 = tpu.memref_slice %arg7[%dma_start3A_96, %dma_start3A_97] : memref<128x128xf32, #tpu.memory_space<vmem>> -> memref<128x128xf32, #tpu.memory_space<vmem>>
      tpu.enqueue_dma source(%dma_start3A_98 : memref<128x128xf32, #tpu.memory_space<vmem>>) target(%dma_start3A_95 : memref<128x128xf32, #tpu.memory_space<vmem_shared>>) target_semaphore(%run_scoped3A : memref<!tpu.dma_semaphore, #tpu.memory_space<semaphore_mem>>)
      %dma_wait3A_99 = arith.constant 0 : i32
      %dma_wait3A_100 = arith.constant 0 : i32
      %dma_wait3A_101 = tpu.memref_slice %arg7[%dma_wait3A_99, %dma_wait3A_100] : memref<128x128xf32, #tpu.memory_space<vmem>> -> memref<128x128xf32, #tpu.memory_space<vmem>>
      %dma_wait3A_102 = arith.constant 0 : i32
      %dma_wait3A_103 = tpu.memref_slice %arg8[%multiple_of3A_2, %dma_wait3A_102] : memref<10112x128xf32, #tpu.memory_space<vmem_shared>> -> memref<128x128xf32, #tpu.memory_space<vmem_shared>>
      %dma_wait3A_104 = arith.constant 0 : i32
      %dma_wait3A_105 = tpu.memref_slice %arg8[%multiple_of3A_2, %dma_wait3A_104] : memref<10112x128xf32, #tpu.memory_space<vmem_shared>> -> memref<128x128xf32, #tpu.memory_space<vmem_shared>>
      %dma_wait3A_106 = arith.constant 0 : i32
      %dma_wait3A_107 = arith.constant 0 : i32
      %dma_wait3A_108 = tpu.memref_slice %arg7[%dma_wait3A_106, %dma_wait3A_107] : memref<128x128xf32, #tpu.memory_space<vmem>> -> memref<128x128xf32, #tpu.memory_space<vmem>>
      tpu.wait_dma2 semaphore(%run_scoped3A : memref<!tpu.dma_semaphore, #tpu.memory_space<semaphore_mem>>) src(%dma_wait3A_108 : memref<128x128xf32, #tpu.memory_space<vmem>>) dst(%dma_wait3A_105 : memref<128x128xf32, #tpu.memory_space<vmem_shared>>)
      tpu.yield
    }) : () -> ()
    %add3A_3 = arith.constant 128 : i32
    %add3A_4 = arith.addi %multiple_of3A, %add3A_3 : i32
    %multiple_of3A_5 = tpu.assume_multiple %add3A_4, 8 : i32
    "tpu.region"() ({
      %run_scoped3A = tpu.sem_alloc : memref<!tpu.dma_semaphore, #tpu.memory_space<semaphore_mem>>
      %dma_start3A_89 = arith.constant 0 : i32
      %dma_start3A_90 = arith.constant 0 : i32
      %dma_start3A_91 = tpu.memref_slice %arg7[%dma_start3A_89, %dma_start3A_90] : memref<128x128xf32, #tpu.memory_space<vmem>> -> memref<128x128xf32, #tpu.memory_space<vmem>>
      %dma_start3A_92 = arith.constant 0 : i32
      %dma_start3A_93 = tpu.memref_slice %arg8[%multiple_of3A_5, %dma_start3A_92] : memref<10112x128xf32, #tpu.memory_space<vmem_shared>> -> memref<128x128xf32, #tpu.memory_space<vmem_shared>>
      %dma_start3A_94 = arith.constant 0 : i32
      %dma_start3A_95 = tpu.memref_slice %arg8[%multiple_of3A_5, %dma_start3A_94] : memref<10112x128xf32, #tpu.memory_space<vmem_shared>> -> memref<128x128xf32, #tpu.memory_space<vmem_shared>>
      %dma_start3A_96 = arith.constant 0 : i32
      %dma_start3A_97 = arith.constant 0 : i32
      %dma_start3A_98 = tpu.memref_slice %arg7[%dma_start3A_96, %dma_start3A_97] : memref<128x128xf32, #tpu.memory_space<vmem>> -> memref<128x128xf32, #tpu.memory_space<vmem>>
      tpu.enqueue_dma source(%dma_start3A_98 : memref<128x128xf32, #tpu.memory_space<vmem>>) target(%dma_start3A_95 : memref<128x128xf32, #tpu.memory_space<vmem_shared>>) target_semaphore(%run_scoped3A : memref<!tpu.dma_semaphore, #tpu.memory_space<semaphore_mem>>)
      %dma_wait3A_99 = arith.constant 0 : i32
      %dma_wait3A_100 = arith.constant 0 : i32
      %dma_wait3A_101 = tpu.memref_slice %arg7[%dma_wait3A_99, %dma_wait3A_100] : memref<128x128xf32, #tpu.memory_space<vmem>> -> memref<128x128xf32, #tpu.memory_space<vmem>>
      %dma_wait3A_102 = arith.constant 0 : i32
      %dma_wait3A_103 = tpu.memref_slice %arg8[%multiple_of3A_5, %dma_wait3A_102] : memref<10112x128xf32, #tpu.memory_space<vmem_shared>> -> memref<128x128xf32, #tpu.memory_space<vmem_shared>>
      %dma_wait3A_104 = arith.constant 0 : i32
      %dma_wait3A_105 = tpu.memref_slice %arg8[%multiple_of3A_5, %dma_wait3A_104] : memref<10112x128xf32, #tpu.memory_space<vmem_shared>> -> memref<128x128xf32, #tpu.memory_space<vmem_shared>>
      %dma_wait3A_106 = arith.constant 0 : i32
      %dma_wait3A_107 = arith.constant 0 : i32
      %dma_wait3A_108 = tpu.memref_slice %arg7[%dma_wait3A_106, %dma_wait3A_107] : memref<128x128xf32, #tpu.memory_space<vmem>> -> memref<128x128xf32, #tpu.memory_space<vmem>>
      tpu.wait_dma2 semaphore(%run_scoped3A : memref<!tpu.dma_semaphore, #tpu.memory_space<semaphore_mem>>) src(%dma_wait3A_108 : memref<128x128xf32, #tpu.memory_space<vmem>>) dst(%dma_wait3A_105 : memref<128x128xf32, #tpu.memory_space<vmem_shared>>)
      tpu.yield
    }) : () -> ()
    %add3A_6 = arith.constant 256 : i32
    %add3A_7 = arith.addi %multiple_of3A, %add3A_6 : i32
    %multiple_of3A_8 = tpu.assume_multiple %add3A_7, 8 : i32
    "tpu.region"() ({
      %run_scoped3A = tpu.sem_alloc : memref<!tpu.dma_semaphore, #tpu.memory_space<semaphore_mem>>
      %dma_start3A_89 = arith.constant 0 : i32
      %dma_start3A_90 = arith.constant 0 : i32
      %dma_start3A_91 = tpu.memref_slice %arg7[%dma_start3A_89, %dma_start3A_90] : memref<128x128xf32, #tpu.memory_space<vmem>> -> memref<128x128xf32, #tpu.memory_space<vmem>>
      %dma_start3A_92 = arith.constant 0 : i32
      %dma_start3A_93 = tpu.memref_slice %arg8[%multiple_of3A_8, %dma_start3A_92] : memref<10112x128xf32, #tpu.memory_space<vmem_shared>> -> memref<128x128xf32, #tpu.memory_space<vmem_shared>>
      %dma_start3A_94 = arith.constant 0 : i32
      %dma_start3A_95 = tpu.memref_slice %arg8[%multiple_of3A_8, %dma_start3A_94] : memref<10112x128xf32, #tpu.memory_space<vmem_shared>> -> memref<128x128xf32, #tpu.memory_space<vmem_shared>>
      %dma_start3A_96 = arith.constant 0 : i32
      %dma_start3A_97 = arith.constant 0 : i32
      %dma_start3A_98 = tpu.memref_slice %arg7[%dma_start3A_96, %dma_start3A_97] : memref<128x128xf32, #tpu.memory_space<vmem>> -> memref<128x128xf32, #tpu.memory_space<vmem>>
      tpu.enqueue_dma source(%dma_start3A_98 : memref<128x128xf32, #tpu.memory_space<vmem>>) target(%dma_start3A_95 : memref<128x128xf32, #tpu.memory_space<vmem_shared>>) target_semaphore(%run_scoped3A : memref<!tpu.dma_semaphore, #tpu.memory_space<semaphore_mem>>)
      %dma_wait3A_99 = arith.constant 0 : i32
      %dma_wait3A_100 = arith.constant 0 : i32
      %dma_wait3A_101 = tpu.memref_slice %arg7[%dma_wait3A_99, %dma_wait3A_100] : memref<128x128xf32, #tpu.memory_space<vmem>> -> memref<128x128xf32, #tpu.memory_space<vmem>>
      %dma_wait3A_102 = arith.constant 0 : i32
      %dma_wait3A_103 = tpu.memref_slice %arg8[%multiple_of3A_8, %dma_wait3A_102] : memref<10112x128xf32, #tpu.memory_space<vmem_shared>> -> memref<128x128xf32, #tpu.memory_space<vmem_shared>>
      %dma_wait3A_104 = arith.constant 0 : i32
      %dma_wait3A_105 = tpu.memref_slice %arg8[%multiple_of3A_8, %dma_wait3A_104] : memref<10112x128xf32, #tpu.memory_space<vmem_shared>> -> memref<128x128xf32, #tpu.memory_space<vmem_shared>>
      %dma_wait3A_106 = arith.constant 0 : i32
      %dma_wait3A_107 = arith.constant 0 : i32
      %dma_wait3A_108 = tpu.memref_slice %arg7[%dma_wait3A_106, %dma_wait3A_107] : memref<128x128xf32, #tpu.memory_space<vmem>> -> memref<128x128xf32, #tpu.memory_space<vmem>>
      tpu.wait_dma2 semaphore(%run_scoped3A : memref<!tpu.dma_semaphore, #tpu.memory_space<semaphore_mem>>) src(%dma_wait3A_108 : memref<128x128xf32, #tpu.memory_space<vmem>>) dst(%dma_wait3A_105 : memref<128x128xf32, #tpu.memory_space<vmem_shared>>)
      tpu.yield
    }) : () -> ()
    %add3A_9 = arith.constant 384 : i32
    %add3A_10 = arith.addi %multiple_of3A, %add3A_9 : i32
    %multiple_of3A_11 = tpu.assume_multiple %add3A_10, 8 : i32
    "tpu.region"() ({
      %run_scoped3A = tpu.sem_alloc : memref<!tpu.dma_semaphore, #tpu.memory_space<semaphore_mem>>
      %dma_start3A_89 = arith.constant 0 : i32
      %dma_start3A_90 = arith.constant 0 : i32
      %dma_start3A_91 = tpu.memref_slice %arg7[%dma_start3A_89, %dma_start3A_90] : memref<128x128xf32, #tpu.memory_space<vmem>> -> memref<128x128xf32, #tpu.memory_space<vmem>>
      %dma_start3A_92 = arith.constant 0 : i32
      %dma_start3A_93 = tpu.memref_slice %arg8[%multiple_of3A_11, %dma_start3A_92] : memref<10112x128xf32, #tpu.memory_space<vmem_shared>> -> memref<128x128xf32, #tpu.memory_space<vmem_shared>>
      %dma_start3A_94 = arith.constant 0 : i32
      %dma_start3A_95 = tpu.memref_slice %arg8[%multiple_of3A_11, %dma_start3A_94] : memref<10112x128xf32, #tpu.memory_space<vmem_shared>> -> memref<128x128xf32, #tpu.memory_space<vmem_shared>>
      %dma_start3A_96 = arith.constant 0 : i32
      %dma_start3A_97 = arith.constant 0 : i32
      %dma_start3A_98 = tpu.memref_slice %arg7[%dma_start3A_96, %dma_start3A_97] : memref<128x128xf32, #tpu.memory_space<vmem>> -> memref<128x128xf32, #tpu.memory_space<vmem>>
      tpu.enqueue_dma source(%dma_start3A_98 : memref<128x128xf32, #tpu.memory_space<vmem>>) target(%dma_start3A_95 : memref<128x128xf32, #tpu.memory_space<vmem_shared>>) target_semaphore(%run_scoped3A : memref<!tpu.dma_semaphore, #tpu.memory_space<semaphore_mem>>)
      %dma_wait3A_99 = arith.constant 0 : i32
      %dma_wait3A_100 = arith.constant 0 : i32
      %dma_wait3A_101 = tpu.memref_slice %arg7[%dma_wait3A_99, %dma_wait3A_100] : memref<128x128xf32, #tpu.memory_space<vmem>> -> memref<128x128xf32, #tpu.memory_space<vmem>>
      %dma_wait3A_102 = arith.constant 0 : i32
      %dma_wait3A_103 = tpu.memref_slice %arg8[%multiple_of3A_11, %dma_wait3A_102] : memref<10112x128xf32, #tpu.memory_space<vmem_shared>> -> memref<128x128xf32, #tpu.memory_space<vmem_shared>>
      %dma_wait3A_104 = arith.constant 0 : i32
      %dma_wait3A_105 = tpu.memref_slice %arg8[%multiple_of3A_11, %dma_wait3A_104] : memref<10112x128xf32, #tpu.memory_space<vmem_shared>> -> memref<128x128xf32, #tpu.memory_space<vmem_shared>>
      %dma_wait3A_106 = arith.constant 0 : i32
      %dma_wait3A_107 = arith.constant 0 : i32
      %dma_wait3A_108 = tpu.memref_slice %arg7[%dma_wait3A_106, %dma_wait3A_107] : memref<128x128xf32, #tpu.memory_space<vmem>> -> memref<128x128xf32, #tpu.memory_space<vmem>>
      tpu.wait_dma2 semaphore(%run_scoped3A : memref<!tpu.dma_semaphore, #tpu.memory_space<semaphore_mem>>) src(%dma_wait3A_108 : memref<128x128xf32, #tpu.memory_space<vmem>>) dst(%dma_wait3A_105 : memref<128x128xf32, #tpu.memory_space<vmem_shared>>)
      tpu.yield
    }) : () -> ()
    %add3A_12 = arith.constant 512 : i32
    %add3A_13 = arith.addi %multiple_of3A, %add3A_12 : i32
    %multiple_of3A_14 = tpu.assume_multiple %add3A_13, 8 : i32
    "tpu.region"() ({
      %run_scoped3A = tpu.sem_alloc : memref<!tpu.dma_semaphore, #tpu.memory_space<semaphore_mem>>
      %dma_start3A_89 = arith.constant 0 : i32
      %dma_start3A_90 = arith.constant 0 : i32
      %dma_start3A_91 = tpu.memref_slice %arg7[%dma_start3A_89, %dma_start3A_90] : memref<128x128xf32, #tpu.memory_space<vmem>> -> memref<120x128xf32, #tpu.memory_space<vmem>>
      %dma_start3A_92 = arith.constant 0 : i32
      %dma_start3A_93 = tpu.memref_slice %arg8[%multiple_of3A_14, %dma_start3A_92] : memref<10112x128xf32, #tpu.memory_space<vmem_shared>> -> memref<120x128xf32, #tpu.memory_space<vmem_shared>>
      %dma_start3A_94 = arith.constant 0 : i32
      %dma_start3A_95 = tpu.memref_slice %arg8[%multiple_of3A_14, %dma_start3A_94] : memref<10112x128xf32, #tpu.memory_space<vmem_shared>> -> memref<120x128xf32, #tpu.memory_space<vmem_shared>>
      %dma_start3A_96 = arith.constant 0 : i32
      %dma_start3A_97 = arith.constant 0 : i32
      %dma_start3A_98 = tpu.memref_slice %arg7[%dma_start3A_96, %dma_start3A_97] : memref<128x128xf32, #tpu.memory_space<vmem>> -> memref<120x128xf32, #tpu.memory_space<vmem>>
      tpu.enqueue_dma source(%dma_start3A_98 : memref<120x128xf32, #tpu.memory_space<vmem>>) target(%dma_start3A_95 : memref<120x128xf32, #tpu.memory_space<vmem_shared>>) target_semaphore(%run_scoped3A : memref<!tpu.dma_semaphore, #tpu.memory_space<semaphore_mem>>)
      %dma_wait3A_99 = arith.constant 0 : i32
      %dma_wait3A_100 = arith.constant 0 : i32
      %dma_wait3A_101 = tpu.memref_slice %arg7[%dma_wait3A_99, %dma_wait3A_100] : memref<128x128xf32, #tpu.memory_space<vmem>> -> memref<120x128xf32, #tpu.memory_space<vmem>>
      %dma_wait3A_102 = arith.constant 0 : i32
      %dma_wait3A_103 = tpu.memref_slice %arg8[%multiple_of3A_14, %dma_wait3A_102] : memref<10112x128xf32, #tpu.memory_space<vmem_shared>> -> memref<120x128xf32, #tpu.memory_space<vmem_shared>>
      %dma_wait3A_104 = arith.constant 0 : i32
      %dma_wait3A_105 = tpu.memref_slice %arg8[%multiple_of3A_14, %dma_wait3A_104] : memref<10112x128xf32, #tpu.memory_space<vmem_shared>> -> memref<120x128xf32, #tpu.memory_space<vmem_shared>>
      %dma_wait3A_106 = arith.constant 0 : i32
      %dma_wait3A_107 = arith.constant 0 : i32
      %dma_wait3A_108 = tpu.memref_slice %arg7[%dma_wait3A_106, %dma_wait3A_107] : memref<128x128xf32, #tpu.memory_space<vmem>> -> memref<120x128xf32, #tpu.memory_space<vmem>>
      tpu.wait_dma2 semaphore(%run_scoped3A : memref<!tpu.dma_semaphore, #tpu.memory_space<semaphore_mem>>) src(%dma_wait3A_108 : memref<120x128xf32, #tpu.memory_space<vmem>>) dst(%dma_wait3A_105 : memref<120x128xf32, #tpu.memory_space<vmem_shared>>)
      tpu.yield
    }) : () -> ()
    "tpu.region"() ({
      %run_scoped3A = tpu.sem_alloc : memref<!tpu.dma_semaphore, #tpu.memory_space<semaphore_mem>>
      %dma_start3A_89 = arith.constant 0 : i32
      %dma_start3A_90 = arith.constant 0 : i32
      %dma_start3A_91 = tpu.memref_slice %arg4[%arg0, %arg1, %dma_start3A_89, %dma_start3A_90] : memref<2x16x160x128xi32, #tpu.memory_space<hbm>> -> memref<1x1x160x128xi32, #tpu.memory_space<hbm>>
      %dma_start3A_92 = tpu.memref_squeeze %dma_start3A_91 : memref<1x1x160x128xi32, #tpu.memory_space<hbm>> -> memref<160x128xi32, #tpu.memory_space<hbm>>
      %dma_start3A_93 = arith.constant 0 : i32
      %dma_start3A_94 = arith.constant 0 : i32
      %dma_start3A_95 = tpu.memref_slice %arg4[%arg0, %arg1, %dma_start3A_93, %dma_start3A_94] : memref<2x16x160x128xi32, #tpu.memory_space<hbm>> -> memref<1x1x160x128xi32, #tpu.memory_space<hbm>>
      %dma_start3A_96 = tpu.memref_squeeze %dma_start3A_95 : memref<1x1x160x128xi32, #tpu.memory_space<hbm>> -> memref<160x128xi32, #tpu.memory_space<hbm>>
      tpu.enqueue_dma source(%dma_start3A_96 : memref<160x128xi32, #tpu.memory_space<hbm>>) target(%arg6 : memref<160x128xi32, #tpu.memory_space<vmem>>) target_semaphore(%run_scoped3A : memref<!tpu.dma_semaphore, #tpu.memory_space<semaphore_mem>>)
      %dma_wait3A_97 = arith.constant 0 : i32
      %dma_wait3A_98 = arith.constant 0 : i32
      %dma_wait3A_99 = tpu.memref_slice %arg4[%arg0, %arg1, %dma_wait3A_97, %dma_wait3A_98] : memref<2x16x160x128xi32, #tpu.memory_space<hbm>> -> memref<1x1x160x128xi32, #tpu.memory_space<hbm>>
      %dma_wait3A_100 = tpu.memref_squeeze %dma_wait3A_99 : memref<1x1x160x128xi32, #tpu.memory_space<hbm>> -> memref<160x128xi32, #tpu.memory_space<hbm>>
      %dma_wait3A_101 = arith.constant 0 : i32
      %dma_wait3A_102 = arith.constant 0 : i32
      %dma_wait3A_103 = tpu.memref_slice %arg4[%arg0, %arg1, %dma_wait3A_101, %dma_wait3A_102] : memref<2x16x160x128xi32, #tpu.memory_space<hbm>> -> memref<1x1x160x128xi32, #tpu.memory_space<hbm>>
      %dma_wait3A_104 = tpu.memref_squeeze %dma_wait3A_103 : memref<1x1x160x128xi32, #tpu.memory_space<hbm>> -> memref<160x128xi32, #tpu.memory_space<hbm>>
      tpu.wait_dma2 semaphore(%run_scoped3A : memref<!tpu.dma_semaphore, #tpu.memory_space<semaphore_mem>>) src(%dma_wait3A_104 : memref<160x128xi32, #tpu.memory_space<hbm>>) dst(%arg6 : memref<160x128xi32, #tpu.memory_space<vmem>>)
      tpu.yield
    }) : () -> ()
    "tpu.region"() ({
      %run_scoped3A = tpu.sem_alloc : memref<!tpu.dma_semaphore, #tpu.memory_space<semaphore_mem>>
      tpu.enqueue_dma source(%arg3 : memref<128x128xf32, #tpu.memory_space<hbm>>) target(%arg7 : memref<128x128xf32, #tpu.memory_space<vmem>>) target_semaphore(%run_scoped3A : memref<!tpu.dma_semaphore, #tpu.memory_space<semaphore_mem>>)
      tpu.wait_dma2 semaphore(%run_scoped3A : memref<!tpu.dma_semaphore, #tpu.memory_space<semaphore_mem>>) src(%arg3 : memref<128x128xf32, #tpu.memory_space<hbm>>) dst(%arg7 : memref<128x128xf32, #tpu.memory_space<vmem>>)
      tpu.yield
    }) : () -> ()
    %barrier3A = arith.constant 0 : index
    tpu.barrier barrier_id(%barrier3A)
    %dma_start3A = arith.constant 0 : i32
    %dma_start3A_15 = arith.constant 0 : i32
    %dma_start3A_16 = tpu.memref_slice %arg6[%dma_start3A, %dma_start3A_15] : memref<160x128xi32, #tpu.memory_space<vmem>> -> memref<1x128xi32, #tpu.memory_space<vmem>>
    %dma_start3A_17 = tpu.memref_squeeze %dma_start3A_16 : memref<1x128xi32, #tpu.memory_space<vmem>> -> memref<128xi32, #tpu.memory_space<vmem>>
    %dma_start3A_18 = arith.constant 0 : i32
    %dma_start3A_19 = arith.constant 0 : i32
    %dma_start3A_20 = tpu.memref_slice %arg8[%dma_start3A_18, %dma_start3A_19] : memref<10112x128xf32, #tpu.memory_space<vmem_shared>> -> memref<10112x128xf32, #tpu.memory_space<vmem_shared>>
    tpu.enqueue_indirect_dma source(%arg7 : memref<128x128xf32, #tpu.memory_space<vmem>>) target(%dma_start3A_20 : memref<10112x128xf32, #tpu.memory_space<vmem_shared>>) offsets(%dma_start3A_17 : memref<128xi32, #tpu.memory_space<vmem>>) semaphore(%arg9 : memref<!tpu.dma_semaphore, #tpu.memory_space<semaphore_mem>>) {add = true}
    %dma_start3A_21 = arith.constant 1 : i32
    %dma_start3A_22 = arith.constant 0 : i32
    %dma_start3A_23 = tpu.memref_slice %arg6[%dma_start3A_21, %dma_start3A_22] : memref<160x128xi32, #tpu.memory_space<vmem>> -> memref<1x128xi32, #tpu.memory_space<vmem>>
    %dma_start3A_24 = tpu.memref_squeeze %dma_start3A_23 : memref<1x128xi32, #tpu.memory_space<vmem>> -> memref<128xi32, #tpu.memory_space<vmem>>
    %dma_start3A_25 = arith.constant 0 : i32
    %dma_start3A_26 = arith.constant 0 : i32
    %dma_start3A_27 = tpu.memref_slice %arg8[%dma_start3A_25, %dma_start3A_26] : memref<10112x128xf32, #tpu.memory_space<vmem_shared>> -> memref<10112x128xf32, #tpu.memory_space<vmem_shared>>
    tpu.enqueue_indirect_dma source(%arg7 : memref<128x128xf32, #tpu.memory_space<vmem>>) target(%dma_start3A_27 : memref<10112x128xf32, #tpu.memory_space<vmem_shared>>) offsets(%dma_start3A_24 : memref<128xi32, #tpu.memory_space<vmem>>) semaphore(%arg9 : memref<!tpu.dma_semaphore, #tpu.memory_space<semaphore_mem>>) {add = true}
    %dma_start3A_28 = arith.constant 2 : i32
    %dma_start3A_29 = arith.constant 0 : i32
    %dma_start3A_30 = tpu.memref_slice %arg6[%dma_start3A_28, %dma_start3A_29] : memref<160x128xi32, #tpu.memory_space<vmem>> -> memref<1x128xi32, #tpu.memory_space<vmem>>
    %dma_start3A_31 = tpu.memref_squeeze %dma_start3A_30 : memref<1x128xi32, #tpu.memory_space<vmem>> -> memref<128xi32, #tpu.memory_space<vmem>>
    %dma_start3A_32 = arith.constant 0 : i32
    %dma_start3A_33 = arith.constant 0 : i32
    %dma_start3A_34 = tpu.memref_slice %arg8[%dma_start3A_32, %dma_start3A_33] : memref<10112x128xf32, #tpu.memory_space<vmem_shared>> -> memref<10112x128xf32, #tpu.memory_space<vmem_shared>>
    tpu.enqueue_indirect_dma source(%arg7 : memref<128x128xf32, #tpu.memory_space<vmem>>) target(%dma_start3A_34 : memref<10112x128xf32, #tpu.memory_space<vmem_shared>>) offsets(%dma_start3A_31 : memref<128xi32, #tpu.memory_space<vmem>>) semaphore(%arg9 : memref<!tpu.dma_semaphore, #tpu.memory_space<semaphore_mem>>) {add = true}
    %dma_start3A_35 = arith.constant 3 : i32
    %dma_start3A_36 = arith.constant 0 : i32
    %dma_start3A_37 = tpu.memref_slice %arg6[%dma_start3A_35, %dma_start3A_36] : memref<160x128xi32, #tpu.memory_space<vmem>> -> memref<1x128xi32, #tpu.memory_space<vmem>>
    %dma_start3A_38 = tpu.memref_squeeze %dma_start3A_37 : memref<1x128xi32, #tpu.memory_space<vmem>> -> memref<128xi32, #tpu.memory_space<vmem>>
    %dma_start3A_39 = arith.constant 0 : i32
    %dma_start3A_40 = arith.constant 0 : i32
    %dma_start3A_41 = tpu.memref_slice %arg8[%dma_start3A_39, %dma_start3A_40] : memref<10112x128xf32, #tpu.memory_space<vmem_shared>> -> memref<10112x128xf32, #tpu.memory_space<vmem_shared>>
    tpu.enqueue_indirect_dma source(%arg7 : memref<128x128xf32, #tpu.memory_space<vmem>>) target(%dma_start3A_41 : memref<10112x128xf32, #tpu.memory_space<vmem_shared>>) offsets(%dma_start3A_38 : memref<128xi32, #tpu.memory_space<vmem>>) semaphore(%arg9 : memref<!tpu.dma_semaphore, #tpu.memory_space<semaphore_mem>>) {add = true}
    %scan3A = arith.constant 0 : i32
    %scan3A_42 = arith.constant 156 : i32
    %scan3A_43 = arith.addi %scan3A, %scan3A_42 : i32
    %scan3A_44 = arith.constant 1 : i32
    scf.for %scan3A_89 = %scan3A to %scan3A_43 step %scan3A_44  : i32 {
      %mul3A_90 = arith.constant 1 : i32
      %mul3A_91 = arith.muli %scan3A_89, %mul3A_90 : i32
      %add3A_92 = arith.constant 4 : i32
      %add3A_93 = arith.addi %add3A_92, %mul3A_91 : i32
      %sub3A = arith.constant 4 : i32
      %sub3A_94 = arith.subi %add3A_93, %sub3A : i32
      %dma_wait3A_95 = arith.constant 0 : i32
      %dma_wait3A_96 = tpu.memref_slice %arg6[%sub3A_94, %dma_wait3A_95] : memref<160x128xi32, #tpu.memory_space<vmem>> -> memref<1x128xi32, #tpu.memory_space<vmem>>
      %dma_wait3A_97 = tpu.memref_squeeze %dma_wait3A_96 : memref<1x128xi32, #tpu.memory_space<vmem>> -> memref<128xi32, #tpu.memory_space<vmem>>
      %dma_wait3A_98 = arith.constant 0 : i32
      %dma_wait3A_99 = arith.constant 0 : i32
      %dma_wait3A_100 = tpu.memref_slice %arg8[%dma_wait3A_98, %dma_wait3A_99] : memref<10112x128xf32, #tpu.memory_space<vmem_shared>> -> memref<10112x128xf32, #tpu.memory_space<vmem_shared>>
      tpu.wait_indirect_dma semaphore(%arg9 : memref<!tpu.dma_semaphore, #tpu.memory_space<semaphore_mem>>) src(%arg7 : memref<128x128xf32, #tpu.memory_space<vmem>>) dst(%dma_wait3A_100 : memref<10112x128xf32, #tpu.memory_space<vmem_shared>>)
      %dma_start3A_101 = arith.constant 0 : i32
      %dma_start3A_102 = tpu.memref_slice %arg6[%add3A_93, %dma_start3A_101] : memref<160x128xi32, #tpu.memory_space<vmem>> -> memref<1x128xi32, #tpu.memory_space<vmem>>
      %dma_start3A_103 = tpu.memref_squeeze %dma_start3A_102 : memref<1x128xi32, #tpu.memory_space<vmem>> -> memref<128xi32, #tpu.memory_space<vmem>>
      %dma_start3A_104 = arith.constant 0 : i32
      %dma_start3A_105 = arith.constant 0 : i32
      %dma_start3A_106 = tpu.memref_slice %arg8[%dma_start3A_104, %dma_start3A_105] : memref<10112x128xf32, #tpu.memory_space<vmem_shared>> -> memref<10112x128xf32, #tpu.memory_space<vmem_shared>>
      tpu.enqueue_indirect_dma source(%arg7 : memref<128x128xf32, #tpu.memory_space<vmem>>) target(%dma_start3A_106 : memref<10112x128xf32, #tpu.memory_space<vmem_shared>>) offsets(%dma_start3A_103 : memref<128xi32, #tpu.memory_space<vmem>>) semaphore(%arg9 : memref<!tpu.dma_semaphore, #tpu.memory_space<semaphore_mem>>) {add = true}
    }
    %scan3A_45 = arith.constant 156 : i32
    %dma_wait3A = arith.constant 156 : i32
    %dma_wait3A_46 = arith.constant 0 : i32
    %dma_wait3A_47 = tpu.memref_slice %arg6[%dma_wait3A, %dma_wait3A_46] : memref<160x128xi32, #tpu.memory_space<vmem>> -> memref<1x128xi32, #tpu.memory_space<vmem>>
    %dma_wait3A_48 = tpu.memref_squeeze %dma_wait3A_47 : memref<1x128xi32, #tpu.memory_space<vmem>> -> memref<128xi32, #tpu.memory_space<vmem>>
    %dma_wait3A_49 = arith.constant 0 : i32
    %dma_wait3A_50 = arith.constant 0 : i32
    %dma_wait3A_51 = tpu.memref_slice %arg8[%dma_wait3A_49, %dma_wait3A_50] : memref<10112x128xf32, #tpu.memory_space<vmem_shared>> -> memref<10112x128xf32, #tpu.memory_space<vmem_shared>>
    tpu.wait_indirect_dma semaphore(%arg9 : memref<!tpu.dma_semaphore, #tpu.memory_space<semaphore_mem>>) src(%arg7 : memref<128x128xf32, #tpu.memory_space<vmem>>) dst(%dma_wait3A_51 : memref<10112x128xf32, #tpu.memory_space<vmem_shared>>)
    %dma_wait3A_52 = arith.constant 157 : i32
    %dma_wait3A_53 = arith.constant 0 : i32
    %dma_wait3A_54 = tpu.memref_slice %arg6[%dma_wait3A_52, %dma_wait3A_53] : memref<160x128xi32, #tpu.memory_space<vmem>> -> memref<1x128xi32, #tpu.memory_space<vmem>>
    %dma_wait3A_55 = tpu.memref_squeeze %dma_wait3A_54 : memref<1x128xi32, #tpu.memory_space<vmem>> -> memref<128xi32, #tpu.memory_space<vmem>>
    %dma_wait3A_56 = arith.constant 0 : i32
    %dma_wait3A_57 = arith.constant 0 : i32
    %dma_wait3A_58 = tpu.memref_slice %arg8[%dma_wait3A_56, %dma_wait3A_57] : memref<10112x128xf32, #tpu.memory_space<vmem_shared>> -> memref<10112x128xf32, #tpu.memory_space<vmem_shared>>
    tpu.wait_indirect_dma semaphore(%arg9 : memref<!tpu.dma_semaphore, #tpu.memory_space<semaphore_mem>>) src(%arg7 : memref<128x128xf32, #tpu.memory_space<vmem>>) dst(%dma_wait3A_58 : memref<10112x128xf32, #tpu.memory_space<vmem_shared>>)
    %dma_wait3A_59 = arith.constant 158 : i32
    %dma_wait3A_60 = arith.constant 0 : i32
    %dma_wait3A_61 = tpu.memref_slice %arg6[%dma_wait3A_59, %dma_wait3A_60] : memref<160x128xi32, #tpu.memory_space<vmem>> -> memref<1x128xi32, #tpu.memory_space<vmem>>
    %dma_wait3A_62 = tpu.memref_squeeze %dma_wait3A_61 : memref<1x128xi32, #tpu.memory_space<vmem>> -> memref<128xi32, #tpu.memory_space<vmem>>
    %dma_wait3A_63 = arith.constant 0 : i32
    %dma_wait3A_64 = arith.constant 0 : i32
    %dma_wait3A_65 = tpu.memref_slice %arg8[%dma_wait3A_63, %dma_wait3A_64] : memref<10112x128xf32, #tpu.memory_space<vmem_shared>> -> memref<10112x128xf32, #tpu.memory_space<vmem_shared>>
    tpu.wait_indirect_dma semaphore(%arg9 : memref<!tpu.dma_semaphore, #tpu.memory_space<semaphore_mem>>) src(%arg7 : memref<128x128xf32, #tpu.memory_space<vmem>>) dst(%dma_wait3A_65 : memref<10112x128xf32, #tpu.memory_space<vmem_shared>>)
    %dma_wait3A_66 = arith.constant 159 : i32
    %dma_wait3A_67 = arith.constant 0 : i32
    %dma_wait3A_68 = tpu.memref_slice %arg6[%dma_wait3A_66, %dma_wait3A_67] : memref<160x128xi32, #tpu.memory_space<vmem>> -> memref<1x128xi32, #tpu.memory_space<vmem>>
    %dma_wait3A_69 = tpu.memref_squeeze %dma_wait3A_68 : memref<1x128xi32, #tpu.memory_space<vmem>> -> memref<128xi32, #tpu.memory_space<vmem>>
    %dma_wait3A_70 = arith.constant 0 : i32
    %dma_wait3A_71 = arith.constant 0 : i32
    %dma_wait3A_72 = tpu.memref_slice %arg8[%dma_wait3A_70, %dma_wait3A_71] : memref<10112x128xf32, #tpu.memory_space<vmem_shared>> -> memref<10112x128xf32, #tpu.memory_space<vmem_shared>>
    tpu.wait_indirect_dma semaphore(%arg9 : memref<!tpu.dma_semaphore, #tpu.memory_space<semaphore_mem>>) src(%arg7 : memref<128x128xf32, #tpu.memory_space<vmem>>) dst(%dma_wait3A_72 : memref<10112x128xf32, #tpu.memory_space<vmem_shared>>)
    %barrier3A_73 = arith.constant 0 : index
    tpu.barrier barrier_id(%barrier3A_73)
    %add3A_74 = arith.constant 0 : i32
    %add3A_75 = arith.addi %multiple_of3A, %add3A_74 : i32
    %multiple_of3A_76 = tpu.assume_multiple %add3A_75, 8 : i32
    "tpu.region"() ({
      %run_scoped3A = tpu.sem_alloc : memref<!tpu.dma_semaphore, #tpu.memory_space<semaphore_mem>>
      %dma_start3A_89 = arith.constant 0 : i32
      %dma_start3A_90 = arith.constant 0 : i32
      %dma_start3A_91 = tpu.memref_slice %arg7[%dma_start3A_89, %dma_start3A_90] : memref<128x128xf32, #tpu.memory_space<vmem>> -> memref<128x128xf32, #tpu.memory_space<vmem>>
      %dma_start3A_92 = arith.constant 0 : i32
      %dma_start3A_93 = tpu.memref_slice %arg8[%multiple_of3A_76, %dma_start3A_92] : memref<10112x128xf32, #tpu.memory_space<vmem_shared>> -> memref<128x128xf32, #tpu.memory_space<vmem_shared>>
      %dma_start3A_94 = arith.constant 0 : i32
      %dma_start3A_95 = arith.constant 0 : i32
      %dma_start3A_96 = tpu.memref_slice %arg7[%dma_start3A_94, %dma_start3A_95] : memref<128x128xf32, #tpu.memory_space<vmem>> -> memref<128x128xf32, #tpu.memory_space<vmem>>
      %dma_start3A_97 = arith.constant 0 : i32
      %dma_start3A_98 = tpu.memref_slice %arg8[%multiple_of3A_76, %dma_start3A_97] : memref<10112x128xf32, #tpu.memory_space<vmem_shared>> -> memref<128x128xf32, #tpu.memory_space<vmem_shared>>
      tpu.enqueue_dma source(%dma_start3A_98 : memref<128x128xf32, #tpu.memory_space<vmem_shared>>) target(%dma_start3A_96 : memref<128x128xf32, #tpu.memory_space<vmem>>) target_semaphore(%run_scoped3A : memref<!tpu.dma_semaphore, #tpu.memory_space<semaphore_mem>>)
      %dma_wait3A_99 = arith.constant 0 : i32
      %dma_wait3A_100 = arith.constant 0 : i32
      %dma_wait3A_101 = tpu.memref_slice %arg7[%dma_wait3A_99, %dma_wait3A_100] : memref<128x128xf32, #tpu.memory_space<vmem>> -> memref<128x128xf32, #tpu.memory_space<vmem>>
      %dma_wait3A_102 = arith.constant 0 : i32
      %dma_wait3A_103 = tpu.memref_slice %arg8[%multiple_of3A_76, %dma_wait3A_102] : memref<10112x128xf32, #tpu.memory_space<vmem_shared>> -> memref<128x128xf32, #tpu.memory_space<vmem_shared>>
      %dma_wait3A_104 = arith.constant 0 : i32
      %dma_wait3A_105 = arith.constant 0 : i32
      %dma_wait3A_106 = tpu.memref_slice %arg7[%dma_wait3A_104, %dma_wait3A_105] : memref<128x128xf32, #tpu.memory_space<vmem>> -> memref<128x128xf32, #tpu.memory_space<vmem>>
      %dma_wait3A_107 = arith.constant 0 : i32
      %dma_wait3A_108 = tpu.memref_slice %arg8[%multiple_of3A_76, %dma_wait3A_107] : memref<10112x128xf32, #tpu.memory_space<vmem_shared>> -> memref<128x128xf32, #tpu.memory_space<vmem_shared>>
      tpu.wait_dma2 semaphore(%run_scoped3A : memref<!tpu.dma_semaphore, #tpu.memory_space<semaphore_mem>>) src(%dma_wait3A_108 : memref<128x128xf32, #tpu.memory_space<vmem_shared>>) dst(%dma_wait3A_106 : memref<128x128xf32, #tpu.memory_space<vmem>>)
      tpu.yield
    }) : () -> ()
    "tpu.region"() ({
      %run_scoped3A = tpu.sem_alloc : memref<!tpu.dma_semaphore, #tpu.memory_space<semaphore_mem>>
      %dma_start3A_89 = arith.constant 0 : i32
      %dma_start3A_90 = arith.constant 0 : i32
      %dma_start3A_91 = tpu.memref_slice %arg7[%dma_start3A_89, %dma_start3A_90] : memref<128x128xf32, #tpu.memory_space<vmem>> -> memref<128x128xf32, #tpu.memory_space<vmem>>
      %dma_start3A_92 = arith.constant 0 : i32
      %dma_start3A_93 = tpu.memref_slice %arg5[%arg0, %multiple_of3A_76, %dma_start3A_92] : memref<2x10112x128xf32, #tpu.memory_space<hbm>> -> memref<1x128x128xf32, #tpu.memory_space<hbm>>
      %dma_start3A_94 = tpu.memref_squeeze %dma_start3A_93 : memref<1x128x128xf32, #tpu.memory_space<hbm>> -> memref<128x128xf32, #tpu.memory_space<hbm>>
      %dma_start3A_95 = arith.constant 0 : i32
      %dma_start3A_96 = tpu.memref_slice %arg5[%arg0, %multiple_of3A_76, %dma_start3A_95] : memref<2x10112x128xf32, #tpu.memory_space<hbm>> -> memref<1x128x128xf32, #tpu.memory_space<hbm>>
      %dma_start3A_97 = tpu.memref_squeeze %dma_start3A_96 : memref<1x128x128xf32, #tpu.memory_space<hbm>> -> memref<128x128xf32, #tpu.memory_space<hbm>>
      %dma_start3A_98 = arith.constant 0 : i32
      %dma_start3A_99 = arith.constant 0 : i32
      %dma_start3A_100 = tpu.memref_slice %arg7[%dma_start3A_98, %dma_start3A_99] : memref<128x128xf32, #tpu.memory_space<vmem>> -> memref<128x128xf32, #tpu.memory_space<vmem>>
      tpu.enqueue_dma source(%dma_start3A_100 : memref<128x128xf32, #tpu.memory_space<vmem>>) target(%dma_start3A_97 : memref<128x128xf32, #tpu.memory_space<hbm>>) target_semaphore(%run_scoped3A : memref<!tpu.dma_semaphore, #tpu.memory_space<semaphore_mem>>)
      %dma_wait3A_101 = arith.constant 0 : i32
      %dma_wait3A_102 = arith.constant 0 : i32
      %dma_wait3A_103 = tpu.memref_slice %arg7[%dma_wait3A_101, %dma_wait3A_102] : memref<128x128xf32, #tpu.memory_space<vmem>> -> memref<128x128xf32, #tpu.memory_space<vmem>>
      %dma_wait3A_104 = arith.constant 0 : i32
      %dma_wait3A_105 = tpu.memref_slice %arg5[%arg0, %multiple_of3A_76, %dma_wait3A_104] : memref<2x10112x128xf32, #tpu.memory_space<hbm>> -> memref<1x128x128xf32, #tpu.memory_space<hbm>>
      %dma_wait3A_106 = tpu.memref_squeeze %dma_wait3A_105 : memref<1x128x128xf32, #tpu.memory_space<hbm>> -> memref<128x128xf32, #tpu.memory_space<hbm>>
      %dma_wait3A_107 = arith.constant 0 : i32
      %dma_wait3A_108 = tpu.memref_slice %arg5[%arg0, %multiple_of3A_76, %dma_wait3A_107] : memref<2x10112x128xf32, #tpu.memory_space<hbm>> -> memref<1x128x128xf32, #tpu.memory_space<hbm>>
      %dma_wait3A_109 = tpu.memref_squeeze %dma_wait3A_108 : memref<1x128x128xf32, #tpu.memory_space<hbm>> -> memref<128x128xf32, #tpu.memory_space<hbm>>
      %dma_wait3A_110 = arith.constant 0 : i32
      %dma_wait3A_111 = arith.constant 0 : i32
      %dma_wait3A_112 = tpu.memref_slice %arg7[%dma_wait3A_110, %dma_wait3A_111] : memref<128x128xf32, #tpu.memory_space<vmem>> -> memref<128x128xf32, #tpu.memory_space<vmem>>
      tpu.wait_dma2 semaphore(%run_scoped3A : memref<!tpu.dma_semaphore, #tpu.memory_space<semaphore_mem>>) src(%dma_wait3A_112 : memref<128x128xf32, #tpu.memory_space<vmem>>) dst(%dma_wait3A_109 : memref<128x128xf32, #tpu.memory_space<hbm>>)
      tpu.yield
    }) : () -> ()
    %add3A_77 = arith.constant 128 : i32
    %add3A_78 = arith.addi %multiple_of3A, %add3A_77 : i32
    %multiple_of3A_79 = tpu.assume_multiple %add3A_78, 8 : i32
    "tpu.region"() ({
      %run_scoped3A = tpu.sem_alloc : memref<!tpu.dma_semaphore, #tpu.memory_space<semaphore_mem>>
      %dma_start3A_89 = arith.constant 0 : i32
      %dma_start3A_90 = arith.constant 0 : i32
      %dma_start3A_91 = tpu.memref_slice %arg7[%dma_start3A_89, %dma_start3A_90] : memref<128x128xf32, #tpu.memory_space<vmem>> -> memref<128x128xf32, #tpu.memory_space<vmem>>
      %dma_start3A_92 = arith.constant 0 : i32
      %dma_start3A_93 = tpu.memref_slice %arg8[%multiple_of3A_79, %dma_start3A_92] : memref<10112x128xf32, #tpu.memory_space<vmem_shared>> -> memref<128x128xf32, #tpu.memory_space<vmem_shared>>
      %dma_start3A_94 = arith.constant 0 : i32
      %dma_start3A_95 = arith.constant 0 : i32
      %dma_start3A_96 = tpu.memref_slice %arg7[%dma_start3A_94, %dma_start3A_95] : memref<128x128xf32, #tpu.memory_space<vmem>> -> memref<128x128xf32, #tpu.memory_space<vmem>>
      %dma_start3A_97 = arith.constant 0 : i32
      %dma_start3A_98 = tpu.memref_slice %arg8[%multiple_of3A_79, %dma_start3A_97] : memref<10112x128xf32, #tpu.memory_space<vmem_shared>> -> memref<128x128xf32, #tpu.memory_space<vmem_shared>>
      tpu.enqueue_dma source(%dma_start3A_98 : memref<128x128xf32, #tpu.memory_space<vmem_shared>>) target(%dma_start3A_96 : memref<128x128xf32, #tpu.memory_space<vmem>>) target_semaphore(%run_scoped3A : memref<!tpu.dma_semaphore, #tpu.memory_space<semaphore_mem>>)
      %dma_wait3A_99 = arith.constant 0 : i32
      %dma_wait3A_100 = arith.constant 0 : i32
      %dma_wait3A_101 = tpu.memref_slice %arg7[%dma_wait3A_99, %dma_wait3A_100] : memref<128x128xf32, #tpu.memory_space<vmem>> -> memref<128x128xf32, #tpu.memory_space<vmem>>
      %dma_wait3A_102 = arith.constant 0 : i32
      %dma_wait3A_103 = tpu.memref_slice %arg8[%multiple_of3A_79, %dma_wait3A_102] : memref<10112x128xf32, #tpu.memory_space<vmem_shared>> -> memref<128x128xf32, #tpu.memory_space<vmem_shared>>
      %dma_wait3A_104 = arith.constant 0 : i32
      %dma_wait3A_105 = arith.constant 0 : i32
      %dma_wait3A_106 = tpu.memref_slice %arg7[%dma_wait3A_104, %dma_wait3A_105] : memref<128x128xf32, #tpu.memory_space<vmem>> -> memref<128x128xf32, #tpu.memory_space<vmem>>
      %dma_wait3A_107 = arith.constant 0 : i32
      %dma_wait3A_108 = tpu.memref_slice %arg8[%multiple_of3A_79, %dma_wait3A_107] : memref<10112x128xf32, #tpu.memory_space<vmem_shared>> -> memref<128x128xf32, #tpu.memory_space<vmem_shared>>
      tpu.wait_dma2 semaphore(%run_scoped3A : memref<!tpu.dma_semaphore, #tpu.memory_space<semaphore_mem>>) src(%dma_wait3A_108 : memref<128x128xf32, #tpu.memory_space<vmem_shared>>) dst(%dma_wait3A_106 : memref<128x128xf32, #tpu.memory_space<vmem>>)
      tpu.yield
    }) : () -> ()
    "tpu.region"() ({
      %run_scoped3A = tpu.sem_alloc : memref<!tpu.dma_semaphore, #tpu.memory_space<semaphore_mem>>
      %dma_start3A_89 = arith.constant 0 : i32
      %dma_start3A_90 = arith.constant 0 : i32
      %dma_start3A_91 = tpu.memref_slice %arg7[%dma_start3A_89, %dma_start3A_90] : memref<128x128xf32, #tpu.memory_space<vmem>> -> memref<128x128xf32, #tpu.memory_space<vmem>>
      %dma_start3A_92 = arith.constant 0 : i32
      %dma_start3A_93 = tpu.memref_slice %arg5[%arg0, %multiple_of3A_79, %dma_start3A_92] : memref<2x10112x128xf32, #tpu.memory_space<hbm>> -> memref<1x128x128xf32, #tpu.memory_space<hbm>>
      %dma_start3A_94 = tpu.memref_squeeze %dma_start3A_93 : memref<1x128x128xf32, #tpu.memory_space<hbm>> -> memref<128x128xf32, #tpu.memory_space<hbm>>
      %dma_start3A_95 = arith.constant 0 : i32
      %dma_start3A_96 = tpu.memref_slice %arg5[%arg0, %multiple_of3A_79, %dma_start3A_95] : memref<2x10112x128xf32, #tpu.memory_space<hbm>> -> memref<1x128x128xf32, #tpu.memory_space<hbm>>
      %dma_start3A_97 = tpu.memref_squeeze %dma_start3A_96 : memref<1x128x128xf32, #tpu.memory_space<hbm>> -> memref<128x128xf32, #tpu.memory_space<hbm>>
      %dma_start3A_98 = arith.constant 0 : i32
      %dma_start3A_99 = arith.constant 0 : i32
      %dma_start3A_100 = tpu.memref_slice %arg7[%dma_start3A_98, %dma_start3A_99] : memref<128x128xf32, #tpu.memory_space<vmem>> -> memref<128x128xf32, #tpu.memory_space<vmem>>
      tpu.enqueue_dma source(%dma_start3A_100 : memref<128x128xf32, #tpu.memory_space<vmem>>) target(%dma_start3A_97 : memref<128x128xf32, #tpu.memory_space<hbm>>) target_semaphore(%run_scoped3A : memref<!tpu.dma_semaphore, #tpu.memory_space<semaphore_mem>>)
      %dma_wait3A_101 = arith.constant 0 : i32
      %dma_wait3A_102 = arith.constant 0 : i32
      %dma_wait3A_103 = tpu.memref_slice %arg7[%dma_wait3A_101, %dma_wait3A_102] : memref<128x128xf32, #tpu.memory_space<vmem>> -> memref<128x128xf32, #tpu.memory_space<vmem>>
      %dma_wait3A_104 = arith.constant 0 : i32
      %dma_wait3A_105 = tpu.memref_slice %arg5[%arg0, %multiple_of3A_79, %dma_wait3A_104] : memref<2x10112x128xf32, #tpu.memory_space<hbm>> -> memref<1x128x128xf32, #tpu.memory_space<hbm>>
      %dma_wait3A_106 = tpu.memref_squeeze %dma_wait3A_105 : memref<1x128x128xf32, #tpu.memory_space<hbm>> -> memref<128x128xf32, #tpu.memory_space<hbm>>
      %dma_wait3A_107 = arith.constant 0 : i32
      %dma_wait3A_108 = tpu.memref_slice %arg5[%arg0, %multiple_of3A_79, %dma_wait3A_107] : memref<2x10112x128xf32, #tpu.memory_space<hbm>> -> memref<1x128x128xf32, #tpu.memory_space<hbm>>
      %dma_wait3A_109 = tpu.memref_squeeze %dma_wait3A_108 : memref<1x128x128xf32, #tpu.memory_space<hbm>> -> memref<128x128xf32, #tpu.memory_space<hbm>>
      %dma_wait3A_110 = arith.constant 0 : i32
      %dma_wait3A_111 = arith.constant 0 : i32
      %dma_wait3A_112 = tpu.memref_slice %arg7[%dma_wait3A_110, %dma_wait3A_111] : memref<128x128xf32, #tpu.memory_space<vmem>> -> memref<128x128xf32, #tpu.memory_space<vmem>>
      tpu.wait_dma2 semaphore(%run_scoped3A : memref<!tpu.dma_semaphore, #tpu.memory_space<semaphore_mem>>) src(%dma_wait3A_112 : memref<128x128xf32, #tpu.memory_space<vmem>>) dst(%dma_wait3A_109 : memref<128x128xf32, #tpu.memory_space<hbm>>)
      tpu.yield
    }) : () -> ()
    %add3A_80 = arith.constant 256 : i32
    %add3A_81 = arith.addi %multiple_of3A, %add3A_80 : i32
    %multiple_of3A_82 = tpu.assume_multiple %add3A_81, 8 : i32
    "tpu.region"() ({
      %run_scoped3A = tpu.sem_alloc : memref<!tpu.dma_semaphore, #tpu.memory_space<semaphore_mem>>
      %dma_start3A_89 = arith.constant 0 : i32
      %dma_start3A_90 = arith.constant 0 : i32
      %dma_start3A_91 = tpu.memref_slice %arg7[%dma_start3A_89, %dma_start3A_90] : memref<128x128xf32, #tpu.memory_space<vmem>> -> memref<128x128xf32, #tpu.memory_space<vmem>>
      %dma_start3A_92 = arith.constant 0 : i32
      %dma_start3A_93 = tpu.memref_slice %arg8[%multiple_of3A_82, %dma_start3A_92] : memref<10112x128xf32, #tpu.memory_space<vmem_shared>> -> memref<128x128xf32, #tpu.memory_space<vmem_shared>>
      %dma_start3A_94 = arith.constant 0 : i32
      %dma_start3A_95 = arith.constant 0 : i32
      %dma_start3A_96 = tpu.memref_slice %arg7[%dma_start3A_94, %dma_start3A_95] : memref<128x128xf32, #tpu.memory_space<vmem>> -> memref<128x128xf32, #tpu.memory_space<vmem>>
      %dma_start3A_97 = arith.constant 0 : i32
      %dma_start3A_98 = tpu.memref_slice %arg8[%multiple_of3A_82, %dma_start3A_97] : memref<10112x128xf32, #tpu.memory_space<vmem_shared>> -> memref<128x128xf32, #tpu.memory_space<vmem_shared>>
      tpu.enqueue_dma source(%dma_start3A_98 : memref<128x128xf32, #tpu.memory_space<vmem_shared>>) target(%dma_start3A_96 : memref<128x128xf32, #tpu.memory_space<vmem>>) target_semaphore(%run_scoped3A : memref<!tpu.dma_semaphore, #tpu.memory_space<semaphore_mem>>)
      %dma_wait3A_99 = arith.constant 0 : i32
      %dma_wait3A_100 = arith.constant 0 : i32
      %dma_wait3A_101 = tpu.memref_slice %arg7[%dma_wait3A_99, %dma_wait3A_100] : memref<128x128xf32, #tpu.memory_space<vmem>> -> memref<128x128xf32, #tpu.memory_space<vmem>>
      %dma_wait3A_102 = arith.constant 0 : i32
      %dma_wait3A_103 = tpu.memref_slice %arg8[%multiple_of3A_82, %dma_wait3A_102] : memref<10112x128xf32, #tpu.memory_space<vmem_shared>> -> memref<128x128xf32, #tpu.memory_space<vmem_shared>>
      %dma_wait3A_104 = arith.constant 0 : i32
      %dma_wait3A_105 = arith.constant 0 : i32
      %dma_wait3A_106 = tpu.memref_slice %arg7[%dma_wait3A_104, %dma_wait3A_105] : memref<128x128xf32, #tpu.memory_space<vmem>> -> memref<128x128xf32, #tpu.memory_space<vmem>>
      %dma_wait3A_107 = arith.constant 0 : i32
      %dma_wait3A_108 = tpu.memref_slice %arg8[%multiple_of3A_82, %dma_wait3A_107] : memref<10112x128xf32, #tpu.memory_space<vmem_shared>> -> memref<128x128xf32, #tpu.memory_space<vmem_shared>>
      tpu.wait_dma2 semaphore(%run_scoped3A : memref<!tpu.dma_semaphore, #tpu.memory_space<semaphore_mem>>) src(%dma_wait3A_108 : memref<128x128xf32, #tpu.memory_space<vmem_shared>>) dst(%dma_wait3A_106 : memref<128x128xf32, #tpu.memory_space<vmem>>)
      tpu.yield
    }) : () -> ()
    "tpu.region"() ({
      %run_scoped3A = tpu.sem_alloc : memref<!tpu.dma_semaphore, #tpu.memory_space<semaphore_mem>>
      %dma_start3A_89 = arith.constant 0 : i32
      %dma_start3A_90 = arith.constant 0 : i32
      %dma_start3A_91 = tpu.memref_slice %arg7[%dma_start3A_89, %dma_start3A_90] : memref<128x128xf32, #tpu.memory_space<vmem>> -> memref<128x128xf32, #tpu.memory_space<vmem>>
      %dma_start3A_92 = arith.constant 0 : i32
      %dma_start3A_93 = tpu.memref_slice %arg5[%arg0, %multiple_of3A_82, %dma_start3A_92] : memref<2x10112x128xf32, #tpu.memory_space<hbm>> -> memref<1x128x128xf32, #tpu.memory_space<hbm>>
      %dma_start3A_94 = tpu.memref_squeeze %dma_start3A_93 : memref<1x128x128xf32, #tpu.memory_space<hbm>> -> memref<128x128xf32, #tpu.memory_space<hbm>>
      %dma_start3A_95 = arith.constant 0 : i32
      %dma_start3A_96 = tpu.memref_slice %arg5[%arg0, %multiple_of3A_82, %dma_start3A_95] : memref<2x10112x128xf32, #tpu.memory_space<hbm>> -> memref<1x128x128xf32, #tpu.memory_space<hbm>>
      %dma_start3A_97 = tpu.memref_squeeze %dma_start3A_96 : memref<1x128x128xf32, #tpu.memory_space<hbm>> -> memref<128x128xf32, #tpu.memory_space<hbm>>
      %dma_start3A_98 = arith.constant 0 : i32
      %dma_start3A_99 = arith.constant 0 : i32
      %dma_start3A_100 = tpu.memref_slice %arg7[%dma_start3A_98, %dma_start3A_99] : memref<128x128xf32, #tpu.memory_space<vmem>> -> memref<128x128xf32, #tpu.memory_space<vmem>>
      tpu.enqueue_dma source(%dma_start3A_100 : memref<128x128xf32, #tpu.memory_space<vmem>>) target(%dma_start3A_97 : memref<128x128xf32, #tpu.memory_space<hbm>>) target_semaphore(%run_scoped3A : memref<!tpu.dma_semaphore, #tpu.memory_space<semaphore_mem>>)
      %dma_wait3A_101 = arith.constant 0 : i32
      %dma_wait3A_102 = arith.constant 0 : i32
      %dma_wait3A_103 = tpu.memref_slice %arg7[%dma_wait3A_101, %dma_wait3A_102] : memref<128x128xf32, #tpu.memory_space<vmem>> -> memref<128x128xf32, #tpu.memory_space<vmem>>
      %dma_wait3A_104 = arith.constant 0 : i32
      %dma_wait3A_105 = tpu.memref_slice %arg5[%arg0, %multiple_of3A_82, %dma_wait3A_104] : memref<2x10112x128xf32, #tpu.memory_space<hbm>> -> memref<1x128x128xf32, #tpu.memory_space<hbm>>
      %dma_wait3A_106 = tpu.memref_squeeze %dma_wait3A_105 : memref<1x128x128xf32, #tpu.memory_space<hbm>> -> memref<128x128xf32, #tpu.memory_space<hbm>>
      %dma_wait3A_107 = arith.constant 0 : i32
      %dma_wait3A_108 = tpu.memref_slice %arg5[%arg0, %multiple_of3A_82, %dma_wait3A_107] : memref<2x10112x128xf32, #tpu.memory_space<hbm>> -> memref<1x128x128xf32, #tpu.memory_space<hbm>>
      %dma_wait3A_109 = tpu.memref_squeeze %dma_wait3A_108 : memref<1x128x128xf32, #tpu.memory_space<hbm>> -> memref<128x128xf32, #tpu.memory_space<hbm>>
      %dma_wait3A_110 = arith.constant 0 : i32
      %dma_wait3A_111 = arith.constant 0 : i32
      %dma_wait3A_112 = tpu.memref_slice %arg7[%dma_wait3A_110, %dma_wait3A_111] : memref<128x128xf32, #tpu.memory_space<vmem>> -> memref<128x128xf32, #tpu.memory_space<vmem>>
      tpu.wait_dma2 semaphore(%run_scoped3A : memref<!tpu.dma_semaphore, #tpu.memory_space<semaphore_mem>>) src(%dma_wait3A_112 : memref<128x128xf32, #tpu.memory_space<vmem>>) dst(%dma_wait3A_109 : memref<128x128xf32, #tpu.memory_space<hbm>>)
      tpu.yield
    }) : () -> ()
    %add3A_83 = arith.constant 384 : i32
    %add3A_84 = arith.addi %multiple_of3A, %add3A_83 : i32
    %multiple_of3A_85 = tpu.assume_multiple %add3A_84, 8 : i32
    "tpu.region"() ({
      %run_scoped3A = tpu.sem_alloc : memref<!tpu.dma_semaphore, #tpu.memory_space<semaphore_mem>>
      %dma_start3A_89 = arith.constant 0 : i32
      %dma_start3A_90 = arith.constant 0 : i32
      %dma_start3A_91 = tpu.memref_slice %arg7[%dma_start3A_89, %dma_start3A_90] : memref<128x128xf32, #tpu.memory_space<vmem>> -> memref<128x128xf32, #tpu.memory_space<vmem>>
      %dma_start3A_92 = arith.constant 0 : i32
      %dma_start3A_93 = tpu.memref_slice %arg8[%multiple_of3A_85, %dma_start3A_92] : memref<10112x128xf32, #tpu.memory_space<vmem_shared>> -> memref<128x128xf32, #tpu.memory_space<vmem_shared>>
      %dma_start3A_94 = arith.constant 0 : i32
      %dma_start3A_95 = arith.constant 0 : i32
      %dma_start3A_96 = tpu.memref_slice %arg7[%dma_start3A_94, %dma_start3A_95] : memref<128x128xf32, #tpu.memory_space<vmem>> -> memref<128x128xf32, #tpu.memory_space<vmem>>
      %dma_start3A_97 = arith.constant 0 : i32
      %dma_start3A_98 = tpu.memref_slice %arg8[%multiple_of3A_85, %dma_start3A_97] : memref<10112x128xf32, #tpu.memory_space<vmem_shared>> -> memref<128x128xf32, #tpu.memory_space<vmem_shared>>
      tpu.enqueue_dma source(%dma_start3A_98 : memref<128x128xf32, #tpu.memory_space<vmem_shared>>) target(%dma_start3A_96 : memref<128x128xf32, #tpu.memory_space<vmem>>) target_semaphore(%run_scoped3A : memref<!tpu.dma_semaphore, #tpu.memory_space<semaphore_mem>>)
      %dma_wait3A_99 = arith.constant 0 : i32
      %dma_wait3A_100 = arith.constant 0 : i32
      %dma_wait3A_101 = tpu.memref_slice %arg7[%dma_wait3A_99, %dma_wait3A_100] : memref<128x128xf32, #tpu.memory_space<vmem>> -> memref<128x128xf32, #tpu.memory_space<vmem>>
      %dma_wait3A_102 = arith.constant 0 : i32
      %dma_wait3A_103 = tpu.memref_slice %arg8[%multiple_of3A_85, %dma_wait3A_102] : memref<10112x128xf32, #tpu.memory_space<vmem_shared>> -> memref<128x128xf32, #tpu.memory_space<vmem_shared>>
      %dma_wait3A_104 = arith.constant 0 : i32
      %dma_wait3A_105 = arith.constant 0 : i32
      %dma_wait3A_106 = tpu.memref_slice %arg7[%dma_wait3A_104, %dma_wait3A_105] : memref<128x128xf32, #tpu.memory_space<vmem>> -> memref<128x128xf32, #tpu.memory_space<vmem>>
      %dma_wait3A_107 = arith.constant 0 : i32
      %dma_wait3A_108 = tpu.memref_slice %arg8[%multiple_of3A_85, %dma_wait3A_107] : memref<10112x128xf32, #tpu.memory_space<vmem_shared>> -> memref<128x128xf32, #tpu.memory_space<vmem_shared>>
      tpu.wait_dma2 semaphore(%run_scoped3A : memref<!tpu.dma_semaphore, #tpu.memory_space<semaphore_mem>>) src(%dma_wait3A_108 : memref<128x128xf32, #tpu.memory_space<vmem_shared>>) dst(%dma_wait3A_106 : memref<128x128xf32, #tpu.memory_space<vmem>>)
      tpu.yield
    }) : () -> ()
    "tpu.region"() ({
      %run_scoped3A = tpu.sem_alloc : memref<!tpu.dma_semaphore, #tpu.memory_space<semaphore_mem>>
      %dma_start3A_89 = arith.constant 0 : i32
      %dma_start3A_90 = arith.constant 0 : i32
      %dma_start3A_91 = tpu.memref_slice %arg7[%dma_start3A_89, %dma_start3A_90] : memref<128x128xf32, #tpu.memory_space<vmem>> -> memref<128x128xf32, #tpu.memory_space<vmem>>
      %dma_start3A_92 = arith.constant 0 : i32
      %dma_start3A_93 = tpu.memref_slice %arg5[%arg0, %multiple_of3A_85, %dma_start3A_92] : memref<2x10112x128xf32, #tpu.memory_space<hbm>> -> memref<1x128x128xf32, #tpu.memory_space<hbm>>
      %dma_start3A_94 = tpu.memref_squeeze %dma_start3A_93 : memref<1x128x128xf32, #tpu.memory_space<hbm>> -> memref<128x128xf32, #tpu.memory_space<hbm>>
      %dma_start3A_95 = arith.constant 0 : i32
      %dma_start3A_96 = tpu.memref_slice %arg5[%arg0, %multiple_of3A_85, %dma_start3A_95] : memref<2x10112x128xf32, #tpu.memory_space<hbm>> -> memref<1x128x128xf32, #tpu.memory_space<hbm>>
      %dma_start3A_97 = tpu.memref_squeeze %dma_start3A_96 : memref<1x128x128xf32, #tpu.memory_space<hbm>> -> memref<128x128xf32, #tpu.memory_space<hbm>>
      %dma_start3A_98 = arith.constant 0 : i32
      %dma_start3A_99 = arith.constant 0 : i32
      %dma_start3A_100 = tpu.memref_slice %arg7[%dma_start3A_98, %dma_start3A_99] : memref<128x128xf32, #tpu.memory_space<vmem>> -> memref<128x128xf32, #tpu.memory_space<vmem>>
      tpu.enqueue_dma source(%dma_start3A_100 : memref<128x128xf32, #tpu.memory_space<vmem>>) target(%dma_start3A_97 : memref<128x128xf32, #tpu.memory_space<hbm>>) target_semaphore(%run_scoped3A : memref<!tpu.dma_semaphore, #tpu.memory_space<semaphore_mem>>)
      %dma_wait3A_101 = arith.constant 0 : i32
      %dma_wait3A_102 = arith.constant 0 : i32
      %dma_wait3A_103 = tpu.memref_slice %arg7[%dma_wait3A_101, %dma_wait3A_102] : memref<128x128xf32, #tpu.memory_space<vmem>> -> memref<128x128xf32, #tpu.memory_space<vmem>>
      %dma_wait3A_104 = arith.constant 0 : i32
      %dma_wait3A_105 = tpu.memref_slice %arg5[%arg0, %multiple_of3A_85, %dma_wait3A_104] : memref<2x10112x128xf32, #tpu.memory_space<hbm>> -> memref<1x128x128xf32, #tpu.memory_space<hbm>>
      %dma_wait3A_106 = tpu.memref_squeeze %dma_wait3A_105 : memref<1x128x128xf32, #tpu.memory_space<hbm>> -> memref<128x128xf32, #tpu.memory_space<hbm>>
      %dma_wait3A_107 = arith.constant 0 : i32
      %dma_wait3A_108 = tpu.memref_slice %arg5[%arg0, %multiple_of3A_85, %dma_wait3A_107] : memref<2x10112x128xf32, #tpu.memory_space<hbm>> -> memref<1x128x128xf32, #tpu.memory_space<hbm>>
      %dma_wait3A_109 = tpu.memref_squeeze %dma_wait3A_108 : memref<1x128x128xf32, #tpu.memory_space<hbm>> -> memref<128x128xf32, #tpu.memory_space<hbm>>
      %dma_wait3A_110 = arith.constant 0 : i32
      %dma_wait3A_111 = arith.constant 0 : i32
      %dma_wait3A_112 = tpu.memref_slice %arg7[%dma_wait3A_110, %dma_wait3A_111] : memref<128x128xf32, #tpu.memory_space<vmem>> -> memref<128x128xf32, #tpu.memory_space<vmem>>
      tpu.wait_dma2 semaphore(%run_scoped3A : memref<!tpu.dma_semaphore, #tpu.memory_space<semaphore_mem>>) src(%dma_wait3A_112 : memref<128x128xf32, #tpu.memory_space<vmem>>) dst(%dma_wait3A_109 : memref<128x128xf32, #tpu.memory_space<hbm>>)
      tpu.yield
    }) : () -> ()
    %add3A_86 = arith.constant 512 : i32
    %add3A_87 = arith.addi %multiple_of3A, %add3A_86 : i32
    %multiple_of3A_88 = tpu.assume_multiple %add3A_87, 8 : i32
    "tpu.region"() ({
      %run_scoped3A = tpu.sem_alloc : memref<!tpu.dma_semaphore, #tpu.memory_space<semaphore_mem>>
      %dma_start3A_89 = arith.constant 0 : i32
      %dma_start3A_90 = arith.constant 0 : i32
      %dma_start3A_91 = tpu.memref_slice %arg7[%dma_start3A_89, %dma_start3A_90] : memref<128x128xf32, #tpu.memory_space<vmem>> -> memref<120x128xf32, #tpu.memory_space<vmem>>
      %dma_start3A_92 = arith.constant 0 : i32
      %dma_start3A_93 = tpu.memref_slice %arg8[%multiple_of3A_88, %dma_start3A_92] : memref<10112x128xf32, #tpu.memory_space<vmem_shared>> -> memref<120x128xf32, #tpu.memory_space<vmem_shared>>
      %dma_start3A_94 = arith.constant 0 : i32
      %dma_start3A_95 = arith.constant 0 : i32
      %dma_start3A_96 = tpu.memref_slice %arg7[%dma_start3A_94, %dma_start3A_95] : memref<128x128xf32, #tpu.memory_space<vmem>> -> memref<120x128xf32, #tpu.memory_space<vmem>>
      %dma_start3A_97 = arith.constant 0 : i32
      %dma_start3A_98 = tpu.memref_slice %arg8[%multiple_of3A_88, %dma_start3A_97] : memref<10112x128xf32, #tpu.memory_space<vmem_shared>> -> memref<120x128xf32, #tpu.memory_space<vmem_shared>>
      tpu.enqueue_dma source(%dma_start3A_98 : memref<120x128xf32, #tpu.memory_space<vmem_shared>>) target(%dma_start3A_96 : memref<120x128xf32, #tpu.memory_space<vmem>>) target_semaphore(%run_scoped3A : memref<!tpu.dma_semaphore, #tpu.memory_space<semaphore_mem>>)
      %dma_wait3A_99 = arith.constant 0 : i32
      %dma_wait3A_100 = arith.constant 0 : i32
      %dma_wait3A_101 = tpu.memref_slice %arg7[%dma_wait3A_99, %dma_wait3A_100] : memref<128x128xf32, #tpu.memory_space<vmem>> -> memref<120x128xf32, #tpu.memory_space<vmem>>
      %dma_wait3A_102 = arith.constant 0 : i32
      %dma_wait3A_103 = tpu.memref_slice %arg8[%multiple_of3A_88, %dma_wait3A_102] : memref<10112x128xf32, #tpu.memory_space<vmem_shared>> -> memref<120x128xf32, #tpu.memory_space<vmem_shared>>
      %dma_wait3A_104 = arith.constant 0 : i32
      %dma_wait3A_105 = arith.constant 0 : i32
      %dma_wait3A_106 = tpu.memref_slice %arg7[%dma_wait3A_104, %dma_wait3A_105] : memref<128x128xf32, #tpu.memory_space<vmem>> -> memref<120x128xf32, #tpu.memory_space<vmem>>
      %dma_wait3A_107 = arith.constant 0 : i32
      %dma_wait3A_108 = tpu.memref_slice %arg8[%multiple_of3A_88, %dma_wait3A_107] : memref<10112x128xf32, #tpu.memory_space<vmem_shared>> -> memref<120x128xf32, #tpu.memory_space<vmem_shared>>
      tpu.wait_dma2 semaphore(%run_scoped3A : memref<!tpu.dma_semaphore, #tpu.memory_space<semaphore_mem>>) src(%dma_wait3A_108 : memref<120x128xf32, #tpu.memory_space<vmem_shared>>) dst(%dma_wait3A_106 : memref<120x128xf32, #tpu.memory_space<vmem>>)
      tpu.yield
    }) : () -> ()
    "tpu.region"() ({
      %run_scoped3A = tpu.sem_alloc : memref<!tpu.dma_semaphore, #tpu.memory_space<semaphore_mem>>
      %dma_start3A_89 = arith.constant 0 : i32
      %dma_start3A_90 = arith.constant 0 : i32
      %dma_start3A_91 = tpu.memref_slice %arg7[%dma_start3A_89, %dma_start3A_90] : memref<128x128xf32, #tpu.memory_space<vmem>> -> memref<120x128xf32, #tpu.memory_space<vmem>>
      %dma_start3A_92 = arith.constant 0 : i32
      %dma_start3A_93 = tpu.memref_slice %arg5[%arg0, %multiple_of3A_88, %dma_start3A_92] : memref<2x10112x128xf32, #tpu.memory_space<hbm>> -> memref<1x120x128xf32, #tpu.memory_space<hbm>>
      %dma_start3A_94 = tpu.memref_squeeze %dma_start3A_93 : memref<1x120x128xf32, #tpu.memory_space<hbm>> -> memref<120x128xf32, #tpu.memory_space<hbm>>
      %dma_start3A_95 = arith.constant 0 : i32
      %dma_start3A_96 = tpu.memref_slice %arg5[%arg0, %multiple_of3A_88, %dma_start3A_95] : memref<2x10112x128xf32, #tpu.memory_space<hbm>> -> memref<1x120x128xf32, #tpu.memory_space<hbm>>
      %dma_start3A_97 = tpu.memref_squeeze %dma_start3A_96 : memref<1x120x128xf32, #tpu.memory_space<hbm>> -> memref<120x128xf32, #tpu.memory_space<hbm>>
      %dma_start3A_98 = arith.constant 0 : i32
      %dma_start3A_99 = arith.constant 0 : i32
      %dma_start3A_100 = tpu.memref_slice %arg7[%dma_start3A_98, %dma_start3A_99] : memref<128x128xf32, #tpu.memory_space<vmem>> -> memref<120x128xf32, #tpu.memory_space<vmem>>
      tpu.enqueue_dma source(%dma_start3A_100 : memref<120x128xf32, #tpu.memory_space<vmem>>) target(%dma_start3A_97 : memref<120x128xf32, #tpu.memory_space<hbm>>) target_semaphore(%run_scoped3A : memref<!tpu.dma_semaphore, #tpu.memory_space<semaphore_mem>>)
      %dma_wait3A_101 = arith.constant 0 : i32
      %dma_wait3A_102 = arith.constant 0 : i32
      %dma_wait3A_103 = tpu.memref_slice %arg7[%dma_wait3A_101, %dma_wait3A_102] : memref<128x128xf32, #tpu.memory_space<vmem>> -> memref<120x128xf32, #tpu.memory_space<vmem>>
      %dma_wait3A_104 = arith.constant 0 : i32
      %dma_wait3A_105 = tpu.memref_slice %arg5[%arg0, %multiple_of3A_88, %dma_wait3A_104] : memref<2x10112x128xf32, #tpu.memory_space<hbm>> -> memref<1x120x128xf32, #tpu.memory_space<hbm>>
      %dma_wait3A_106 = tpu.memref_squeeze %dma_wait3A_105 : memref<1x120x128xf32, #tpu.memory_space<hbm>> -> memref<120x128xf32, #tpu.memory_space<hbm>>
      %dma_wait3A_107 = arith.constant 0 : i32
      %dma_wait3A_108 = tpu.memref_slice %arg5[%arg0, %multiple_of3A_88, %dma_wait3A_107] : memref<2x10112x128xf32, #tpu.memory_space<hbm>> -> memref<1x120x128xf32, #tpu.memory_space<hbm>>
      %dma_wait3A_109 = tpu.memref_squeeze %dma_wait3A_108 : memref<1x120x128xf32, #tpu.memory_space<hbm>> -> memref<120x128xf32, #tpu.memory_space<hbm>>
      %dma_wait3A_110 = arith.constant 0 : i32
      %dma_wait3A_111 = arith.constant 0 : i32
      %dma_wait3A_112 = tpu.memref_slice %arg7[%dma_wait3A_110, %dma_wait3A_111] : memref<128x128xf32, #tpu.memory_space<vmem>> -> memref<120x128xf32, #tpu.memory_space<vmem>>
      tpu.wait_dma2 semaphore(%run_scoped3A : memref<!tpu.dma_semaphore, #tpu.memory_space<semaphore_mem>>) src(%dma_wait3A_112 : memref<120x128xf32, #tpu.memory_space<vmem>>) dst(%dma_wait3A_109 : memref<120x128xf32, #tpu.memory_space<hbm>>)
      tpu.yield
    }) : () -> ()
    return
  }
}

#map = affine_map<(d0, d1) -> (0, 0)>
#map1 = affine_map<(d0, d1) -> (0, 0, 0)>
module attributes {stable_mosaic.version = 14 : i64} {
  func.func @agg_kernel(%arg0: i32, %arg1: i32, %arg2: memref<10112x128xf32, #tpu.memory_space<hbm>>, %arg3: memref<32x80x128xi32, #tpu.memory_space<hbm>>, %arg4: memref<32x80x128xi32, #tpu.memory_space<hbm>>, %arg5: memref<128x128xf32, #tpu.memory_space<hbm>>, %arg6: memref<2x10112x128xf32, #tpu.memory_space<hbm>>, %arg7: memref<40x128xi32, #tpu.memory_space<vmem>>, %arg8: memref<40x128xi32, #tpu.memory_space<vmem>>, %arg9: memref<128x128xf32, #tpu.memory_space<vmem>>, %arg10: memref<128x128xf32, #tpu.memory_space<vmem>>, %arg11: memref<10112x128xf32, #tpu.memory_space<vmem_shared>>, %arg12: memref<!tpu.dma_semaphore, #tpu.memory_space<semaphore_mem>>, %arg13: memref<!tpu.dma_semaphore, #tpu.memory_space<semaphore_mem>>) attributes {dimension_semantics = [#tpu.dimension_semantics<core_parallel>, #tpu.dimension_semantics<subcore_parallel>], iteration_bounds = array<i64: 2, 16>, scalar_prefetch = 0 : i64, scratch_operands = 7 : i64, tpu.core_type = #tpu.core_type<sc_vector_subcore>, window_params = [{transform_indices = #map}, {transform_indices = #map1}, {transform_indices = #map1}, {transform_indices = #map}, {transform_indices = #map1}]} {
    %mul3A = arith.constant 16 : i32
    %mul3A_0 = arith.muli %arg0, %mul3A : i32
    %add3A = arith.addi %mul3A_0, %arg1 : i32
    %mul3A_1 = arith.constant 632 : i32
    %mul3A_2 = arith.muli %arg1, %mul3A_1 : i32
    %multiple_of3A = tpu.assume_multiple %mul3A_2, 8 : i32
    "tpu.region"() ({
      %run_scoped3A = tpu.sem_alloc : memref<!tpu.dma_semaphore, #tpu.memory_space<semaphore_mem>>
      tpu.enqueue_dma source(%arg5 : memref<128x128xf32, #tpu.memory_space<hbm>>) target(%arg9 : memref<128x128xf32, #tpu.memory_space<vmem>>) target_semaphore(%run_scoped3A : memref<!tpu.dma_semaphore, #tpu.memory_space<semaphore_mem>>)
      tpu.wait_dma2 semaphore(%run_scoped3A : memref<!tpu.dma_semaphore, #tpu.memory_space<semaphore_mem>>) src(%arg5 : memref<128x128xf32, #tpu.memory_space<hbm>>) dst(%arg9 : memref<128x128xf32, #tpu.memory_space<vmem>>)
      tpu.yield
    }) : () -> ()
    %add3A_3 = arith.constant 0 : i32
    %add3A_4 = arith.addi %multiple_of3A, %add3A_3 : i32
    %multiple_of3A_5 = tpu.assume_multiple %add3A_4, 8 : i32
    "tpu.region"() ({
      %run_scoped3A = tpu.sem_alloc : memref<!tpu.dma_semaphore, #tpu.memory_space<semaphore_mem>>
      %dma_start3A = arith.constant 0 : i32
      %dma_start3A_38 = arith.constant 0 : i32
      %dma_start3A_39 = tpu.memref_slice %arg9[%dma_start3A, %dma_start3A_38] : memref<128x128xf32, #tpu.memory_space<vmem>> -> memref<128x128xf32, #tpu.memory_space<vmem>>
      %dma_start3A_40 = arith.constant 0 : i32
      %dma_start3A_41 = tpu.memref_slice %arg11[%multiple_of3A_5, %dma_start3A_40] : memref<10112x128xf32, #tpu.memory_space<vmem_shared>> -> memref<128x128xf32, #tpu.memory_space<vmem_shared>>
      %dma_start3A_42 = arith.constant 0 : i32
      %dma_start3A_43 = tpu.memref_slice %arg11[%multiple_of3A_5, %dma_start3A_42] : memref<10112x128xf32, #tpu.memory_space<vmem_shared>> -> memref<128x128xf32, #tpu.memory_space<vmem_shared>>
      %dma_start3A_44 = arith.constant 0 : i32
      %dma_start3A_45 = arith.constant 0 : i32
      %dma_start3A_46 = tpu.memref_slice %arg9[%dma_start3A_44, %dma_start3A_45] : memref<128x128xf32, #tpu.memory_space<vmem>> -> memref<128x128xf32, #tpu.memory_space<vmem>>
      tpu.enqueue_dma source(%dma_start3A_46 : memref<128x128xf32, #tpu.memory_space<vmem>>) target(%dma_start3A_43 : memref<128x128xf32, #tpu.memory_space<vmem_shared>>) target_semaphore(%run_scoped3A : memref<!tpu.dma_semaphore, #tpu.memory_space<semaphore_mem>>)
      %dma_wait3A = arith.constant 0 : i32
      %dma_wait3A_47 = arith.constant 0 : i32
      %dma_wait3A_48 = tpu.memref_slice %arg9[%dma_wait3A, %dma_wait3A_47] : memref<128x128xf32, #tpu.memory_space<vmem>> -> memref<128x128xf32, #tpu.memory_space<vmem>>
      %dma_wait3A_49 = arith.constant 0 : i32
      %dma_wait3A_50 = tpu.memref_slice %arg11[%multiple_of3A_5, %dma_wait3A_49] : memref<10112x128xf32, #tpu.memory_space<vmem_shared>> -> memref<128x128xf32, #tpu.memory_space<vmem_shared>>
      %dma_wait3A_51 = arith.constant 0 : i32
      %dma_wait3A_52 = tpu.memref_slice %arg11[%multiple_of3A_5, %dma_wait3A_51] : memref<10112x128xf32, #tpu.memory_space<vmem_shared>> -> memref<128x128xf32, #tpu.memory_space<vmem_shared>>
      %dma_wait3A_53 = arith.constant 0 : i32
      %dma_wait3A_54 = arith.constant 0 : i32
      %dma_wait3A_55 = tpu.memref_slice %arg9[%dma_wait3A_53, %dma_wait3A_54] : memref<128x128xf32, #tpu.memory_space<vmem>> -> memref<128x128xf32, #tpu.memory_space<vmem>>
      tpu.wait_dma2 semaphore(%run_scoped3A : memref<!tpu.dma_semaphore, #tpu.memory_space<semaphore_mem>>) src(%dma_wait3A_55 : memref<128x128xf32, #tpu.memory_space<vmem>>) dst(%dma_wait3A_52 : memref<128x128xf32, #tpu.memory_space<vmem_shared>>)
      tpu.yield
    }) : () -> ()
    %add3A_6 = arith.constant 128 : i32
    %add3A_7 = arith.addi %multiple_of3A, %add3A_6 : i32
    %multiple_of3A_8 = tpu.assume_multiple %add3A_7, 8 : i32
    "tpu.region"() ({
      %run_scoped3A = tpu.sem_alloc : memref<!tpu.dma_semaphore, #tpu.memory_space<semaphore_mem>>
      %dma_start3A = arith.constant 0 : i32
      %dma_start3A_38 = arith.constant 0 : i32
      %dma_start3A_39 = tpu.memref_slice %arg9[%dma_start3A, %dma_start3A_38] : memref<128x128xf32, #tpu.memory_space<vmem>> -> memref<128x128xf32, #tpu.memory_space<vmem>>
      %dma_start3A_40 = arith.constant 0 : i32
      %dma_start3A_41 = tpu.memref_slice %arg11[%multiple_of3A_8, %dma_start3A_40] : memref<10112x128xf32, #tpu.memory_space<vmem_shared>> -> memref<128x128xf32, #tpu.memory_space<vmem_shared>>
      %dma_start3A_42 = arith.constant 0 : i32
      %dma_start3A_43 = tpu.memref_slice %arg11[%multiple_of3A_8, %dma_start3A_42] : memref<10112x128xf32, #tpu.memory_space<vmem_shared>> -> memref<128x128xf32, #tpu.memory_space<vmem_shared>>
      %dma_start3A_44 = arith.constant 0 : i32
      %dma_start3A_45 = arith.constant 0 : i32
      %dma_start3A_46 = tpu.memref_slice %arg9[%dma_start3A_44, %dma_start3A_45] : memref<128x128xf32, #tpu.memory_space<vmem>> -> memref<128x128xf32, #tpu.memory_space<vmem>>
      tpu.enqueue_dma source(%dma_start3A_46 : memref<128x128xf32, #tpu.memory_space<vmem>>) target(%dma_start3A_43 : memref<128x128xf32, #tpu.memory_space<vmem_shared>>) target_semaphore(%run_scoped3A : memref<!tpu.dma_semaphore, #tpu.memory_space<semaphore_mem>>)
      %dma_wait3A = arith.constant 0 : i32
      %dma_wait3A_47 = arith.constant 0 : i32
      %dma_wait3A_48 = tpu.memref_slice %arg9[%dma_wait3A, %dma_wait3A_47] : memref<128x128xf32, #tpu.memory_space<vmem>> -> memref<128x128xf32, #tpu.memory_space<vmem>>
      %dma_wait3A_49 = arith.constant 0 : i32
      %dma_wait3A_50 = tpu.memref_slice %arg11[%multiple_of3A_8, %dma_wait3A_49] : memref<10112x128xf32, #tpu.memory_space<vmem_shared>> -> memref<128x128xf32, #tpu.memory_space<vmem_shared>>
      %dma_wait3A_51 = arith.constant 0 : i32
      %dma_wait3A_52 = tpu.memref_slice %arg11[%multiple_of3A_8, %dma_wait3A_51] : memref<10112x128xf32, #tpu.memory_space<vmem_shared>> -> memref<128x128xf32, #tpu.memory_space<vmem_shared>>
      %dma_wait3A_53 = arith.constant 0 : i32
      %dma_wait3A_54 = arith.constant 0 : i32
      %dma_wait3A_55 = tpu.memref_slice %arg9[%dma_wait3A_53, %dma_wait3A_54] : memref<128x128xf32, #tpu.memory_space<vmem>> -> memref<128x128xf32, #tpu.memory_space<vmem>>
      tpu.wait_dma2 semaphore(%run_scoped3A : memref<!tpu.dma_semaphore, #tpu.memory_space<semaphore_mem>>) src(%dma_wait3A_55 : memref<128x128xf32, #tpu.memory_space<vmem>>) dst(%dma_wait3A_52 : memref<128x128xf32, #tpu.memory_space<vmem_shared>>)
      tpu.yield
    }) : () -> ()
    %add3A_9 = arith.constant 256 : i32
    %add3A_10 = arith.addi %multiple_of3A, %add3A_9 : i32
    %multiple_of3A_11 = tpu.assume_multiple %add3A_10, 8 : i32
    "tpu.region"() ({
      %run_scoped3A = tpu.sem_alloc : memref<!tpu.dma_semaphore, #tpu.memory_space<semaphore_mem>>
      %dma_start3A = arith.constant 0 : i32
      %dma_start3A_38 = arith.constant 0 : i32
      %dma_start3A_39 = tpu.memref_slice %arg9[%dma_start3A, %dma_start3A_38] : memref<128x128xf32, #tpu.memory_space<vmem>> -> memref<128x128xf32, #tpu.memory_space<vmem>>
      %dma_start3A_40 = arith.constant 0 : i32
      %dma_start3A_41 = tpu.memref_slice %arg11[%multiple_of3A_11, %dma_start3A_40] : memref<10112x128xf32, #tpu.memory_space<vmem_shared>> -> memref<128x128xf32, #tpu.memory_space<vmem_shared>>
      %dma_start3A_42 = arith.constant 0 : i32
      %dma_start3A_43 = tpu.memref_slice %arg11[%multiple_of3A_11, %dma_start3A_42] : memref<10112x128xf32, #tpu.memory_space<vmem_shared>> -> memref<128x128xf32, #tpu.memory_space<vmem_shared>>
      %dma_start3A_44 = arith.constant 0 : i32
      %dma_start3A_45 = arith.constant 0 : i32
      %dma_start3A_46 = tpu.memref_slice %arg9[%dma_start3A_44, %dma_start3A_45] : memref<128x128xf32, #tpu.memory_space<vmem>> -> memref<128x128xf32, #tpu.memory_space<vmem>>
      tpu.enqueue_dma source(%dma_start3A_46 : memref<128x128xf32, #tpu.memory_space<vmem>>) target(%dma_start3A_43 : memref<128x128xf32, #tpu.memory_space<vmem_shared>>) target_semaphore(%run_scoped3A : memref<!tpu.dma_semaphore, #tpu.memory_space<semaphore_mem>>)
      %dma_wait3A = arith.constant 0 : i32
      %dma_wait3A_47 = arith.constant 0 : i32
      %dma_wait3A_48 = tpu.memref_slice %arg9[%dma_wait3A, %dma_wait3A_47] : memref<128x128xf32, #tpu.memory_space<vmem>> -> memref<128x128xf32, #tpu.memory_space<vmem>>
      %dma_wait3A_49 = arith.constant 0 : i32
      %dma_wait3A_50 = tpu.memref_slice %arg11[%multiple_of3A_11, %dma_wait3A_49] : memref<10112x128xf32, #tpu.memory_space<vmem_shared>> -> memref<128x128xf32, #tpu.memory_space<vmem_shared>>
      %dma_wait3A_51 = arith.constant 0 : i32
      %dma_wait3A_52 = tpu.memref_slice %arg11[%multiple_of3A_11, %dma_wait3A_51] : memref<10112x128xf32, #tpu.memory_space<vmem_shared>> -> memref<128x128xf32, #tpu.memory_space<vmem_shared>>
      %dma_wait3A_53 = arith.constant 0 : i32
      %dma_wait3A_54 = arith.constant 0 : i32
      %dma_wait3A_55 = tpu.memref_slice %arg9[%dma_wait3A_53, %dma_wait3A_54] : memref<128x128xf32, #tpu.memory_space<vmem>> -> memref<128x128xf32, #tpu.memory_space<vmem>>
      tpu.wait_dma2 semaphore(%run_scoped3A : memref<!tpu.dma_semaphore, #tpu.memory_space<semaphore_mem>>) src(%dma_wait3A_55 : memref<128x128xf32, #tpu.memory_space<vmem>>) dst(%dma_wait3A_52 : memref<128x128xf32, #tpu.memory_space<vmem_shared>>)
      tpu.yield
    }) : () -> ()
    %add3A_12 = arith.constant 384 : i32
    %add3A_13 = arith.addi %multiple_of3A, %add3A_12 : i32
    %multiple_of3A_14 = tpu.assume_multiple %add3A_13, 8 : i32
    "tpu.region"() ({
      %run_scoped3A = tpu.sem_alloc : memref<!tpu.dma_semaphore, #tpu.memory_space<semaphore_mem>>
      %dma_start3A = arith.constant 0 : i32
      %dma_start3A_38 = arith.constant 0 : i32
      %dma_start3A_39 = tpu.memref_slice %arg9[%dma_start3A, %dma_start3A_38] : memref<128x128xf32, #tpu.memory_space<vmem>> -> memref<128x128xf32, #tpu.memory_space<vmem>>
      %dma_start3A_40 = arith.constant 0 : i32
      %dma_start3A_41 = tpu.memref_slice %arg11[%multiple_of3A_14, %dma_start3A_40] : memref<10112x128xf32, #tpu.memory_space<vmem_shared>> -> memref<128x128xf32, #tpu.memory_space<vmem_shared>>
      %dma_start3A_42 = arith.constant 0 : i32
      %dma_start3A_43 = tpu.memref_slice %arg11[%multiple_of3A_14, %dma_start3A_42] : memref<10112x128xf32, #tpu.memory_space<vmem_shared>> -> memref<128x128xf32, #tpu.memory_space<vmem_shared>>
      %dma_start3A_44 = arith.constant 0 : i32
      %dma_start3A_45 = arith.constant 0 : i32
      %dma_start3A_46 = tpu.memref_slice %arg9[%dma_start3A_44, %dma_start3A_45] : memref<128x128xf32, #tpu.memory_space<vmem>> -> memref<128x128xf32, #tpu.memory_space<vmem>>
      tpu.enqueue_dma source(%dma_start3A_46 : memref<128x128xf32, #tpu.memory_space<vmem>>) target(%dma_start3A_43 : memref<128x128xf32, #tpu.memory_space<vmem_shared>>) target_semaphore(%run_scoped3A : memref<!tpu.dma_semaphore, #tpu.memory_space<semaphore_mem>>)
      %dma_wait3A = arith.constant 0 : i32
      %dma_wait3A_47 = arith.constant 0 : i32
      %dma_wait3A_48 = tpu.memref_slice %arg9[%dma_wait3A, %dma_wait3A_47] : memref<128x128xf32, #tpu.memory_space<vmem>> -> memref<128x128xf32, #tpu.memory_space<vmem>>
      %dma_wait3A_49 = arith.constant 0 : i32
      %dma_wait3A_50 = tpu.memref_slice %arg11[%multiple_of3A_14, %dma_wait3A_49] : memref<10112x128xf32, #tpu.memory_space<vmem_shared>> -> memref<128x128xf32, #tpu.memory_space<vmem_shared>>
      %dma_wait3A_51 = arith.constant 0 : i32
      %dma_wait3A_52 = tpu.memref_slice %arg11[%multiple_of3A_14, %dma_wait3A_51] : memref<10112x128xf32, #tpu.memory_space<vmem_shared>> -> memref<128x128xf32, #tpu.memory_space<vmem_shared>>
      %dma_wait3A_53 = arith.constant 0 : i32
      %dma_wait3A_54 = arith.constant 0 : i32
      %dma_wait3A_55 = tpu.memref_slice %arg9[%dma_wait3A_53, %dma_wait3A_54] : memref<128x128xf32, #tpu.memory_space<vmem>> -> memref<128x128xf32, #tpu.memory_space<vmem>>
      tpu.wait_dma2 semaphore(%run_scoped3A : memref<!tpu.dma_semaphore, #tpu.memory_space<semaphore_mem>>) src(%dma_wait3A_55 : memref<128x128xf32, #tpu.memory_space<vmem>>) dst(%dma_wait3A_52 : memref<128x128xf32, #tpu.memory_space<vmem_shared>>)
      tpu.yield
    }) : () -> ()
    %add3A_15 = arith.constant 512 : i32
    %add3A_16 = arith.addi %multiple_of3A, %add3A_15 : i32
    %multiple_of3A_17 = tpu.assume_multiple %add3A_16, 8 : i32
    "tpu.region"() ({
      %run_scoped3A = tpu.sem_alloc : memref<!tpu.dma_semaphore, #tpu.memory_space<semaphore_mem>>
      %dma_start3A = arith.constant 0 : i32
      %dma_start3A_38 = arith.constant 0 : i32
      %dma_start3A_39 = tpu.memref_slice %arg9[%dma_start3A, %dma_start3A_38] : memref<128x128xf32, #tpu.memory_space<vmem>> -> memref<120x128xf32, #tpu.memory_space<vmem>>
      %dma_start3A_40 = arith.constant 0 : i32
      %dma_start3A_41 = tpu.memref_slice %arg11[%multiple_of3A_17, %dma_start3A_40] : memref<10112x128xf32, #tpu.memory_space<vmem_shared>> -> memref<120x128xf32, #tpu.memory_space<vmem_shared>>
      %dma_start3A_42 = arith.constant 0 : i32
      %dma_start3A_43 = tpu.memref_slice %arg11[%multiple_of3A_17, %dma_start3A_42] : memref<10112x128xf32, #tpu.memory_space<vmem_shared>> -> memref<120x128xf32, #tpu.memory_space<vmem_shared>>
      %dma_start3A_44 = arith.constant 0 : i32
      %dma_start3A_45 = arith.constant 0 : i32
      %dma_start3A_46 = tpu.memref_slice %arg9[%dma_start3A_44, %dma_start3A_45] : memref<128x128xf32, #tpu.memory_space<vmem>> -> memref<120x128xf32, #tpu.memory_space<vmem>>
      tpu.enqueue_dma source(%dma_start3A_46 : memref<120x128xf32, #tpu.memory_space<vmem>>) target(%dma_start3A_43 : memref<120x128xf32, #tpu.memory_space<vmem_shared>>) target_semaphore(%run_scoped3A : memref<!tpu.dma_semaphore, #tpu.memory_space<semaphore_mem>>)
      %dma_wait3A = arith.constant 0 : i32
      %dma_wait3A_47 = arith.constant 0 : i32
      %dma_wait3A_48 = tpu.memref_slice %arg9[%dma_wait3A, %dma_wait3A_47] : memref<128x128xf32, #tpu.memory_space<vmem>> -> memref<120x128xf32, #tpu.memory_space<vmem>>
      %dma_wait3A_49 = arith.constant 0 : i32
      %dma_wait3A_50 = tpu.memref_slice %arg11[%multiple_of3A_17, %dma_wait3A_49] : memref<10112x128xf32, #tpu.memory_space<vmem_shared>> -> memref<120x128xf32, #tpu.memory_space<vmem_shared>>
      %dma_wait3A_51 = arith.constant 0 : i32
      %dma_wait3A_52 = tpu.memref_slice %arg11[%multiple_of3A_17, %dma_wait3A_51] : memref<10112x128xf32, #tpu.memory_space<vmem_shared>> -> memref<120x128xf32, #tpu.memory_space<vmem_shared>>
      %dma_wait3A_53 = arith.constant 0 : i32
      %dma_wait3A_54 = arith.constant 0 : i32
      %dma_wait3A_55 = tpu.memref_slice %arg9[%dma_wait3A_53, %dma_wait3A_54] : memref<128x128xf32, #tpu.memory_space<vmem>> -> memref<120x128xf32, #tpu.memory_space<vmem>>
      tpu.wait_dma2 semaphore(%run_scoped3A : memref<!tpu.dma_semaphore, #tpu.memory_space<semaphore_mem>>) src(%dma_wait3A_55 : memref<120x128xf32, #tpu.memory_space<vmem>>) dst(%dma_wait3A_52 : memref<120x128xf32, #tpu.memory_space<vmem_shared>>)
      tpu.yield
    }) : () -> ()
    %barrier3A = arith.constant 0 : index
    tpu.barrier barrier_id(%barrier3A)
    %scan3A = arith.constant 0 : i32
    %scan3A_18 = arith.constant 2 : i32
    %scan3A_19 = arith.addi %scan3A, %scan3A_18 : i32
    %scan3A_20 = arith.constant 1 : i32
    scf.for %scan3A_38 = %scan3A to %scan3A_19 step %scan3A_20  : i32 {
      %mul3A_39 = arith.constant 1 : i32
      %mul3A_40 = arith.muli %scan3A_38, %mul3A_39 : i32
      %add3A_41 = arith.constant 0 : i32
      %add3A_42 = arith.addi %add3A_41, %mul3A_40 : i32
      %mul3A_43 = arith.constant 40 : i32
      %mul3A_44 = arith.muli %add3A_42, %mul3A_43 : i32
      "tpu.region"() ({
        %run_scoped3A_79 = tpu.sem_alloc : memref<!tpu.dma_semaphore, #tpu.memory_space<semaphore_mem>>
        %dma_start3A_80 = arith.constant 0 : i32
        %dma_start3A_81 = tpu.memref_slice %arg3[%add3A, %mul3A_44, %dma_start3A_80] : memref<32x80x128xi32, #tpu.memory_space<hbm>> -> memref<1x40x128xi32, #tpu.memory_space<hbm>>
        %dma_start3A_82 = tpu.memref_squeeze %dma_start3A_81 : memref<1x40x128xi32, #tpu.memory_space<hbm>> -> memref<40x128xi32, #tpu.memory_space<hbm>>
        %dma_start3A_83 = arith.constant 0 : i32
        %dma_start3A_84 = tpu.memref_slice %arg3[%add3A, %mul3A_44, %dma_start3A_83] : memref<32x80x128xi32, #tpu.memory_space<hbm>> -> memref<1x40x128xi32, #tpu.memory_space<hbm>>
        %dma_start3A_85 = tpu.memref_squeeze %dma_start3A_84 : memref<1x40x128xi32, #tpu.memory_space<hbm>> -> memref<40x128xi32, #tpu.memory_space<hbm>>
        tpu.enqueue_dma source(%dma_start3A_85 : memref<40x128xi32, #tpu.memory_space<hbm>>) target(%arg7 : memref<40x128xi32, #tpu.memory_space<vmem>>) target_semaphore(%run_scoped3A_79 : memref<!tpu.dma_semaphore, #tpu.memory_space<semaphore_mem>>)
        %dma_wait3A_86 = arith.constant 0 : i32
        %dma_wait3A_87 = tpu.memref_slice %arg3[%add3A, %mul3A_44, %dma_wait3A_86] : memref<32x80x128xi32, #tpu.memory_space<hbm>> -> memref<1x40x128xi32, #tpu.memory_space<hbm>>
        %dma_wait3A_88 = tpu.memref_squeeze %dma_wait3A_87 : memref<1x40x128xi32, #tpu.memory_space<hbm>> -> memref<40x128xi32, #tpu.memory_space<hbm>>
        %dma_wait3A_89 = arith.constant 0 : i32
        %dma_wait3A_90 = tpu.memref_slice %arg3[%add3A, %mul3A_44, %dma_wait3A_89] : memref<32x80x128xi32, #tpu.memory_space<hbm>> -> memref<1x40x128xi32, #tpu.memory_space<hbm>>
        %dma_wait3A_91 = tpu.memref_squeeze %dma_wait3A_90 : memref<1x40x128xi32, #tpu.memory_space<hbm>> -> memref<40x128xi32, #tpu.memory_space<hbm>>
        tpu.wait_dma2 semaphore(%run_scoped3A_79 : memref<!tpu.dma_semaphore, #tpu.memory_space<semaphore_mem>>) src(%dma_wait3A_91 : memref<40x128xi32, #tpu.memory_space<hbm>>) dst(%arg7 : memref<40x128xi32, #tpu.memory_space<vmem>>)
        tpu.yield
      }) : () -> ()
      %mul3A_45 = arith.constant 40 : i32
      %mul3A_46 = arith.muli %add3A_42, %mul3A_45 : i32
      "tpu.region"() ({
        %run_scoped3A_79 = tpu.sem_alloc : memref<!tpu.dma_semaphore, #tpu.memory_space<semaphore_mem>>
        %dma_start3A_80 = arith.constant 0 : i32
        %dma_start3A_81 = tpu.memref_slice %arg4[%add3A, %mul3A_46, %dma_start3A_80] : memref<32x80x128xi32, #tpu.memory_space<hbm>> -> memref<1x40x128xi32, #tpu.memory_space<hbm>>
        %dma_start3A_82 = tpu.memref_squeeze %dma_start3A_81 : memref<1x40x128xi32, #tpu.memory_space<hbm>> -> memref<40x128xi32, #tpu.memory_space<hbm>>
        %dma_start3A_83 = arith.constant 0 : i32
        %dma_start3A_84 = tpu.memref_slice %arg4[%add3A, %mul3A_46, %dma_start3A_83] : memref<32x80x128xi32, #tpu.memory_space<hbm>> -> memref<1x40x128xi32, #tpu.memory_space<hbm>>
        %dma_start3A_85 = tpu.memref_squeeze %dma_start3A_84 : memref<1x40x128xi32, #tpu.memory_space<hbm>> -> memref<40x128xi32, #tpu.memory_space<hbm>>
        tpu.enqueue_dma source(%dma_start3A_85 : memref<40x128xi32, #tpu.memory_space<hbm>>) target(%arg8 : memref<40x128xi32, #tpu.memory_space<vmem>>) target_semaphore(%run_scoped3A_79 : memref<!tpu.dma_semaphore, #tpu.memory_space<semaphore_mem>>)
        %dma_wait3A_86 = arith.constant 0 : i32
        %dma_wait3A_87 = tpu.memref_slice %arg4[%add3A, %mul3A_46, %dma_wait3A_86] : memref<32x80x128xi32, #tpu.memory_space<hbm>> -> memref<1x40x128xi32, #tpu.memory_space<hbm>>
        %dma_wait3A_88 = tpu.memref_squeeze %dma_wait3A_87 : memref<1x40x128xi32, #tpu.memory_space<hbm>> -> memref<40x128xi32, #tpu.memory_space<hbm>>
        %dma_wait3A_89 = arith.constant 0 : i32
        %dma_wait3A_90 = tpu.memref_slice %arg4[%add3A, %mul3A_46, %dma_wait3A_89] : memref<32x80x128xi32, #tpu.memory_space<hbm>> -> memref<1x40x128xi32, #tpu.memory_space<hbm>>
        %dma_wait3A_91 = tpu.memref_squeeze %dma_wait3A_90 : memref<1x40x128xi32, #tpu.memory_space<hbm>> -> memref<40x128xi32, #tpu.memory_space<hbm>>
        tpu.wait_dma2 semaphore(%run_scoped3A_79 : memref<!tpu.dma_semaphore, #tpu.memory_space<semaphore_mem>>) src(%dma_wait3A_91 : memref<40x128xi32, #tpu.memory_space<hbm>>) dst(%arg8 : memref<40x128xi32, #tpu.memory_space<vmem>>)
        tpu.yield
      }) : () -> ()
      %dma_start3A = arith.constant 0 : i32
      %dma_start3A_47 = arith.constant 0 : i32
      %dma_start3A_48 = tpu.memref_slice %arg7[%dma_start3A, %dma_start3A_47] : memref<40x128xi32, #tpu.memory_space<vmem>> -> memref<1x128xi32, #tpu.memory_space<vmem>>
      %dma_start3A_49 = tpu.memref_squeeze %dma_start3A_48 : memref<1x128xi32, #tpu.memory_space<vmem>> -> memref<128xi32, #tpu.memory_space<vmem>>
      %dma_start3A_50 = arith.constant 0 : i32
      %dma_start3A_51 = arith.constant 0 : i32
      %dma_start3A_52 = tpu.memref_slice %arg2[%dma_start3A_50, %dma_start3A_51] : memref<10112x128xf32, #tpu.memory_space<hbm>> -> memref<10112x128xf32, #tpu.memory_space<hbm>>
      tpu.enqueue_indirect_dma source(%dma_start3A_52 : memref<10112x128xf32, #tpu.memory_space<hbm>>) target(%arg9 : memref<128x128xf32, #tpu.memory_space<vmem>>) offsets(%dma_start3A_49 : memref<128xi32, #tpu.memory_space<vmem>>) semaphore(%arg12 : memref<!tpu.dma_semaphore, #tpu.memory_space<semaphore_mem>>)
      %scan3A_53 = arith.constant 0 : i32
      %scan3A_54 = arith.constant 19 : i32
      %scan3A_55 = arith.addi %scan3A_53, %scan3A_54 : i32
      %scan3A_56 = arith.constant 1 : i32
      scf.for %scan3A_79 = %scan3A_53 to %scan3A_55 step %scan3A_56  : i32 {
        %mul3A_80 = arith.constant 1 : i32
        %mul3A_81 = arith.muli %scan3A_79, %mul3A_80 : i32
        %add3A_82 = arith.constant 0 : i32
        %add3A_83 = arith.addi %add3A_82, %mul3A_81 : i32
        %mul3A_84 = arith.constant 2 : i32
        %mul3A_85 = arith.muli %add3A_83, %mul3A_84 : i32
        %add3A_86 = arith.constant 1 : i32
        %add3A_87 = arith.addi %mul3A_85, %add3A_86 : i32
        %dma_start3A_88 = arith.constant 0 : i32
        %dma_start3A_89 = tpu.memref_slice %arg7[%add3A_87, %dma_start3A_88] : memref<40x128xi32, #tpu.memory_space<vmem>> -> memref<1x128xi32, #tpu.memory_space<vmem>>
        %dma_start3A_90 = tpu.memref_squeeze %dma_start3A_89 : memref<1x128xi32, #tpu.memory_space<vmem>> -> memref<128xi32, #tpu.memory_space<vmem>>
        %dma_start3A_91 = arith.constant 0 : i32
        %dma_start3A_92 = arith.constant 0 : i32
        %dma_start3A_93 = tpu.memref_slice %arg2[%dma_start3A_91, %dma_start3A_92] : memref<10112x128xf32, #tpu.memory_space<hbm>> -> memref<10112x128xf32, #tpu.memory_space<hbm>>
        tpu.enqueue_indirect_dma source(%dma_start3A_93 : memref<10112x128xf32, #tpu.memory_space<hbm>>) target(%arg10 : memref<128x128xf32, #tpu.memory_space<vmem>>) offsets(%dma_start3A_90 : memref<128xi32, #tpu.memory_space<vmem>>) semaphore(%arg13 : memref<!tpu.dma_semaphore, #tpu.memory_space<semaphore_mem>>)
        %dma_wait3A_94 = arith.constant 0 : i32
        %dma_wait3A_95 = tpu.memref_slice %arg7[%mul3A_85, %dma_wait3A_94] : memref<40x128xi32, #tpu.memory_space<vmem>> -> memref<1x128xi32, #tpu.memory_space<vmem>>
        %dma_wait3A_96 = tpu.memref_squeeze %dma_wait3A_95 : memref<1x128xi32, #tpu.memory_space<vmem>> -> memref<128xi32, #tpu.memory_space<vmem>>
        %dma_wait3A_97 = arith.constant 0 : i32
        %dma_wait3A_98 = arith.constant 0 : i32
        %dma_wait3A_99 = tpu.memref_slice %arg2[%dma_wait3A_97, %dma_wait3A_98] : memref<10112x128xf32, #tpu.memory_space<hbm>> -> memref<10112x128xf32, #tpu.memory_space<hbm>>
        tpu.wait_indirect_dma semaphore(%arg12 : memref<!tpu.dma_semaphore, #tpu.memory_space<semaphore_mem>>) src(%dma_wait3A_99 : memref<10112x128xf32, #tpu.memory_space<hbm>>) dst(%arg9 : memref<128x128xf32, #tpu.memory_space<vmem>>)
        "tpu.region"() ({
          %run_scoped3A_118 = tpu.sem_alloc : memref<!tpu.dma_semaphore, #tpu.memory_space<semaphore_mem>>
          %dma_start3A_119 = arith.constant 0 : i32
          %dma_start3A_120 = tpu.memref_slice %arg8[%mul3A_85, %dma_start3A_119] : memref<40x128xi32, #tpu.memory_space<vmem>> -> memref<1x128xi32, #tpu.memory_space<vmem>>
          %dma_start3A_121 = tpu.memref_squeeze %dma_start3A_120 : memref<1x128xi32, #tpu.memory_space<vmem>> -> memref<128xi32, #tpu.memory_space<vmem>>
          %dma_start3A_122 = arith.constant 0 : i32
          %dma_start3A_123 = arith.constant 0 : i32
          %dma_start3A_124 = tpu.memref_slice %arg11[%dma_start3A_122, %dma_start3A_123] : memref<10112x128xf32, #tpu.memory_space<vmem_shared>> -> memref<10112x128xf32, #tpu.memory_space<vmem_shared>>
          tpu.enqueue_indirect_dma source(%arg9 : memref<128x128xf32, #tpu.memory_space<vmem>>) target(%dma_start3A_124 : memref<10112x128xf32, #tpu.memory_space<vmem_shared>>) offsets(%dma_start3A_121 : memref<128xi32, #tpu.memory_space<vmem>>) semaphore(%run_scoped3A_118 : memref<!tpu.dma_semaphore, #tpu.memory_space<semaphore_mem>>) {add = true}
          %dma_wait3A_125 = arith.constant 0 : i32
          %dma_wait3A_126 = tpu.memref_slice %arg8[%mul3A_85, %dma_wait3A_125] : memref<40x128xi32, #tpu.memory_space<vmem>> -> memref<1x128xi32, #tpu.memory_space<vmem>>
          %dma_wait3A_127 = tpu.memref_squeeze %dma_wait3A_126 : memref<1x128xi32, #tpu.memory_space<vmem>> -> memref<128xi32, #tpu.memory_space<vmem>>
          %dma_wait3A_128 = arith.constant 0 : i32
          %dma_wait3A_129 = arith.constant 0 : i32
          %dma_wait3A_130 = tpu.memref_slice %arg11[%dma_wait3A_128, %dma_wait3A_129] : memref<10112x128xf32, #tpu.memory_space<vmem_shared>> -> memref<10112x128xf32, #tpu.memory_space<vmem_shared>>
          tpu.wait_indirect_dma semaphore(%run_scoped3A_118 : memref<!tpu.dma_semaphore, #tpu.memory_space<semaphore_mem>>) src(%arg9 : memref<128x128xf32, #tpu.memory_space<vmem>>) dst(%dma_wait3A_130 : memref<10112x128xf32, #tpu.memory_space<vmem_shared>>)
          tpu.yield
        }) : () -> ()
        %add3A_100 = arith.constant 2 : i32
        %add3A_101 = arith.addi %mul3A_85, %add3A_100 : i32
        %dma_start3A_102 = arith.constant 0 : i32
        %dma_start3A_103 = tpu.memref_slice %arg7[%add3A_101, %dma_start3A_102] : memref<40x128xi32, #tpu.memory_space<vmem>> -> memref<1x128xi32, #tpu.memory_space<vmem>>
        %dma_start3A_104 = tpu.memref_squeeze %dma_start3A_103 : memref<1x128xi32, #tpu.memory_space<vmem>> -> memref<128xi32, #tpu.memory_space<vmem>>
        %dma_start3A_105 = arith.constant 0 : i32
        %dma_start3A_106 = arith.constant 0 : i32
        %dma_start3A_107 = tpu.memref_slice %arg2[%dma_start3A_105, %dma_start3A_106] : memref<10112x128xf32, #tpu.memory_space<hbm>> -> memref<10112x128xf32, #tpu.memory_space<hbm>>
        tpu.enqueue_indirect_dma source(%dma_start3A_107 : memref<10112x128xf32, #tpu.memory_space<hbm>>) target(%arg9 : memref<128x128xf32, #tpu.memory_space<vmem>>) offsets(%dma_start3A_104 : memref<128xi32, #tpu.memory_space<vmem>>) semaphore(%arg12 : memref<!tpu.dma_semaphore, #tpu.memory_space<semaphore_mem>>)
        %add3A_108 = arith.constant 1 : i32
        %add3A_109 = arith.addi %mul3A_85, %add3A_108 : i32
        %dma_wait3A_110 = arith.constant 0 : i32
        %dma_wait3A_111 = tpu.memref_slice %arg7[%add3A_109, %dma_wait3A_110] : memref<40x128xi32, #tpu.memory_space<vmem>> -> memref<1x128xi32, #tpu.memory_space<vmem>>
        %dma_wait3A_112 = tpu.memref_squeeze %dma_wait3A_111 : memref<1x128xi32, #tpu.memory_space<vmem>> -> memref<128xi32, #tpu.memory_space<vmem>>
        %dma_wait3A_113 = arith.constant 0 : i32
        %dma_wait3A_114 = arith.constant 0 : i32
        %dma_wait3A_115 = tpu.memref_slice %arg2[%dma_wait3A_113, %dma_wait3A_114] : memref<10112x128xf32, #tpu.memory_space<hbm>> -> memref<10112x128xf32, #tpu.memory_space<hbm>>
        tpu.wait_indirect_dma semaphore(%arg13 : memref<!tpu.dma_semaphore, #tpu.memory_space<semaphore_mem>>) src(%dma_wait3A_115 : memref<10112x128xf32, #tpu.memory_space<hbm>>) dst(%arg10 : memref<128x128xf32, #tpu.memory_space<vmem>>)
        %add3A_116 = arith.constant 1 : i32
        %add3A_117 = arith.addi %mul3A_85, %add3A_116 : i32
        "tpu.region"() ({
          %run_scoped3A_118 = tpu.sem_alloc : memref<!tpu.dma_semaphore, #tpu.memory_space<semaphore_mem>>
          %dma_start3A_119 = arith.constant 0 : i32
          %dma_start3A_120 = tpu.memref_slice %arg8[%add3A_117, %dma_start3A_119] : memref<40x128xi32, #tpu.memory_space<vmem>> -> memref<1x128xi32, #tpu.memory_space<vmem>>
          %dma_start3A_121 = tpu.memref_squeeze %dma_start3A_120 : memref<1x128xi32, #tpu.memory_space<vmem>> -> memref<128xi32, #tpu.memory_space<vmem>>
          %dma_start3A_122 = arith.constant 0 : i32
          %dma_start3A_123 = arith.constant 0 : i32
          %dma_start3A_124 = tpu.memref_slice %arg11[%dma_start3A_122, %dma_start3A_123] : memref<10112x128xf32, #tpu.memory_space<vmem_shared>> -> memref<10112x128xf32, #tpu.memory_space<vmem_shared>>
          tpu.enqueue_indirect_dma source(%arg10 : memref<128x128xf32, #tpu.memory_space<vmem>>) target(%dma_start3A_124 : memref<10112x128xf32, #tpu.memory_space<vmem_shared>>) offsets(%dma_start3A_121 : memref<128xi32, #tpu.memory_space<vmem>>) semaphore(%run_scoped3A_118 : memref<!tpu.dma_semaphore, #tpu.memory_space<semaphore_mem>>) {add = true}
          %dma_wait3A_125 = arith.constant 0 : i32
          %dma_wait3A_126 = tpu.memref_slice %arg8[%add3A_117, %dma_wait3A_125] : memref<40x128xi32, #tpu.memory_space<vmem>> -> memref<1x128xi32, #tpu.memory_space<vmem>>
          %dma_wait3A_127 = tpu.memref_squeeze %dma_wait3A_126 : memref<1x128xi32, #tpu.memory_space<vmem>> -> memref<128xi32, #tpu.memory_space<vmem>>
          %dma_wait3A_128 = arith.constant 0 : i32
          %dma_wait3A_129 = arith.constant 0 : i32
          %dma_wait3A_130 = tpu.memref_slice %arg11[%dma_wait3A_128, %dma_wait3A_129] : memref<10112x128xf32, #tpu.memory_space<vmem_shared>> -> memref<10112x128xf32, #tpu.memory_space<vmem_shared>>
          tpu.wait_indirect_dma semaphore(%run_scoped3A_118 : memref<!tpu.dma_semaphore, #tpu.memory_space<semaphore_mem>>) src(%arg10 : memref<128x128xf32, #tpu.memory_space<vmem>>) dst(%dma_wait3A_130 : memref<10112x128xf32, #tpu.memory_space<vmem_shared>>)
          tpu.yield
        }) : () -> ()
      }
      %scan3A_57 = arith.constant 19 : i32
      %dma_start3A_58 = arith.constant 39 : i32
      %dma_start3A_59 = arith.constant 0 : i32
      %dma_start3A_60 = tpu.memref_slice %arg7[%dma_start3A_58, %dma_start3A_59] : memref<40x128xi32, #tpu.memory_space<vmem>> -> memref<1x128xi32, #tpu.memory_space<vmem>>
      %dma_start3A_61 = tpu.memref_squeeze %dma_start3A_60 : memref<1x128xi32, #tpu.memory_space<vmem>> -> memref<128xi32, #tpu.memory_space<vmem>>
      %dma_start3A_62 = arith.constant 0 : i32
      %dma_start3A_63 = arith.constant 0 : i32
      %dma_start3A_64 = tpu.memref_slice %arg2[%dma_start3A_62, %dma_start3A_63] : memref<10112x128xf32, #tpu.memory_space<hbm>> -> memref<10112x128xf32, #tpu.memory_space<hbm>>
      tpu.enqueue_indirect_dma source(%dma_start3A_64 : memref<10112x128xf32, #tpu.memory_space<hbm>>) target(%arg10 : memref<128x128xf32, #tpu.memory_space<vmem>>) offsets(%dma_start3A_61 : memref<128xi32, #tpu.memory_space<vmem>>) semaphore(%arg13 : memref<!tpu.dma_semaphore, #tpu.memory_space<semaphore_mem>>)
      %dma_wait3A = arith.constant 38 : i32
      %dma_wait3A_65 = arith.constant 0 : i32
      %dma_wait3A_66 = tpu.memref_slice %arg7[%dma_wait3A, %dma_wait3A_65] : memref<40x128xi32, #tpu.memory_space<vmem>> -> memref<1x128xi32, #tpu.memory_space<vmem>>
      %dma_wait3A_67 = tpu.memref_squeeze %dma_wait3A_66 : memref<1x128xi32, #tpu.memory_space<vmem>> -> memref<128xi32, #tpu.memory_space<vmem>>
      %dma_wait3A_68 = arith.constant 0 : i32
      %dma_wait3A_69 = arith.constant 0 : i32
      %dma_wait3A_70 = tpu.memref_slice %arg2[%dma_wait3A_68, %dma_wait3A_69] : memref<10112x128xf32, #tpu.memory_space<hbm>> -> memref<10112x128xf32, #tpu.memory_space<hbm>>
      tpu.wait_indirect_dma semaphore(%arg12 : memref<!tpu.dma_semaphore, #tpu.memory_space<semaphore_mem>>) src(%dma_wait3A_70 : memref<10112x128xf32, #tpu.memory_space<hbm>>) dst(%arg9 : memref<128x128xf32, #tpu.memory_space<vmem>>)
      %run_scoped3A = arith.constant 38 : i32
      "tpu.region"() ({
        %run_scoped3A_79 = tpu.sem_alloc : memref<!tpu.dma_semaphore, #tpu.memory_space<semaphore_mem>>
        %dma_start3A_80 = arith.constant 0 : i32
        %dma_start3A_81 = tpu.memref_slice %arg8[%run_scoped3A, %dma_start3A_80] : memref<40x128xi32, #tpu.memory_space<vmem>> -> memref<1x128xi32, #tpu.memory_space<vmem>>
        %dma_start3A_82 = tpu.memref_squeeze %dma_start3A_81 : memref<1x128xi32, #tpu.memory_space<vmem>> -> memref<128xi32, #tpu.memory_space<vmem>>
        %dma_start3A_83 = arith.constant 0 : i32
        %dma_start3A_84 = arith.constant 0 : i32
        %dma_start3A_85 = tpu.memref_slice %arg11[%dma_start3A_83, %dma_start3A_84] : memref<10112x128xf32, #tpu.memory_space<vmem_shared>> -> memref<10112x128xf32, #tpu.memory_space<vmem_shared>>
        tpu.enqueue_indirect_dma source(%arg9 : memref<128x128xf32, #tpu.memory_space<vmem>>) target(%dma_start3A_85 : memref<10112x128xf32, #tpu.memory_space<vmem_shared>>) offsets(%dma_start3A_82 : memref<128xi32, #tpu.memory_space<vmem>>) semaphore(%run_scoped3A_79 : memref<!tpu.dma_semaphore, #tpu.memory_space<semaphore_mem>>) {add = true}
        %dma_wait3A_86 = arith.constant 0 : i32
        %dma_wait3A_87 = tpu.memref_slice %arg8[%run_scoped3A, %dma_wait3A_86] : memref<40x128xi32, #tpu.memory_space<vmem>> -> memref<1x128xi32, #tpu.memory_space<vmem>>
        %dma_wait3A_88 = tpu.memref_squeeze %dma_wait3A_87 : memref<1x128xi32, #tpu.memory_space<vmem>> -> memref<128xi32, #tpu.memory_space<vmem>>
        %dma_wait3A_89 = arith.constant 0 : i32
        %dma_wait3A_90 = arith.constant 0 : i32
        %dma_wait3A_91 = tpu.memref_slice %arg11[%dma_wait3A_89, %dma_wait3A_90] : memref<10112x128xf32, #tpu.memory_space<vmem_shared>> -> memref<10112x128xf32, #tpu.memory_space<vmem_shared>>
        tpu.wait_indirect_dma semaphore(%run_scoped3A_79 : memref<!tpu.dma_semaphore, #tpu.memory_space<semaphore_mem>>) src(%arg9 : memref<128x128xf32, #tpu.memory_space<vmem>>) dst(%dma_wait3A_91 : memref<10112x128xf32, #tpu.memory_space<vmem_shared>>)
        tpu.yield
      }) : () -> ()
      %dma_wait3A_71 = arith.constant 39 : i32
      %dma_wait3A_72 = arith.constant 0 : i32
      %dma_wait3A_73 = tpu.memref_slice %arg7[%dma_wait3A_71, %dma_wait3A_72] : memref<40x128xi32, #tpu.memory_space<vmem>> -> memref<1x128xi32, #tpu.memory_space<vmem>>
      %dma_wait3A_74 = tpu.memref_squeeze %dma_wait3A_73 : memref<1x128xi32, #tpu.memory_space<vmem>> -> memref<128xi32, #tpu.memory_space<vmem>>
      %dma_wait3A_75 = arith.constant 0 : i32
      %dma_wait3A_76 = arith.constant 0 : i32
      %dma_wait3A_77 = tpu.memref_slice %arg2[%dma_wait3A_75, %dma_wait3A_76] : memref<10112x128xf32, #tpu.memory_space<hbm>> -> memref<10112x128xf32, #tpu.memory_space<hbm>>
      tpu.wait_indirect_dma semaphore(%arg13 : memref<!tpu.dma_semaphore, #tpu.memory_space<semaphore_mem>>) src(%dma_wait3A_77 : memref<10112x128xf32, #tpu.memory_space<hbm>>) dst(%arg10 : memref<128x128xf32, #tpu.memory_space<vmem>>)
      %run_scoped3A_78 = arith.constant 39 : i32
      "tpu.region"() ({
        %run_scoped3A_79 = tpu.sem_alloc : memref<!tpu.dma_semaphore, #tpu.memory_space<semaphore_mem>>
        %dma_start3A_80 = arith.constant 0 : i32
        %dma_start3A_81 = tpu.memref_slice %arg8[%run_scoped3A_78, %dma_start3A_80] : memref<40x128xi32, #tpu.memory_space<vmem>> -> memref<1x128xi32, #tpu.memory_space<vmem>>
        %dma_start3A_82 = tpu.memref_squeeze %dma_start3A_81 : memref<1x128xi32, #tpu.memory_space<vmem>> -> memref<128xi32, #tpu.memory_space<vmem>>
        %dma_start3A_83 = arith.constant 0 : i32
        %dma_start3A_84 = arith.constant 0 : i32
        %dma_start3A_85 = tpu.memref_slice %arg11[%dma_start3A_83, %dma_start3A_84] : memref<10112x128xf32, #tpu.memory_space<vmem_shared>> -> memref<10112x128xf32, #tpu.memory_space<vmem_shared>>
        tpu.enqueue_indirect_dma source(%arg10 : memref<128x128xf32, #tpu.memory_space<vmem>>) target(%dma_start3A_85 : memref<10112x128xf32, #tpu.memory_space<vmem_shared>>) offsets(%dma_start3A_82 : memref<128xi32, #tpu.memory_space<vmem>>) semaphore(%run_scoped3A_79 : memref<!tpu.dma_semaphore, #tpu.memory_space<semaphore_mem>>) {add = true}
        %dma_wait3A_86 = arith.constant 0 : i32
        %dma_wait3A_87 = tpu.memref_slice %arg8[%run_scoped3A_78, %dma_wait3A_86] : memref<40x128xi32, #tpu.memory_space<vmem>> -> memref<1x128xi32, #tpu.memory_space<vmem>>
        %dma_wait3A_88 = tpu.memref_squeeze %dma_wait3A_87 : memref<1x128xi32, #tpu.memory_space<vmem>> -> memref<128xi32, #tpu.memory_space<vmem>>
        %dma_wait3A_89 = arith.constant 0 : i32
        %dma_wait3A_90 = arith.constant 0 : i32
        %dma_wait3A_91 = tpu.memref_slice %arg11[%dma_wait3A_89, %dma_wait3A_90] : memref<10112x128xf32, #tpu.memory_space<vmem_shared>> -> memref<10112x128xf32, #tpu.memory_space<vmem_shared>>
        tpu.wait_indirect_dma semaphore(%run_scoped3A_79 : memref<!tpu.dma_semaphore, #tpu.memory_space<semaphore_mem>>) src(%arg10 : memref<128x128xf32, #tpu.memory_space<vmem>>) dst(%dma_wait3A_91 : memref<10112x128xf32, #tpu.memory_space<vmem_shared>>)
        tpu.yield
      }) : () -> ()
    }
    %scan3A_21 = arith.constant 2 : i32
    %barrier3A_22 = arith.constant 0 : index
    tpu.barrier barrier_id(%barrier3A_22)
    %add3A_23 = arith.constant 0 : i32
    %add3A_24 = arith.addi %multiple_of3A, %add3A_23 : i32
    %multiple_of3A_25 = tpu.assume_multiple %add3A_24, 8 : i32
    "tpu.region"() ({
      %run_scoped3A = tpu.sem_alloc : memref<!tpu.dma_semaphore, #tpu.memory_space<semaphore_mem>>
      %dma_start3A = arith.constant 0 : i32
      %dma_start3A_38 = arith.constant 0 : i32
      %dma_start3A_39 = tpu.memref_slice %arg9[%dma_start3A, %dma_start3A_38] : memref<128x128xf32, #tpu.memory_space<vmem>> -> memref<128x128xf32, #tpu.memory_space<vmem>>
      %dma_start3A_40 = arith.constant 0 : i32
      %dma_start3A_41 = tpu.memref_slice %arg11[%multiple_of3A_25, %dma_start3A_40] : memref<10112x128xf32, #tpu.memory_space<vmem_shared>> -> memref<128x128xf32, #tpu.memory_space<vmem_shared>>
      %dma_start3A_42 = arith.constant 0 : i32
      %dma_start3A_43 = arith.constant 0 : i32
      %dma_start3A_44 = tpu.memref_slice %arg9[%dma_start3A_42, %dma_start3A_43] : memref<128x128xf32, #tpu.memory_space<vmem>> -> memref<128x128xf32, #tpu.memory_space<vmem>>
      %dma_start3A_45 = arith.constant 0 : i32
      %dma_start3A_46 = tpu.memref_slice %arg11[%multiple_of3A_25, %dma_start3A_45] : memref<10112x128xf32, #tpu.memory_space<vmem_shared>> -> memref<128x128xf32, #tpu.memory_space<vmem_shared>>
      tpu.enqueue_dma source(%dma_start3A_46 : memref<128x128xf32, #tpu.memory_space<vmem_shared>>) target(%dma_start3A_44 : memref<128x128xf32, #tpu.memory_space<vmem>>) target_semaphore(%run_scoped3A : memref<!tpu.dma_semaphore, #tpu.memory_space<semaphore_mem>>)
      %dma_wait3A = arith.constant 0 : i32
      %dma_wait3A_47 = arith.constant 0 : i32
      %dma_wait3A_48 = tpu.memref_slice %arg9[%dma_wait3A, %dma_wait3A_47] : memref<128x128xf32, #tpu.memory_space<vmem>> -> memref<128x128xf32, #tpu.memory_space<vmem>>
      %dma_wait3A_49 = arith.constant 0 : i32
      %dma_wait3A_50 = tpu.memref_slice %arg11[%multiple_of3A_25, %dma_wait3A_49] : memref<10112x128xf32, #tpu.memory_space<vmem_shared>> -> memref<128x128xf32, #tpu.memory_space<vmem_shared>>
      %dma_wait3A_51 = arith.constant 0 : i32
      %dma_wait3A_52 = arith.constant 0 : i32
      %dma_wait3A_53 = tpu.memref_slice %arg9[%dma_wait3A_51, %dma_wait3A_52] : memref<128x128xf32, #tpu.memory_space<vmem>> -> memref<128x128xf32, #tpu.memory_space<vmem>>
      %dma_wait3A_54 = arith.constant 0 : i32
      %dma_wait3A_55 = tpu.memref_slice %arg11[%multiple_of3A_25, %dma_wait3A_54] : memref<10112x128xf32, #tpu.memory_space<vmem_shared>> -> memref<128x128xf32, #tpu.memory_space<vmem_shared>>
      tpu.wait_dma2 semaphore(%run_scoped3A : memref<!tpu.dma_semaphore, #tpu.memory_space<semaphore_mem>>) src(%dma_wait3A_55 : memref<128x128xf32, #tpu.memory_space<vmem_shared>>) dst(%dma_wait3A_53 : memref<128x128xf32, #tpu.memory_space<vmem>>)
      tpu.yield
    }) : () -> ()
    "tpu.region"() ({
      %run_scoped3A = tpu.sem_alloc : memref<!tpu.dma_semaphore, #tpu.memory_space<semaphore_mem>>
      %dma_start3A = arith.constant 0 : i32
      %dma_start3A_38 = arith.constant 0 : i32
      %dma_start3A_39 = tpu.memref_slice %arg9[%dma_start3A, %dma_start3A_38] : memref<128x128xf32, #tpu.memory_space<vmem>> -> memref<128x128xf32, #tpu.memory_space<vmem>>
      %dma_start3A_40 = arith.constant 0 : i32
      %dma_start3A_41 = tpu.memref_slice %arg6[%arg0, %multiple_of3A_25, %dma_start3A_40] : memref<2x10112x128xf32, #tpu.memory_space<hbm>> -> memref<1x128x128xf32, #tpu.memory_space<hbm>>
      %dma_start3A_42 = tpu.memref_squeeze %dma_start3A_41 : memref<1x128x128xf32, #tpu.memory_space<hbm>> -> memref<128x128xf32, #tpu.memory_space<hbm>>
      %dma_start3A_43 = arith.constant 0 : i32
      %dma_start3A_44 = tpu.memref_slice %arg6[%arg0, %multiple_of3A_25, %dma_start3A_43] : memref<2x10112x128xf32, #tpu.memory_space<hbm>> -> memref<1x128x128xf32, #tpu.memory_space<hbm>>
      %dma_start3A_45 = tpu.memref_squeeze %dma_start3A_44 : memref<1x128x128xf32, #tpu.memory_space<hbm>> -> memref<128x128xf32, #tpu.memory_space<hbm>>
      %dma_start3A_46 = arith.constant 0 : i32
      %dma_start3A_47 = arith.constant 0 : i32
      %dma_start3A_48 = tpu.memref_slice %arg9[%dma_start3A_46, %dma_start3A_47] : memref<128x128xf32, #tpu.memory_space<vmem>> -> memref<128x128xf32, #tpu.memory_space<vmem>>
      tpu.enqueue_dma source(%dma_start3A_48 : memref<128x128xf32, #tpu.memory_space<vmem>>) target(%dma_start3A_45 : memref<128x128xf32, #tpu.memory_space<hbm>>) target_semaphore(%run_scoped3A : memref<!tpu.dma_semaphore, #tpu.memory_space<semaphore_mem>>)
      %dma_wait3A = arith.constant 0 : i32
      %dma_wait3A_49 = arith.constant 0 : i32
      %dma_wait3A_50 = tpu.memref_slice %arg9[%dma_wait3A, %dma_wait3A_49] : memref<128x128xf32, #tpu.memory_space<vmem>> -> memref<128x128xf32, #tpu.memory_space<vmem>>
      %dma_wait3A_51 = arith.constant 0 : i32
      %dma_wait3A_52 = tpu.memref_slice %arg6[%arg0, %multiple_of3A_25, %dma_wait3A_51] : memref<2x10112x128xf32, #tpu.memory_space<hbm>> -> memref<1x128x128xf32, #tpu.memory_space<hbm>>
      %dma_wait3A_53 = tpu.memref_squeeze %dma_wait3A_52 : memref<1x128x128xf32, #tpu.memory_space<hbm>> -> memref<128x128xf32, #tpu.memory_space<hbm>>
      %dma_wait3A_54 = arith.constant 0 : i32
      %dma_wait3A_55 = tpu.memref_slice %arg6[%arg0, %multiple_of3A_25, %dma_wait3A_54] : memref<2x10112x128xf32, #tpu.memory_space<hbm>> -> memref<1x128x128xf32, #tpu.memory_space<hbm>>
      %dma_wait3A_56 = tpu.memref_squeeze %dma_wait3A_55 : memref<1x128x128xf32, #tpu.memory_space<hbm>> -> memref<128x128xf32, #tpu.memory_space<hbm>>
      %dma_wait3A_57 = arith.constant 0 : i32
      %dma_wait3A_58 = arith.constant 0 : i32
      %dma_wait3A_59 = tpu.memref_slice %arg9[%dma_wait3A_57, %dma_wait3A_58] : memref<128x128xf32, #tpu.memory_space<vmem>> -> memref<128x128xf32, #tpu.memory_space<vmem>>
      tpu.wait_dma2 semaphore(%run_scoped3A : memref<!tpu.dma_semaphore, #tpu.memory_space<semaphore_mem>>) src(%dma_wait3A_59 : memref<128x128xf32, #tpu.memory_space<vmem>>) dst(%dma_wait3A_56 : memref<128x128xf32, #tpu.memory_space<hbm>>)
      tpu.yield
    }) : () -> ()
    %add3A_26 = arith.constant 128 : i32
    %add3A_27 = arith.addi %multiple_of3A, %add3A_26 : i32
    %multiple_of3A_28 = tpu.assume_multiple %add3A_27, 8 : i32
    "tpu.region"() ({
      %run_scoped3A = tpu.sem_alloc : memref<!tpu.dma_semaphore, #tpu.memory_space<semaphore_mem>>
      %dma_start3A = arith.constant 0 : i32
      %dma_start3A_38 = arith.constant 0 : i32
      %dma_start3A_39 = tpu.memref_slice %arg9[%dma_start3A, %dma_start3A_38] : memref<128x128xf32, #tpu.memory_space<vmem>> -> memref<128x128xf32, #tpu.memory_space<vmem>>
      %dma_start3A_40 = arith.constant 0 : i32
      %dma_start3A_41 = tpu.memref_slice %arg11[%multiple_of3A_28, %dma_start3A_40] : memref<10112x128xf32, #tpu.memory_space<vmem_shared>> -> memref<128x128xf32, #tpu.memory_space<vmem_shared>>
      %dma_start3A_42 = arith.constant 0 : i32
      %dma_start3A_43 = arith.constant 0 : i32
      %dma_start3A_44 = tpu.memref_slice %arg9[%dma_start3A_42, %dma_start3A_43] : memref<128x128xf32, #tpu.memory_space<vmem>> -> memref<128x128xf32, #tpu.memory_space<vmem>>
      %dma_start3A_45 = arith.constant 0 : i32
      %dma_start3A_46 = tpu.memref_slice %arg11[%multiple_of3A_28, %dma_start3A_45] : memref<10112x128xf32, #tpu.memory_space<vmem_shared>> -> memref<128x128xf32, #tpu.memory_space<vmem_shared>>
      tpu.enqueue_dma source(%dma_start3A_46 : memref<128x128xf32, #tpu.memory_space<vmem_shared>>) target(%dma_start3A_44 : memref<128x128xf32, #tpu.memory_space<vmem>>) target_semaphore(%run_scoped3A : memref<!tpu.dma_semaphore, #tpu.memory_space<semaphore_mem>>)
      %dma_wait3A = arith.constant 0 : i32
      %dma_wait3A_47 = arith.constant 0 : i32
      %dma_wait3A_48 = tpu.memref_slice %arg9[%dma_wait3A, %dma_wait3A_47] : memref<128x128xf32, #tpu.memory_space<vmem>> -> memref<128x128xf32, #tpu.memory_space<vmem>>
      %dma_wait3A_49 = arith.constant 0 : i32
      %dma_wait3A_50 = tpu.memref_slice %arg11[%multiple_of3A_28, %dma_wait3A_49] : memref<10112x128xf32, #tpu.memory_space<vmem_shared>> -> memref<128x128xf32, #tpu.memory_space<vmem_shared>>
      %dma_wait3A_51 = arith.constant 0 : i32
      %dma_wait3A_52 = arith.constant 0 : i32
      %dma_wait3A_53 = tpu.memref_slice %arg9[%dma_wait3A_51, %dma_wait3A_52] : memref<128x128xf32, #tpu.memory_space<vmem>> -> memref<128x128xf32, #tpu.memory_space<vmem>>
      %dma_wait3A_54 = arith.constant 0 : i32
      %dma_wait3A_55 = tpu.memref_slice %arg11[%multiple_of3A_28, %dma_wait3A_54] : memref<10112x128xf32, #tpu.memory_space<vmem_shared>> -> memref<128x128xf32, #tpu.memory_space<vmem_shared>>
      tpu.wait_dma2 semaphore(%run_scoped3A : memref<!tpu.dma_semaphore, #tpu.memory_space<semaphore_mem>>) src(%dma_wait3A_55 : memref<128x128xf32, #tpu.memory_space<vmem_shared>>) dst(%dma_wait3A_53 : memref<128x128xf32, #tpu.memory_space<vmem>>)
      tpu.yield
    }) : () -> ()
    "tpu.region"() ({
      %run_scoped3A = tpu.sem_alloc : memref<!tpu.dma_semaphore, #tpu.memory_space<semaphore_mem>>
      %dma_start3A = arith.constant 0 : i32
      %dma_start3A_38 = arith.constant 0 : i32
      %dma_start3A_39 = tpu.memref_slice %arg9[%dma_start3A, %dma_start3A_38] : memref<128x128xf32, #tpu.memory_space<vmem>> -> memref<128x128xf32, #tpu.memory_space<vmem>>
      %dma_start3A_40 = arith.constant 0 : i32
      %dma_start3A_41 = tpu.memref_slice %arg6[%arg0, %multiple_of3A_28, %dma_start3A_40] : memref<2x10112x128xf32, #tpu.memory_space<hbm>> -> memref<1x128x128xf32, #tpu.memory_space<hbm>>
      %dma_start3A_42 = tpu.memref_squeeze %dma_start3A_41 : memref<1x128x128xf32, #tpu.memory_space<hbm>> -> memref<128x128xf32, #tpu.memory_space<hbm>>
      %dma_start3A_43 = arith.constant 0 : i32
      %dma_start3A_44 = tpu.memref_slice %arg6[%arg0, %multiple_of3A_28, %dma_start3A_43] : memref<2x10112x128xf32, #tpu.memory_space<hbm>> -> memref<1x128x128xf32, #tpu.memory_space<hbm>>
      %dma_start3A_45 = tpu.memref_squeeze %dma_start3A_44 : memref<1x128x128xf32, #tpu.memory_space<hbm>> -> memref<128x128xf32, #tpu.memory_space<hbm>>
      %dma_start3A_46 = arith.constant 0 : i32
      %dma_start3A_47 = arith.constant 0 : i32
      %dma_start3A_48 = tpu.memref_slice %arg9[%dma_start3A_46, %dma_start3A_47] : memref<128x128xf32, #tpu.memory_space<vmem>> -> memref<128x128xf32, #tpu.memory_space<vmem>>
      tpu.enqueue_dma source(%dma_start3A_48 : memref<128x128xf32, #tpu.memory_space<vmem>>) target(%dma_start3A_45 : memref<128x128xf32, #tpu.memory_space<hbm>>) target_semaphore(%run_scoped3A : memref<!tpu.dma_semaphore, #tpu.memory_space<semaphore_mem>>)
      %dma_wait3A = arith.constant 0 : i32
      %dma_wait3A_49 = arith.constant 0 : i32
      %dma_wait3A_50 = tpu.memref_slice %arg9[%dma_wait3A, %dma_wait3A_49] : memref<128x128xf32, #tpu.memory_space<vmem>> -> memref<128x128xf32, #tpu.memory_space<vmem>>
      %dma_wait3A_51 = arith.constant 0 : i32
      %dma_wait3A_52 = tpu.memref_slice %arg6[%arg0, %multiple_of3A_28, %dma_wait3A_51] : memref<2x10112x128xf32, #tpu.memory_space<hbm>> -> memref<1x128x128xf32, #tpu.memory_space<hbm>>
      %dma_wait3A_53 = tpu.memref_squeeze %dma_wait3A_52 : memref<1x128x128xf32, #tpu.memory_space<hbm>> -> memref<128x128xf32, #tpu.memory_space<hbm>>
      %dma_wait3A_54 = arith.constant 0 : i32
      %dma_wait3A_55 = tpu.memref_slice %arg6[%arg0, %multiple_of3A_28, %dma_wait3A_54] : memref<2x10112x128xf32, #tpu.memory_space<hbm>> -> memref<1x128x128xf32, #tpu.memory_space<hbm>>
      %dma_wait3A_56 = tpu.memref_squeeze %dma_wait3A_55 : memref<1x128x128xf32, #tpu.memory_space<hbm>> -> memref<128x128xf32, #tpu.memory_space<hbm>>
      %dma_wait3A_57 = arith.constant 0 : i32
      %dma_wait3A_58 = arith.constant 0 : i32
      %dma_wait3A_59 = tpu.memref_slice %arg9[%dma_wait3A_57, %dma_wait3A_58] : memref<128x128xf32, #tpu.memory_space<vmem>> -> memref<128x128xf32, #tpu.memory_space<vmem>>
      tpu.wait_dma2 semaphore(%run_scoped3A : memref<!tpu.dma_semaphore, #tpu.memory_space<semaphore_mem>>) src(%dma_wait3A_59 : memref<128x128xf32, #tpu.memory_space<vmem>>) dst(%dma_wait3A_56 : memref<128x128xf32, #tpu.memory_space<hbm>>)
      tpu.yield
    }) : () -> ()
    %add3A_29 = arith.constant 256 : i32
    %add3A_30 = arith.addi %multiple_of3A, %add3A_29 : i32
    %multiple_of3A_31 = tpu.assume_multiple %add3A_30, 8 : i32
    "tpu.region"() ({
      %run_scoped3A = tpu.sem_alloc : memref<!tpu.dma_semaphore, #tpu.memory_space<semaphore_mem>>
      %dma_start3A = arith.constant 0 : i32
      %dma_start3A_38 = arith.constant 0 : i32
      %dma_start3A_39 = tpu.memref_slice %arg9[%dma_start3A, %dma_start3A_38] : memref<128x128xf32, #tpu.memory_space<vmem>> -> memref<128x128xf32, #tpu.memory_space<vmem>>
      %dma_start3A_40 = arith.constant 0 : i32
      %dma_start3A_41 = tpu.memref_slice %arg11[%multiple_of3A_31, %dma_start3A_40] : memref<10112x128xf32, #tpu.memory_space<vmem_shared>> -> memref<128x128xf32, #tpu.memory_space<vmem_shared>>
      %dma_start3A_42 = arith.constant 0 : i32
      %dma_start3A_43 = arith.constant 0 : i32
      %dma_start3A_44 = tpu.memref_slice %arg9[%dma_start3A_42, %dma_start3A_43] : memref<128x128xf32, #tpu.memory_space<vmem>> -> memref<128x128xf32, #tpu.memory_space<vmem>>
      %dma_start3A_45 = arith.constant 0 : i32
      %dma_start3A_46 = tpu.memref_slice %arg11[%multiple_of3A_31, %dma_start3A_45] : memref<10112x128xf32, #tpu.memory_space<vmem_shared>> -> memref<128x128xf32, #tpu.memory_space<vmem_shared>>
      tpu.enqueue_dma source(%dma_start3A_46 : memref<128x128xf32, #tpu.memory_space<vmem_shared>>) target(%dma_start3A_44 : memref<128x128xf32, #tpu.memory_space<vmem>>) target_semaphore(%run_scoped3A : memref<!tpu.dma_semaphore, #tpu.memory_space<semaphore_mem>>)
      %dma_wait3A = arith.constant 0 : i32
      %dma_wait3A_47 = arith.constant 0 : i32
      %dma_wait3A_48 = tpu.memref_slice %arg9[%dma_wait3A, %dma_wait3A_47] : memref<128x128xf32, #tpu.memory_space<vmem>> -> memref<128x128xf32, #tpu.memory_space<vmem>>
      %dma_wait3A_49 = arith.constant 0 : i32
      %dma_wait3A_50 = tpu.memref_slice %arg11[%multiple_of3A_31, %dma_wait3A_49] : memref<10112x128xf32, #tpu.memory_space<vmem_shared>> -> memref<128x128xf32, #tpu.memory_space<vmem_shared>>
      %dma_wait3A_51 = arith.constant 0 : i32
      %dma_wait3A_52 = arith.constant 0 : i32
      %dma_wait3A_53 = tpu.memref_slice %arg9[%dma_wait3A_51, %dma_wait3A_52] : memref<128x128xf32, #tpu.memory_space<vmem>> -> memref<128x128xf32, #tpu.memory_space<vmem>>
      %dma_wait3A_54 = arith.constant 0 : i32
      %dma_wait3A_55 = tpu.memref_slice %arg11[%multiple_of3A_31, %dma_wait3A_54] : memref<10112x128xf32, #tpu.memory_space<vmem_shared>> -> memref<128x128xf32, #tpu.memory_space<vmem_shared>>
      tpu.wait_dma2 semaphore(%run_scoped3A : memref<!tpu.dma_semaphore, #tpu.memory_space<semaphore_mem>>) src(%dma_wait3A_55 : memref<128x128xf32, #tpu.memory_space<vmem_shared>>) dst(%dma_wait3A_53 : memref<128x128xf32, #tpu.memory_space<vmem>>)
      tpu.yield
    }) : () -> ()
    "tpu.region"() ({
      %run_scoped3A = tpu.sem_alloc : memref<!tpu.dma_semaphore, #tpu.memory_space<semaphore_mem>>
      %dma_start3A = arith.constant 0 : i32
      %dma_start3A_38 = arith.constant 0 : i32
      %dma_start3A_39 = tpu.memref_slice %arg9[%dma_start3A, %dma_start3A_38] : memref<128x128xf32, #tpu.memory_space<vmem>> -> memref<128x128xf32, #tpu.memory_space<vmem>>
      %dma_start3A_40 = arith.constant 0 : i32
      %dma_start3A_41 = tpu.memref_slice %arg6[%arg0, %multiple_of3A_31, %dma_start3A_40] : memref<2x10112x128xf32, #tpu.memory_space<hbm>> -> memref<1x128x128xf32, #tpu.memory_space<hbm>>
      %dma_start3A_42 = tpu.memref_squeeze %dma_start3A_41 : memref<1x128x128xf32, #tpu.memory_space<hbm>> -> memref<128x128xf32, #tpu.memory_space<hbm>>
      %dma_start3A_43 = arith.constant 0 : i32
      %dma_start3A_44 = tpu.memref_slice %arg6[%arg0, %multiple_of3A_31, %dma_start3A_43] : memref<2x10112x128xf32, #tpu.memory_space<hbm>> -> memref<1x128x128xf32, #tpu.memory_space<hbm>>
      %dma_start3A_45 = tpu.memref_squeeze %dma_start3A_44 : memref<1x128x128xf32, #tpu.memory_space<hbm>> -> memref<128x128xf32, #tpu.memory_space<hbm>>
      %dma_start3A_46 = arith.constant 0 : i32
      %dma_start3A_47 = arith.constant 0 : i32
      %dma_start3A_48 = tpu.memref_slice %arg9[%dma_start3A_46, %dma_start3A_47] : memref<128x128xf32, #tpu.memory_space<vmem>> -> memref<128x128xf32, #tpu.memory_space<vmem>>
      tpu.enqueue_dma source(%dma_start3A_48 : memref<128x128xf32, #tpu.memory_space<vmem>>) target(%dma_start3A_45 : memref<128x128xf32, #tpu.memory_space<hbm>>) target_semaphore(%run_scoped3A : memref<!tpu.dma_semaphore, #tpu.memory_space<semaphore_mem>>)
      %dma_wait3A = arith.constant 0 : i32
      %dma_wait3A_49 = arith.constant 0 : i32
      %dma_wait3A_50 = tpu.memref_slice %arg9[%dma_wait3A, %dma_wait3A_49] : memref<128x128xf32, #tpu.memory_space<vmem>> -> memref<128x128xf32, #tpu.memory_space<vmem>>
      %dma_wait3A_51 = arith.constant 0 : i32
      %dma_wait3A_52 = tpu.memref_slice %arg6[%arg0, %multiple_of3A_31, %dma_wait3A_51] : memref<2x10112x128xf32, #tpu.memory_space<hbm>> -> memref<1x128x128xf32, #tpu.memory_space<hbm>>
      %dma_wait3A_53 = tpu.memref_squeeze %dma_wait3A_52 : memref<1x128x128xf32, #tpu.memory_space<hbm>> -> memref<128x128xf32, #tpu.memory_space<hbm>>
      %dma_wait3A_54 = arith.constant 0 : i32
      %dma_wait3A_55 = tpu.memref_slice %arg6[%arg0, %multiple_of3A_31, %dma_wait3A_54] : memref<2x10112x128xf32, #tpu.memory_space<hbm>> -> memref<1x128x128xf32, #tpu.memory_space<hbm>>
      %dma_wait3A_56 = tpu.memref_squeeze %dma_wait3A_55 : memref<1x128x128xf32, #tpu.memory_space<hbm>> -> memref<128x128xf32, #tpu.memory_space<hbm>>
      %dma_wait3A_57 = arith.constant 0 : i32
      %dma_wait3A_58 = arith.constant 0 : i32
      %dma_wait3A_59 = tpu.memref_slice %arg9[%dma_wait3A_57, %dma_wait3A_58] : memref<128x128xf32, #tpu.memory_space<vmem>> -> memref<128x128xf32, #tpu.memory_space<vmem>>
      tpu.wait_dma2 semaphore(%run_scoped3A : memref<!tpu.dma_semaphore, #tpu.memory_space<semaphore_mem>>) src(%dma_wait3A_59 : memref<128x128xf32, #tpu.memory_space<vmem>>) dst(%dma_wait3A_56 : memref<128x128xf32, #tpu.memory_space<hbm>>)
      tpu.yield
    }) : () -> ()
    %add3A_32 = arith.constant 384 : i32
    %add3A_33 = arith.addi %multiple_of3A, %add3A_32 : i32
    %multiple_of3A_34 = tpu.assume_multiple %add3A_33, 8 : i32
    "tpu.region"() ({
      %run_scoped3A = tpu.sem_alloc : memref<!tpu.dma_semaphore, #tpu.memory_space<semaphore_mem>>
      %dma_start3A = arith.constant 0 : i32
      %dma_start3A_38 = arith.constant 0 : i32
      %dma_start3A_39 = tpu.memref_slice %arg9[%dma_start3A, %dma_start3A_38] : memref<128x128xf32, #tpu.memory_space<vmem>> -> memref<128x128xf32, #tpu.memory_space<vmem>>
      %dma_start3A_40 = arith.constant 0 : i32
      %dma_start3A_41 = tpu.memref_slice %arg11[%multiple_of3A_34, %dma_start3A_40] : memref<10112x128xf32, #tpu.memory_space<vmem_shared>> -> memref<128x128xf32, #tpu.memory_space<vmem_shared>>
      %dma_start3A_42 = arith.constant 0 : i32
      %dma_start3A_43 = arith.constant 0 : i32
      %dma_start3A_44 = tpu.memref_slice %arg9[%dma_start3A_42, %dma_start3A_43] : memref<128x128xf32, #tpu.memory_space<vmem>> -> memref<128x128xf32, #tpu.memory_space<vmem>>
      %dma_start3A_45 = arith.constant 0 : i32
      %dma_start3A_46 = tpu.memref_slice %arg11[%multiple_of3A_34, %dma_start3A_45] : memref<10112x128xf32, #tpu.memory_space<vmem_shared>> -> memref<128x128xf32, #tpu.memory_space<vmem_shared>>
      tpu.enqueue_dma source(%dma_start3A_46 : memref<128x128xf32, #tpu.memory_space<vmem_shared>>) target(%dma_start3A_44 : memref<128x128xf32, #tpu.memory_space<vmem>>) target_semaphore(%run_scoped3A : memref<!tpu.dma_semaphore, #tpu.memory_space<semaphore_mem>>)
      %dma_wait3A = arith.constant 0 : i32
      %dma_wait3A_47 = arith.constant 0 : i32
      %dma_wait3A_48 = tpu.memref_slice %arg9[%dma_wait3A, %dma_wait3A_47] : memref<128x128xf32, #tpu.memory_space<vmem>> -> memref<128x128xf32, #tpu.memory_space<vmem>>
      %dma_wait3A_49 = arith.constant 0 : i32
      %dma_wait3A_50 = tpu.memref_slice %arg11[%multiple_of3A_34, %dma_wait3A_49] : memref<10112x128xf32, #tpu.memory_space<vmem_shared>> -> memref<128x128xf32, #tpu.memory_space<vmem_shared>>
      %dma_wait3A_51 = arith.constant 0 : i32
      %dma_wait3A_52 = arith.constant 0 : i32
      %dma_wait3A_53 = tpu.memref_slice %arg9[%dma_wait3A_51, %dma_wait3A_52] : memref<128x128xf32, #tpu.memory_space<vmem>> -> memref<128x128xf32, #tpu.memory_space<vmem>>
      %dma_wait3A_54 = arith.constant 0 : i32
      %dma_wait3A_55 = tpu.memref_slice %arg11[%multiple_of3A_34, %dma_wait3A_54] : memref<10112x128xf32, #tpu.memory_space<vmem_shared>> -> memref<128x128xf32, #tpu.memory_space<vmem_shared>>
      tpu.wait_dma2 semaphore(%run_scoped3A : memref<!tpu.dma_semaphore, #tpu.memory_space<semaphore_mem>>) src(%dma_wait3A_55 : memref<128x128xf32, #tpu.memory_space<vmem_shared>>) dst(%dma_wait3A_53 : memref<128x128xf32, #tpu.memory_space<vmem>>)
      tpu.yield
    }) : () -> ()
    "tpu.region"() ({
      %run_scoped3A = tpu.sem_alloc : memref<!tpu.dma_semaphore, #tpu.memory_space<semaphore_mem>>
      %dma_start3A = arith.constant 0 : i32
      %dma_start3A_38 = arith.constant 0 : i32
      %dma_start3A_39 = tpu.memref_slice %arg9[%dma_start3A, %dma_start3A_38] : memref<128x128xf32, #tpu.memory_space<vmem>> -> memref<128x128xf32, #tpu.memory_space<vmem>>
      %dma_start3A_40 = arith.constant 0 : i32
      %dma_start3A_41 = tpu.memref_slice %arg6[%arg0, %multiple_of3A_34, %dma_start3A_40] : memref<2x10112x128xf32, #tpu.memory_space<hbm>> -> memref<1x128x128xf32, #tpu.memory_space<hbm>>
      %dma_start3A_42 = tpu.memref_squeeze %dma_start3A_41 : memref<1x128x128xf32, #tpu.memory_space<hbm>> -> memref<128x128xf32, #tpu.memory_space<hbm>>
      %dma_start3A_43 = arith.constant 0 : i32
      %dma_start3A_44 = tpu.memref_slice %arg6[%arg0, %multiple_of3A_34, %dma_start3A_43] : memref<2x10112x128xf32, #tpu.memory_space<hbm>> -> memref<1x128x128xf32, #tpu.memory_space<hbm>>
      %dma_start3A_45 = tpu.memref_squeeze %dma_start3A_44 : memref<1x128x128xf32, #tpu.memory_space<hbm>> -> memref<128x128xf32, #tpu.memory_space<hbm>>
      %dma_start3A_46 = arith.constant 0 : i32
      %dma_start3A_47 = arith.constant 0 : i32
      %dma_start3A_48 = tpu.memref_slice %arg9[%dma_start3A_46, %dma_start3A_47] : memref<128x128xf32, #tpu.memory_space<vmem>> -> memref<128x128xf32, #tpu.memory_space<vmem>>
      tpu.enqueue_dma source(%dma_start3A_48 : memref<128x128xf32, #tpu.memory_space<vmem>>) target(%dma_start3A_45 : memref<128x128xf32, #tpu.memory_space<hbm>>) target_semaphore(%run_scoped3A : memref<!tpu.dma_semaphore, #tpu.memory_space<semaphore_mem>>)
      %dma_wait3A = arith.constant 0 : i32
      %dma_wait3A_49 = arith.constant 0 : i32
      %dma_wait3A_50 = tpu.memref_slice %arg9[%dma_wait3A, %dma_wait3A_49] : memref<128x128xf32, #tpu.memory_space<vmem>> -> memref<128x128xf32, #tpu.memory_space<vmem>>
      %dma_wait3A_51 = arith.constant 0 : i32
      %dma_wait3A_52 = tpu.memref_slice %arg6[%arg0, %multiple_of3A_34, %dma_wait3A_51] : memref<2x10112x128xf32, #tpu.memory_space<hbm>> -> memref<1x128x128xf32, #tpu.memory_space<hbm>>
      %dma_wait3A_53 = tpu.memref_squeeze %dma_wait3A_52 : memref<1x128x128xf32, #tpu.memory_space<hbm>> -> memref<128x128xf32, #tpu.memory_space<hbm>>
      %dma_wait3A_54 = arith.constant 0 : i32
      %dma_wait3A_55 = tpu.memref_slice %arg6[%arg0, %multiple_of3A_34, %dma_wait3A_54] : memref<2x10112x128xf32, #tpu.memory_space<hbm>> -> memref<1x128x128xf32, #tpu.memory_space<hbm>>
      %dma_wait3A_56 = tpu.memref_squeeze %dma_wait3A_55 : memref<1x128x128xf32, #tpu.memory_space<hbm>> -> memref<128x128xf32, #tpu.memory_space<hbm>>
      %dma_wait3A_57 = arith.constant 0 : i32
      %dma_wait3A_58 = arith.constant 0 : i32
      %dma_wait3A_59 = tpu.memref_slice %arg9[%dma_wait3A_57, %dma_wait3A_58] : memref<128x128xf32, #tpu.memory_space<vmem>> -> memref<128x128xf32, #tpu.memory_space<vmem>>
      tpu.wait_dma2 semaphore(%run_scoped3A : memref<!tpu.dma_semaphore, #tpu.memory_space<semaphore_mem>>) src(%dma_wait3A_59 : memref<128x128xf32, #tpu.memory_space<vmem>>) dst(%dma_wait3A_56 : memref<128x128xf32, #tpu.memory_space<hbm>>)
      tpu.yield
    }) : () -> ()
    %add3A_35 = arith.constant 512 : i32
    %add3A_36 = arith.addi %multiple_of3A, %add3A_35 : i32
    %multiple_of3A_37 = tpu.assume_multiple %add3A_36, 8 : i32
    "tpu.region"() ({
      %run_scoped3A = tpu.sem_alloc : memref<!tpu.dma_semaphore, #tpu.memory_space<semaphore_mem>>
      %dma_start3A = arith.constant 0 : i32
      %dma_start3A_38 = arith.constant 0 : i32
      %dma_start3A_39 = tpu.memref_slice %arg9[%dma_start3A, %dma_start3A_38] : memref<128x128xf32, #tpu.memory_space<vmem>> -> memref<120x128xf32, #tpu.memory_space<vmem>>
      %dma_start3A_40 = arith.constant 0 : i32
      %dma_start3A_41 = tpu.memref_slice %arg11[%multiple_of3A_37, %dma_start3A_40] : memref<10112x128xf32, #tpu.memory_space<vmem_shared>> -> memref<120x128xf32, #tpu.memory_space<vmem_shared>>
      %dma_start3A_42 = arith.constant 0 : i32
      %dma_start3A_43 = arith.constant 0 : i32
      %dma_start3A_44 = tpu.memref_slice %arg9[%dma_start3A_42, %dma_start3A_43] : memref<128x128xf32, #tpu.memory_space<vmem>> -> memref<120x128xf32, #tpu.memory_space<vmem>>
      %dma_start3A_45 = arith.constant 0 : i32
      %dma_start3A_46 = tpu.memref_slice %arg11[%multiple_of3A_37, %dma_start3A_45] : memref<10112x128xf32, #tpu.memory_space<vmem_shared>> -> memref<120x128xf32, #tpu.memory_space<vmem_shared>>
      tpu.enqueue_dma source(%dma_start3A_46 : memref<120x128xf32, #tpu.memory_space<vmem_shared>>) target(%dma_start3A_44 : memref<120x128xf32, #tpu.memory_space<vmem>>) target_semaphore(%run_scoped3A : memref<!tpu.dma_semaphore, #tpu.memory_space<semaphore_mem>>)
      %dma_wait3A = arith.constant 0 : i32
      %dma_wait3A_47 = arith.constant 0 : i32
      %dma_wait3A_48 = tpu.memref_slice %arg9[%dma_wait3A, %dma_wait3A_47] : memref<128x128xf32, #tpu.memory_space<vmem>> -> memref<120x128xf32, #tpu.memory_space<vmem>>
      %dma_wait3A_49 = arith.constant 0 : i32
      %dma_wait3A_50 = tpu.memref_slice %arg11[%multiple_of3A_37, %dma_wait3A_49] : memref<10112x128xf32, #tpu.memory_space<vmem_shared>> -> memref<120x128xf32, #tpu.memory_space<vmem_shared>>
      %dma_wait3A_51 = arith.constant 0 : i32
      %dma_wait3A_52 = arith.constant 0 : i32
      %dma_wait3A_53 = tpu.memref_slice %arg9[%dma_wait3A_51, %dma_wait3A_52] : memref<128x128xf32, #tpu.memory_space<vmem>> -> memref<120x128xf32, #tpu.memory_space<vmem>>
      %dma_wait3A_54 = arith.constant 0 : i32
      %dma_wait3A_55 = tpu.memref_slice %arg11[%multiple_of3A_37, %dma_wait3A_54] : memref<10112x128xf32, #tpu.memory_space<vmem_shared>> -> memref<120x128xf32, #tpu.memory_space<vmem_shared>>
      tpu.wait_dma2 semaphore(%run_scoped3A : memref<!tpu.dma_semaphore, #tpu.memory_space<semaphore_mem>>) src(%dma_wait3A_55 : memref<120x128xf32, #tpu.memory_space<vmem_shared>>) dst(%dma_wait3A_53 : memref<120x128xf32, #tpu.memory_space<vmem>>)
      tpu.yield
    }) : () -> ()
    "tpu.region"() ({
      %run_scoped3A = tpu.sem_alloc : memref<!tpu.dma_semaphore, #tpu.memory_space<semaphore_mem>>
      %dma_start3A = arith.constant 0 : i32
      %dma_start3A_38 = arith.constant 0 : i32
      %dma_start3A_39 = tpu.memref_slice %arg9[%dma_start3A, %dma_start3A_38] : memref<128x128xf32, #tpu.memory_space<vmem>> -> memref<120x128xf32, #tpu.memory_space<vmem>>
      %dma_start3A_40 = arith.constant 0 : i32
      %dma_start3A_41 = tpu.memref_slice %arg6[%arg0, %multiple_of3A_37, %dma_start3A_40] : memref<2x10112x128xf32, #tpu.memory_space<hbm>> -> memref<1x120x128xf32, #tpu.memory_space<hbm>>
      %dma_start3A_42 = tpu.memref_squeeze %dma_start3A_41 : memref<1x120x128xf32, #tpu.memory_space<hbm>> -> memref<120x128xf32, #tpu.memory_space<hbm>>
      %dma_start3A_43 = arith.constant 0 : i32
      %dma_start3A_44 = tpu.memref_slice %arg6[%arg0, %multiple_of3A_37, %dma_start3A_43] : memref<2x10112x128xf32, #tpu.memory_space<hbm>> -> memref<1x120x128xf32, #tpu.memory_space<hbm>>
      %dma_start3A_45 = tpu.memref_squeeze %dma_start3A_44 : memref<1x120x128xf32, #tpu.memory_space<hbm>> -> memref<120x128xf32, #tpu.memory_space<hbm>>
      %dma_start3A_46 = arith.constant 0 : i32
      %dma_start3A_47 = arith.constant 0 : i32
      %dma_start3A_48 = tpu.memref_slice %arg9[%dma_start3A_46, %dma_start3A_47] : memref<128x128xf32, #tpu.memory_space<vmem>> -> memref<120x128xf32, #tpu.memory_space<vmem>>
      tpu.enqueue_dma source(%dma_start3A_48 : memref<120x128xf32, #tpu.memory_space<vmem>>) target(%dma_start3A_45 : memref<120x128xf32, #tpu.memory_space<hbm>>) target_semaphore(%run_scoped3A : memref<!tpu.dma_semaphore, #tpu.memory_space<semaphore_mem>>)
      %dma_wait3A = arith.constant 0 : i32
      %dma_wait3A_49 = arith.constant 0 : i32
      %dma_wait3A_50 = tpu.memref_slice %arg9[%dma_wait3A, %dma_wait3A_49] : memref<128x128xf32, #tpu.memory_space<vmem>> -> memref<120x128xf32, #tpu.memory_space<vmem>>
      %dma_wait3A_51 = arith.constant 0 : i32
      %dma_wait3A_52 = tpu.memref_slice %arg6[%arg0, %multiple_of3A_37, %dma_wait3A_51] : memref<2x10112x128xf32, #tpu.memory_space<hbm>> -> memref<1x120x128xf32, #tpu.memory_space<hbm>>
      %dma_wait3A_53 = tpu.memref_squeeze %dma_wait3A_52 : memref<1x120x128xf32, #tpu.memory_space<hbm>> -> memref<120x128xf32, #tpu.memory_space<hbm>>
      %dma_wait3A_54 = arith.constant 0 : i32
      %dma_wait3A_55 = tpu.memref_slice %arg6[%arg0, %multiple_of3A_37, %dma_wait3A_54] : memref<2x10112x128xf32, #tpu.memory_space<hbm>> -> memref<1x120x128xf32, #tpu.memory_space<hbm>>
      %dma_wait3A_56 = tpu.memref_squeeze %dma_wait3A_55 : memref<1x120x128xf32, #tpu.memory_space<hbm>> -> memref<120x128xf32, #tpu.memory_space<hbm>>
      %dma_wait3A_57 = arith.constant 0 : i32
      %dma_wait3A_58 = arith.constant 0 : i32
      %dma_wait3A_59 = tpu.memref_slice %arg9[%dma_wait3A_57, %dma_wait3A_58] : memref<128x128xf32, #tpu.memory_space<vmem>> -> memref<120x128xf32, #tpu.memory_space<vmem>>
      tpu.wait_dma2 semaphore(%run_scoped3A : memref<!tpu.dma_semaphore, #tpu.memory_space<semaphore_mem>>) src(%dma_wait3A_59 : memref<120x128xf32, #tpu.memory_space<vmem>>) dst(%dma_wait3A_56 : memref<120x128xf32, #tpu.memory_space<hbm>>)
      tpu.yield
    }) : () -> ()
    return
  }
}

#map = affine_map<(d0, d1) -> (0, 0)>
#map1 = affine_map<(d0, d1) -> (0, 0, 0)>
module attributes {stable_mosaic.version = 14 : i64} {
  func.func @agg_kernel(%arg0: i32, %arg1: i32, %arg2: memref<10112x128xf32, #tpu.memory_space<hbm>>, %arg3: memref<32x80x128xi32, #tpu.memory_space<hbm>>, %arg4: memref<32x80x128xi32, #tpu.memory_space<hbm>>, %arg5: memref<128x128xf32, #tpu.memory_space<hbm>>, %arg6: memref<2x10112x128xf32, #tpu.memory_space<hbm>>, %arg7: memref<40x128xi32, #tpu.memory_space<vmem>>, %arg8: memref<40x128xi32, #tpu.memory_space<vmem>>, %arg9: memref<128x128xf32, #tpu.memory_space<vmem>>, %arg10: memref<128x128xf32, #tpu.memory_space<vmem>>, %arg11: memref<10112x128xf32, #tpu.memory_space<vmem_shared>>, %arg12: memref<!tpu.dma_semaphore, #tpu.memory_space<semaphore_mem>>, %arg13: memref<!tpu.dma_semaphore, #tpu.memory_space<semaphore_mem>>) attributes {dimension_semantics = [#tpu.dimension_semantics<core_parallel>, #tpu.dimension_semantics<subcore_parallel>], iteration_bounds = array<i64: 2, 16>, scalar_prefetch = 0 : i64, scratch_operands = 7 : i64, tpu.core_type = #tpu.core_type<sc_vector_subcore>, window_params = [{transform_indices = #map}, {transform_indices = #map1}, {transform_indices = #map1}, {transform_indices = #map}, {transform_indices = #map1}]} {
    %mul3A = arith.constant 16 : i32
    %mul3A_0 = arith.muli %arg0, %mul3A : i32
    %add3A = arith.addi %mul3A_0, %arg1 : i32
    %mul3A_1 = arith.constant 632 : i32
    %mul3A_2 = arith.muli %arg1, %mul3A_1 : i32
    %multiple_of3A = tpu.assume_multiple %mul3A_2, 8 : i32
    "tpu.region"() ({
      %run_scoped3A = tpu.sem_alloc : memref<!tpu.dma_semaphore, #tpu.memory_space<semaphore_mem>>
      tpu.enqueue_dma source(%arg5 : memref<128x128xf32, #tpu.memory_space<hbm>>) target(%arg9 : memref<128x128xf32, #tpu.memory_space<vmem>>) target_semaphore(%run_scoped3A : memref<!tpu.dma_semaphore, #tpu.memory_space<semaphore_mem>>)
      tpu.wait_dma2 semaphore(%run_scoped3A : memref<!tpu.dma_semaphore, #tpu.memory_space<semaphore_mem>>) src(%arg5 : memref<128x128xf32, #tpu.memory_space<hbm>>) dst(%arg9 : memref<128x128xf32, #tpu.memory_space<vmem>>)
      tpu.yield
    }) : () -> ()
    %add3A_3 = arith.constant 0 : i32
    %add3A_4 = arith.addi %multiple_of3A, %add3A_3 : i32
    %multiple_of3A_5 = tpu.assume_multiple %add3A_4, 8 : i32
    "tpu.region"() ({
      %run_scoped3A = tpu.sem_alloc : memref<!tpu.dma_semaphore, #tpu.memory_space<semaphore_mem>>
      %dma_start3A = arith.constant 0 : i32
      %dma_start3A_38 = arith.constant 0 : i32
      %dma_start3A_39 = tpu.memref_slice %arg9[%dma_start3A, %dma_start3A_38] : memref<128x128xf32, #tpu.memory_space<vmem>> -> memref<128x128xf32, #tpu.memory_space<vmem>>
      %dma_start3A_40 = arith.constant 0 : i32
      %dma_start3A_41 = tpu.memref_slice %arg11[%multiple_of3A_5, %dma_start3A_40] : memref<10112x128xf32, #tpu.memory_space<vmem_shared>> -> memref<128x128xf32, #tpu.memory_space<vmem_shared>>
      %dma_start3A_42 = arith.constant 0 : i32
      %dma_start3A_43 = tpu.memref_slice %arg11[%multiple_of3A_5, %dma_start3A_42] : memref<10112x128xf32, #tpu.memory_space<vmem_shared>> -> memref<128x128xf32, #tpu.memory_space<vmem_shared>>
      %dma_start3A_44 = arith.constant 0 : i32
      %dma_start3A_45 = arith.constant 0 : i32
      %dma_start3A_46 = tpu.memref_slice %arg9[%dma_start3A_44, %dma_start3A_45] : memref<128x128xf32, #tpu.memory_space<vmem>> -> memref<128x128xf32, #tpu.memory_space<vmem>>
      tpu.enqueue_dma source(%dma_start3A_46 : memref<128x128xf32, #tpu.memory_space<vmem>>) target(%dma_start3A_43 : memref<128x128xf32, #tpu.memory_space<vmem_shared>>) target_semaphore(%run_scoped3A : memref<!tpu.dma_semaphore, #tpu.memory_space<semaphore_mem>>)
      %dma_wait3A = arith.constant 0 : i32
      %dma_wait3A_47 = arith.constant 0 : i32
      %dma_wait3A_48 = tpu.memref_slice %arg9[%dma_wait3A, %dma_wait3A_47] : memref<128x128xf32, #tpu.memory_space<vmem>> -> memref<128x128xf32, #tpu.memory_space<vmem>>
      %dma_wait3A_49 = arith.constant 0 : i32
      %dma_wait3A_50 = tpu.memref_slice %arg11[%multiple_of3A_5, %dma_wait3A_49] : memref<10112x128xf32, #tpu.memory_space<vmem_shared>> -> memref<128x128xf32, #tpu.memory_space<vmem_shared>>
      %dma_wait3A_51 = arith.constant 0 : i32
      %dma_wait3A_52 = tpu.memref_slice %arg11[%multiple_of3A_5, %dma_wait3A_51] : memref<10112x128xf32, #tpu.memory_space<vmem_shared>> -> memref<128x128xf32, #tpu.memory_space<vmem_shared>>
      %dma_wait3A_53 = arith.constant 0 : i32
      %dma_wait3A_54 = arith.constant 0 : i32
      %dma_wait3A_55 = tpu.memref_slice %arg9[%dma_wait3A_53, %dma_wait3A_54] : memref<128x128xf32, #tpu.memory_space<vmem>> -> memref<128x128xf32, #tpu.memory_space<vmem>>
      tpu.wait_dma2 semaphore(%run_scoped3A : memref<!tpu.dma_semaphore, #tpu.memory_space<semaphore_mem>>) src(%dma_wait3A_55 : memref<128x128xf32, #tpu.memory_space<vmem>>) dst(%dma_wait3A_52 : memref<128x128xf32, #tpu.memory_space<vmem_shared>>)
      tpu.yield
    }) : () -> ()
    %add3A_6 = arith.constant 128 : i32
    %add3A_7 = arith.addi %multiple_of3A, %add3A_6 : i32
    %multiple_of3A_8 = tpu.assume_multiple %add3A_7, 8 : i32
    "tpu.region"() ({
      %run_scoped3A = tpu.sem_alloc : memref<!tpu.dma_semaphore, #tpu.memory_space<semaphore_mem>>
      %dma_start3A = arith.constant 0 : i32
      %dma_start3A_38 = arith.constant 0 : i32
      %dma_start3A_39 = tpu.memref_slice %arg9[%dma_start3A, %dma_start3A_38] : memref<128x128xf32, #tpu.memory_space<vmem>> -> memref<128x128xf32, #tpu.memory_space<vmem>>
      %dma_start3A_40 = arith.constant 0 : i32
      %dma_start3A_41 = tpu.memref_slice %arg11[%multiple_of3A_8, %dma_start3A_40] : memref<10112x128xf32, #tpu.memory_space<vmem_shared>> -> memref<128x128xf32, #tpu.memory_space<vmem_shared>>
      %dma_start3A_42 = arith.constant 0 : i32
      %dma_start3A_43 = tpu.memref_slice %arg11[%multiple_of3A_8, %dma_start3A_42] : memref<10112x128xf32, #tpu.memory_space<vmem_shared>> -> memref<128x128xf32, #tpu.memory_space<vmem_shared>>
      %dma_start3A_44 = arith.constant 0 : i32
      %dma_start3A_45 = arith.constant 0 : i32
      %dma_start3A_46 = tpu.memref_slice %arg9[%dma_start3A_44, %dma_start3A_45] : memref<128x128xf32, #tpu.memory_space<vmem>> -> memref<128x128xf32, #tpu.memory_space<vmem>>
      tpu.enqueue_dma source(%dma_start3A_46 : memref<128x128xf32, #tpu.memory_space<vmem>>) target(%dma_start3A_43 : memref<128x128xf32, #tpu.memory_space<vmem_shared>>) target_semaphore(%run_scoped3A : memref<!tpu.dma_semaphore, #tpu.memory_space<semaphore_mem>>)
      %dma_wait3A = arith.constant 0 : i32
      %dma_wait3A_47 = arith.constant 0 : i32
      %dma_wait3A_48 = tpu.memref_slice %arg9[%dma_wait3A, %dma_wait3A_47] : memref<128x128xf32, #tpu.memory_space<vmem>> -> memref<128x128xf32, #tpu.memory_space<vmem>>
      %dma_wait3A_49 = arith.constant 0 : i32
      %dma_wait3A_50 = tpu.memref_slice %arg11[%multiple_of3A_8, %dma_wait3A_49] : memref<10112x128xf32, #tpu.memory_space<vmem_shared>> -> memref<128x128xf32, #tpu.memory_space<vmem_shared>>
      %dma_wait3A_51 = arith.constant 0 : i32
      %dma_wait3A_52 = tpu.memref_slice %arg11[%multiple_of3A_8, %dma_wait3A_51] : memref<10112x128xf32, #tpu.memory_space<vmem_shared>> -> memref<128x128xf32, #tpu.memory_space<vmem_shared>>
      %dma_wait3A_53 = arith.constant 0 : i32
      %dma_wait3A_54 = arith.constant 0 : i32
      %dma_wait3A_55 = tpu.memref_slice %arg9[%dma_wait3A_53, %dma_wait3A_54] : memref<128x128xf32, #tpu.memory_space<vmem>> -> memref<128x128xf32, #tpu.memory_space<vmem>>
      tpu.wait_dma2 semaphore(%run_scoped3A : memref<!tpu.dma_semaphore, #tpu.memory_space<semaphore_mem>>) src(%dma_wait3A_55 : memref<128x128xf32, #tpu.memory_space<vmem>>) dst(%dma_wait3A_52 : memref<128x128xf32, #tpu.memory_space<vmem_shared>>)
      tpu.yield
    }) : () -> ()
    %add3A_9 = arith.constant 256 : i32
    %add3A_10 = arith.addi %multiple_of3A, %add3A_9 : i32
    %multiple_of3A_11 = tpu.assume_multiple %add3A_10, 8 : i32
    "tpu.region"() ({
      %run_scoped3A = tpu.sem_alloc : memref<!tpu.dma_semaphore, #tpu.memory_space<semaphore_mem>>
      %dma_start3A = arith.constant 0 : i32
      %dma_start3A_38 = arith.constant 0 : i32
      %dma_start3A_39 = tpu.memref_slice %arg9[%dma_start3A, %dma_start3A_38] : memref<128x128xf32, #tpu.memory_space<vmem>> -> memref<128x128xf32, #tpu.memory_space<vmem>>
      %dma_start3A_40 = arith.constant 0 : i32
      %dma_start3A_41 = tpu.memref_slice %arg11[%multiple_of3A_11, %dma_start3A_40] : memref<10112x128xf32, #tpu.memory_space<vmem_shared>> -> memref<128x128xf32, #tpu.memory_space<vmem_shared>>
      %dma_start3A_42 = arith.constant 0 : i32
      %dma_start3A_43 = tpu.memref_slice %arg11[%multiple_of3A_11, %dma_start3A_42] : memref<10112x128xf32, #tpu.memory_space<vmem_shared>> -> memref<128x128xf32, #tpu.memory_space<vmem_shared>>
      %dma_start3A_44 = arith.constant 0 : i32
      %dma_start3A_45 = arith.constant 0 : i32
      %dma_start3A_46 = tpu.memref_slice %arg9[%dma_start3A_44, %dma_start3A_45] : memref<128x128xf32, #tpu.memory_space<vmem>> -> memref<128x128xf32, #tpu.memory_space<vmem>>
      tpu.enqueue_dma source(%dma_start3A_46 : memref<128x128xf32, #tpu.memory_space<vmem>>) target(%dma_start3A_43 : memref<128x128xf32, #tpu.memory_space<vmem_shared>>) target_semaphore(%run_scoped3A : memref<!tpu.dma_semaphore, #tpu.memory_space<semaphore_mem>>)
      %dma_wait3A = arith.constant 0 : i32
      %dma_wait3A_47 = arith.constant 0 : i32
      %dma_wait3A_48 = tpu.memref_slice %arg9[%dma_wait3A, %dma_wait3A_47] : memref<128x128xf32, #tpu.memory_space<vmem>> -> memref<128x128xf32, #tpu.memory_space<vmem>>
      %dma_wait3A_49 = arith.constant 0 : i32
      %dma_wait3A_50 = tpu.memref_slice %arg11[%multiple_of3A_11, %dma_wait3A_49] : memref<10112x128xf32, #tpu.memory_space<vmem_shared>> -> memref<128x128xf32, #tpu.memory_space<vmem_shared>>
      %dma_wait3A_51 = arith.constant 0 : i32
      %dma_wait3A_52 = tpu.memref_slice %arg11[%multiple_of3A_11, %dma_wait3A_51] : memref<10112x128xf32, #tpu.memory_space<vmem_shared>> -> memref<128x128xf32, #tpu.memory_space<vmem_shared>>
      %dma_wait3A_53 = arith.constant 0 : i32
      %dma_wait3A_54 = arith.constant 0 : i32
      %dma_wait3A_55 = tpu.memref_slice %arg9[%dma_wait3A_53, %dma_wait3A_54] : memref<128x128xf32, #tpu.memory_space<vmem>> -> memref<128x128xf32, #tpu.memory_space<vmem>>
      tpu.wait_dma2 semaphore(%run_scoped3A : memref<!tpu.dma_semaphore, #tpu.memory_space<semaphore_mem>>) src(%dma_wait3A_55 : memref<128x128xf32, #tpu.memory_space<vmem>>) dst(%dma_wait3A_52 : memref<128x128xf32, #tpu.memory_space<vmem_shared>>)
      tpu.yield
    }) : () -> ()
    %add3A_12 = arith.constant 384 : i32
    %add3A_13 = arith.addi %multiple_of3A, %add3A_12 : i32
    %multiple_of3A_14 = tpu.assume_multiple %add3A_13, 8 : i32
    "tpu.region"() ({
      %run_scoped3A = tpu.sem_alloc : memref<!tpu.dma_semaphore, #tpu.memory_space<semaphore_mem>>
      %dma_start3A = arith.constant 0 : i32
      %dma_start3A_38 = arith.constant 0 : i32
      %dma_start3A_39 = tpu.memref_slice %arg9[%dma_start3A, %dma_start3A_38] : memref<128x128xf32, #tpu.memory_space<vmem>> -> memref<128x128xf32, #tpu.memory_space<vmem>>
      %dma_start3A_40 = arith.constant 0 : i32
      %dma_start3A_41 = tpu.memref_slice %arg11[%multiple_of3A_14, %dma_start3A_40] : memref<10112x128xf32, #tpu.memory_space<vmem_shared>> -> memref<128x128xf32, #tpu.memory_space<vmem_shared>>
      %dma_start3A_42 = arith.constant 0 : i32
      %dma_start3A_43 = tpu.memref_slice %arg11[%multiple_of3A_14, %dma_start3A_42] : memref<10112x128xf32, #tpu.memory_space<vmem_shared>> -> memref<128x128xf32, #tpu.memory_space<vmem_shared>>
      %dma_start3A_44 = arith.constant 0 : i32
      %dma_start3A_45 = arith.constant 0 : i32
      %dma_start3A_46 = tpu.memref_slice %arg9[%dma_start3A_44, %dma_start3A_45] : memref<128x128xf32, #tpu.memory_space<vmem>> -> memref<128x128xf32, #tpu.memory_space<vmem>>
      tpu.enqueue_dma source(%dma_start3A_46 : memref<128x128xf32, #tpu.memory_space<vmem>>) target(%dma_start3A_43 : memref<128x128xf32, #tpu.memory_space<vmem_shared>>) target_semaphore(%run_scoped3A : memref<!tpu.dma_semaphore, #tpu.memory_space<semaphore_mem>>)
      %dma_wait3A = arith.constant 0 : i32
      %dma_wait3A_47 = arith.constant 0 : i32
      %dma_wait3A_48 = tpu.memref_slice %arg9[%dma_wait3A, %dma_wait3A_47] : memref<128x128xf32, #tpu.memory_space<vmem>> -> memref<128x128xf32, #tpu.memory_space<vmem>>
      %dma_wait3A_49 = arith.constant 0 : i32
      %dma_wait3A_50 = tpu.memref_slice %arg11[%multiple_of3A_14, %dma_wait3A_49] : memref<10112x128xf32, #tpu.memory_space<vmem_shared>> -> memref<128x128xf32, #tpu.memory_space<vmem_shared>>
      %dma_wait3A_51 = arith.constant 0 : i32
      %dma_wait3A_52 = tpu.memref_slice %arg11[%multiple_of3A_14, %dma_wait3A_51] : memref<10112x128xf32, #tpu.memory_space<vmem_shared>> -> memref<128x128xf32, #tpu.memory_space<vmem_shared>>
      %dma_wait3A_53 = arith.constant 0 : i32
      %dma_wait3A_54 = arith.constant 0 : i32
      %dma_wait3A_55 = tpu.memref_slice %arg9[%dma_wait3A_53, %dma_wait3A_54] : memref<128x128xf32, #tpu.memory_space<vmem>> -> memref<128x128xf32, #tpu.memory_space<vmem>>
      tpu.wait_dma2 semaphore(%run_scoped3A : memref<!tpu.dma_semaphore, #tpu.memory_space<semaphore_mem>>) src(%dma_wait3A_55 : memref<128x128xf32, #tpu.memory_space<vmem>>) dst(%dma_wait3A_52 : memref<128x128xf32, #tpu.memory_space<vmem_shared>>)
      tpu.yield
    }) : () -> ()
    %add3A_15 = arith.constant 512 : i32
    %add3A_16 = arith.addi %multiple_of3A, %add3A_15 : i32
    %multiple_of3A_17 = tpu.assume_multiple %add3A_16, 8 : i32
    "tpu.region"() ({
      %run_scoped3A = tpu.sem_alloc : memref<!tpu.dma_semaphore, #tpu.memory_space<semaphore_mem>>
      %dma_start3A = arith.constant 0 : i32
      %dma_start3A_38 = arith.constant 0 : i32
      %dma_start3A_39 = tpu.memref_slice %arg9[%dma_start3A, %dma_start3A_38] : memref<128x128xf32, #tpu.memory_space<vmem>> -> memref<120x128xf32, #tpu.memory_space<vmem>>
      %dma_start3A_40 = arith.constant 0 : i32
      %dma_start3A_41 = tpu.memref_slice %arg11[%multiple_of3A_17, %dma_start3A_40] : memref<10112x128xf32, #tpu.memory_space<vmem_shared>> -> memref<120x128xf32, #tpu.memory_space<vmem_shared>>
      %dma_start3A_42 = arith.constant 0 : i32
      %dma_start3A_43 = tpu.memref_slice %arg11[%multiple_of3A_17, %dma_start3A_42] : memref<10112x128xf32, #tpu.memory_space<vmem_shared>> -> memref<120x128xf32, #tpu.memory_space<vmem_shared>>
      %dma_start3A_44 = arith.constant 0 : i32
      %dma_start3A_45 = arith.constant 0 : i32
      %dma_start3A_46 = tpu.memref_slice %arg9[%dma_start3A_44, %dma_start3A_45] : memref<128x128xf32, #tpu.memory_space<vmem>> -> memref<120x128xf32, #tpu.memory_space<vmem>>
      tpu.enqueue_dma source(%dma_start3A_46 : memref<120x128xf32, #tpu.memory_space<vmem>>) target(%dma_start3A_43 : memref<120x128xf32, #tpu.memory_space<vmem_shared>>) target_semaphore(%run_scoped3A : memref<!tpu.dma_semaphore, #tpu.memory_space<semaphore_mem>>)
      %dma_wait3A = arith.constant 0 : i32
      %dma_wait3A_47 = arith.constant 0 : i32
      %dma_wait3A_48 = tpu.memref_slice %arg9[%dma_wait3A, %dma_wait3A_47] : memref<128x128xf32, #tpu.memory_space<vmem>> -> memref<120x128xf32, #tpu.memory_space<vmem>>
      %dma_wait3A_49 = arith.constant 0 : i32
      %dma_wait3A_50 = tpu.memref_slice %arg11[%multiple_of3A_17, %dma_wait3A_49] : memref<10112x128xf32, #tpu.memory_space<vmem_shared>> -> memref<120x128xf32, #tpu.memory_space<vmem_shared>>
      %dma_wait3A_51 = arith.constant 0 : i32
      %dma_wait3A_52 = tpu.memref_slice %arg11[%multiple_of3A_17, %dma_wait3A_51] : memref<10112x128xf32, #tpu.memory_space<vmem_shared>> -> memref<120x128xf32, #tpu.memory_space<vmem_shared>>
      %dma_wait3A_53 = arith.constant 0 : i32
      %dma_wait3A_54 = arith.constant 0 : i32
      %dma_wait3A_55 = tpu.memref_slice %arg9[%dma_wait3A_53, %dma_wait3A_54] : memref<128x128xf32, #tpu.memory_space<vmem>> -> memref<120x128xf32, #tpu.memory_space<vmem>>
      tpu.wait_dma2 semaphore(%run_scoped3A : memref<!tpu.dma_semaphore, #tpu.memory_space<semaphore_mem>>) src(%dma_wait3A_55 : memref<120x128xf32, #tpu.memory_space<vmem>>) dst(%dma_wait3A_52 : memref<120x128xf32, #tpu.memory_space<vmem_shared>>)
      tpu.yield
    }) : () -> ()
    %barrier3A = arith.constant 0 : index
    tpu.barrier barrier_id(%barrier3A)
    %scan3A = arith.constant 0 : i32
    %scan3A_18 = arith.constant 2 : i32
    %scan3A_19 = arith.addi %scan3A, %scan3A_18 : i32
    %scan3A_20 = arith.constant 1 : i32
    scf.for %scan3A_38 = %scan3A to %scan3A_19 step %scan3A_20  : i32 {
      %mul3A_39 = arith.constant 1 : i32
      %mul3A_40 = arith.muli %scan3A_38, %mul3A_39 : i32
      %add3A_41 = arith.constant 0 : i32
      %add3A_42 = arith.addi %add3A_41, %mul3A_40 : i32
      %mul3A_43 = arith.constant 40 : i32
      %mul3A_44 = arith.muli %add3A_42, %mul3A_43 : i32
      "tpu.region"() ({
        %run_scoped3A_79 = tpu.sem_alloc : memref<!tpu.dma_semaphore, #tpu.memory_space<semaphore_mem>>
        %dma_start3A_80 = arith.constant 0 : i32
        %dma_start3A_81 = tpu.memref_slice %arg3[%add3A, %mul3A_44, %dma_start3A_80] : memref<32x80x128xi32, #tpu.memory_space<hbm>> -> memref<1x40x128xi32, #tpu.memory_space<hbm>>
        %dma_start3A_82 = tpu.memref_squeeze %dma_start3A_81 : memref<1x40x128xi32, #tpu.memory_space<hbm>> -> memref<40x128xi32, #tpu.memory_space<hbm>>
        %dma_start3A_83 = arith.constant 0 : i32
        %dma_start3A_84 = tpu.memref_slice %arg3[%add3A, %mul3A_44, %dma_start3A_83] : memref<32x80x128xi32, #tpu.memory_space<hbm>> -> memref<1x40x128xi32, #tpu.memory_space<hbm>>
        %dma_start3A_85 = tpu.memref_squeeze %dma_start3A_84 : memref<1x40x128xi32, #tpu.memory_space<hbm>> -> memref<40x128xi32, #tpu.memory_space<hbm>>
        tpu.enqueue_dma source(%dma_start3A_85 : memref<40x128xi32, #tpu.memory_space<hbm>>) target(%arg7 : memref<40x128xi32, #tpu.memory_space<vmem>>) target_semaphore(%run_scoped3A_79 : memref<!tpu.dma_semaphore, #tpu.memory_space<semaphore_mem>>)
        %dma_wait3A_86 = arith.constant 0 : i32
        %dma_wait3A_87 = tpu.memref_slice %arg3[%add3A, %mul3A_44, %dma_wait3A_86] : memref<32x80x128xi32, #tpu.memory_space<hbm>> -> memref<1x40x128xi32, #tpu.memory_space<hbm>>
        %dma_wait3A_88 = tpu.memref_squeeze %dma_wait3A_87 : memref<1x40x128xi32, #tpu.memory_space<hbm>> -> memref<40x128xi32, #tpu.memory_space<hbm>>
        %dma_wait3A_89 = arith.constant 0 : i32
        %dma_wait3A_90 = tpu.memref_slice %arg3[%add3A, %mul3A_44, %dma_wait3A_89] : memref<32x80x128xi32, #tpu.memory_space<hbm>> -> memref<1x40x128xi32, #tpu.memory_space<hbm>>
        %dma_wait3A_91 = tpu.memref_squeeze %dma_wait3A_90 : memref<1x40x128xi32, #tpu.memory_space<hbm>> -> memref<40x128xi32, #tpu.memory_space<hbm>>
        tpu.wait_dma2 semaphore(%run_scoped3A_79 : memref<!tpu.dma_semaphore, #tpu.memory_space<semaphore_mem>>) src(%dma_wait3A_91 : memref<40x128xi32, #tpu.memory_space<hbm>>) dst(%arg7 : memref<40x128xi32, #tpu.memory_space<vmem>>)
        tpu.yield
      }) : () -> ()
      %mul3A_45 = arith.constant 40 : i32
      %mul3A_46 = arith.muli %add3A_42, %mul3A_45 : i32
      "tpu.region"() ({
        %run_scoped3A_79 = tpu.sem_alloc : memref<!tpu.dma_semaphore, #tpu.memory_space<semaphore_mem>>
        %dma_start3A_80 = arith.constant 0 : i32
        %dma_start3A_81 = tpu.memref_slice %arg4[%add3A, %mul3A_46, %dma_start3A_80] : memref<32x80x128xi32, #tpu.memory_space<hbm>> -> memref<1x40x128xi32, #tpu.memory_space<hbm>>
        %dma_start3A_82 = tpu.memref_squeeze %dma_start3A_81 : memref<1x40x128xi32, #tpu.memory_space<hbm>> -> memref<40x128xi32, #tpu.memory_space<hbm>>
        %dma_start3A_83 = arith.constant 0 : i32
        %dma_start3A_84 = tpu.memref_slice %arg4[%add3A, %mul3A_46, %dma_start3A_83] : memref<32x80x128xi32, #tpu.memory_space<hbm>> -> memref<1x40x128xi32, #tpu.memory_space<hbm>>
        %dma_start3A_85 = tpu.memref_squeeze %dma_start3A_84 : memref<1x40x128xi32, #tpu.memory_space<hbm>> -> memref<40x128xi32, #tpu.memory_space<hbm>>
        tpu.enqueue_dma source(%dma_start3A_85 : memref<40x128xi32, #tpu.memory_space<hbm>>) target(%arg8 : memref<40x128xi32, #tpu.memory_space<vmem>>) target_semaphore(%run_scoped3A_79 : memref<!tpu.dma_semaphore, #tpu.memory_space<semaphore_mem>>)
        %dma_wait3A_86 = arith.constant 0 : i32
        %dma_wait3A_87 = tpu.memref_slice %arg4[%add3A, %mul3A_46, %dma_wait3A_86] : memref<32x80x128xi32, #tpu.memory_space<hbm>> -> memref<1x40x128xi32, #tpu.memory_space<hbm>>
        %dma_wait3A_88 = tpu.memref_squeeze %dma_wait3A_87 : memref<1x40x128xi32, #tpu.memory_space<hbm>> -> memref<40x128xi32, #tpu.memory_space<hbm>>
        %dma_wait3A_89 = arith.constant 0 : i32
        %dma_wait3A_90 = tpu.memref_slice %arg4[%add3A, %mul3A_46, %dma_wait3A_89] : memref<32x80x128xi32, #tpu.memory_space<hbm>> -> memref<1x40x128xi32, #tpu.memory_space<hbm>>
        %dma_wait3A_91 = tpu.memref_squeeze %dma_wait3A_90 : memref<1x40x128xi32, #tpu.memory_space<hbm>> -> memref<40x128xi32, #tpu.memory_space<hbm>>
        tpu.wait_dma2 semaphore(%run_scoped3A_79 : memref<!tpu.dma_semaphore, #tpu.memory_space<semaphore_mem>>) src(%dma_wait3A_91 : memref<40x128xi32, #tpu.memory_space<hbm>>) dst(%arg8 : memref<40x128xi32, #tpu.memory_space<vmem>>)
        tpu.yield
      }) : () -> ()
      %dma_start3A = arith.constant 0 : i32
      %dma_start3A_47 = arith.constant 0 : i32
      %dma_start3A_48 = tpu.memref_slice %arg7[%dma_start3A, %dma_start3A_47] : memref<40x128xi32, #tpu.memory_space<vmem>> -> memref<1x128xi32, #tpu.memory_space<vmem>>
      %dma_start3A_49 = tpu.memref_squeeze %dma_start3A_48 : memref<1x128xi32, #tpu.memory_space<vmem>> -> memref<128xi32, #tpu.memory_space<vmem>>
      %dma_start3A_50 = arith.constant 0 : i32
      %dma_start3A_51 = arith.constant 0 : i32
      %dma_start3A_52 = tpu.memref_slice %arg2[%dma_start3A_50, %dma_start3A_51] : memref<10112x128xf32, #tpu.memory_space<hbm>> -> memref<10112x128xf32, #tpu.memory_space<hbm>>
      tpu.enqueue_indirect_dma source(%dma_start3A_52 : memref<10112x128xf32, #tpu.memory_space<hbm>>) target(%arg9 : memref<128x128xf32, #tpu.memory_space<vmem>>) offsets(%dma_start3A_49 : memref<128xi32, #tpu.memory_space<vmem>>) semaphore(%arg12 : memref<!tpu.dma_semaphore, #tpu.memory_space<semaphore_mem>>)
      %scan3A_53 = arith.constant 0 : i32
      %scan3A_54 = arith.constant 19 : i32
      %scan3A_55 = arith.addi %scan3A_53, %scan3A_54 : i32
      %scan3A_56 = arith.constant 1 : i32
      scf.for %scan3A_79 = %scan3A_53 to %scan3A_55 step %scan3A_56  : i32 {
        %mul3A_80 = arith.constant 1 : i32
        %mul3A_81 = arith.muli %scan3A_79, %mul3A_80 : i32
        %add3A_82 = arith.constant 0 : i32
        %add3A_83 = arith.addi %add3A_82, %mul3A_81 : i32
        %mul3A_84 = arith.constant 2 : i32
        %mul3A_85 = arith.muli %add3A_83, %mul3A_84 : i32
        %add3A_86 = arith.constant 1 : i32
        %add3A_87 = arith.addi %mul3A_85, %add3A_86 : i32
        %dma_start3A_88 = arith.constant 0 : i32
        %dma_start3A_89 = tpu.memref_slice %arg7[%add3A_87, %dma_start3A_88] : memref<40x128xi32, #tpu.memory_space<vmem>> -> memref<1x128xi32, #tpu.memory_space<vmem>>
        %dma_start3A_90 = tpu.memref_squeeze %dma_start3A_89 : memref<1x128xi32, #tpu.memory_space<vmem>> -> memref<128xi32, #tpu.memory_space<vmem>>
        %dma_start3A_91 = arith.constant 0 : i32
        %dma_start3A_92 = arith.constant 0 : i32
        %dma_start3A_93 = tpu.memref_slice %arg2[%dma_start3A_91, %dma_start3A_92] : memref<10112x128xf32, #tpu.memory_space<hbm>> -> memref<10112x128xf32, #tpu.memory_space<hbm>>
        tpu.enqueue_indirect_dma source(%dma_start3A_93 : memref<10112x128xf32, #tpu.memory_space<hbm>>) target(%arg10 : memref<128x128xf32, #tpu.memory_space<vmem>>) offsets(%dma_start3A_90 : memref<128xi32, #tpu.memory_space<vmem>>) semaphore(%arg13 : memref<!tpu.dma_semaphore, #tpu.memory_space<semaphore_mem>>)
        %dma_wait3A_94 = arith.constant 0 : i32
        %dma_wait3A_95 = tpu.memref_slice %arg7[%mul3A_85, %dma_wait3A_94] : memref<40x128xi32, #tpu.memory_space<vmem>> -> memref<1x128xi32, #tpu.memory_space<vmem>>
        %dma_wait3A_96 = tpu.memref_squeeze %dma_wait3A_95 : memref<1x128xi32, #tpu.memory_space<vmem>> -> memref<128xi32, #tpu.memory_space<vmem>>
        %dma_wait3A_97 = arith.constant 0 : i32
        %dma_wait3A_98 = arith.constant 0 : i32
        %dma_wait3A_99 = tpu.memref_slice %arg2[%dma_wait3A_97, %dma_wait3A_98] : memref<10112x128xf32, #tpu.memory_space<hbm>> -> memref<10112x128xf32, #tpu.memory_space<hbm>>
        tpu.wait_indirect_dma semaphore(%arg12 : memref<!tpu.dma_semaphore, #tpu.memory_space<semaphore_mem>>) src(%dma_wait3A_99 : memref<10112x128xf32, #tpu.memory_space<hbm>>) dst(%arg9 : memref<128x128xf32, #tpu.memory_space<vmem>>)
        "tpu.region"() ({
          %run_scoped3A_118 = tpu.sem_alloc : memref<!tpu.dma_semaphore, #tpu.memory_space<semaphore_mem>>
          %dma_start3A_119 = arith.constant 0 : i32
          %dma_start3A_120 = tpu.memref_slice %arg8[%mul3A_85, %dma_start3A_119] : memref<40x128xi32, #tpu.memory_space<vmem>> -> memref<1x128xi32, #tpu.memory_space<vmem>>
          %dma_start3A_121 = tpu.memref_squeeze %dma_start3A_120 : memref<1x128xi32, #tpu.memory_space<vmem>> -> memref<128xi32, #tpu.memory_space<vmem>>
          %dma_start3A_122 = arith.constant 0 : i32
          %dma_start3A_123 = arith.constant 0 : i32
          %dma_start3A_124 = tpu.memref_slice %arg11[%dma_start3A_122, %dma_start3A_123] : memref<10112x128xf32, #tpu.memory_space<vmem_shared>> -> memref<10112x128xf32, #tpu.memory_space<vmem_shared>>
          tpu.enqueue_indirect_dma source(%arg9 : memref<128x128xf32, #tpu.memory_space<vmem>>) target(%dma_start3A_124 : memref<10112x128xf32, #tpu.memory_space<vmem_shared>>) offsets(%dma_start3A_121 : memref<128xi32, #tpu.memory_space<vmem>>) semaphore(%run_scoped3A_118 : memref<!tpu.dma_semaphore, #tpu.memory_space<semaphore_mem>>) {add = true}
          %dma_wait3A_125 = arith.constant 0 : i32
          %dma_wait3A_126 = tpu.memref_slice %arg8[%mul3A_85, %dma_wait3A_125] : memref<40x128xi32, #tpu.memory_space<vmem>> -> memref<1x128xi32, #tpu.memory_space<vmem>>
          %dma_wait3A_127 = tpu.memref_squeeze %dma_wait3A_126 : memref<1x128xi32, #tpu.memory_space<vmem>> -> memref<128xi32, #tpu.memory_space<vmem>>
          %dma_wait3A_128 = arith.constant 0 : i32
          %dma_wait3A_129 = arith.constant 0 : i32
          %dma_wait3A_130 = tpu.memref_slice %arg11[%dma_wait3A_128, %dma_wait3A_129] : memref<10112x128xf32, #tpu.memory_space<vmem_shared>> -> memref<10112x128xf32, #tpu.memory_space<vmem_shared>>
          tpu.wait_indirect_dma semaphore(%run_scoped3A_118 : memref<!tpu.dma_semaphore, #tpu.memory_space<semaphore_mem>>) src(%arg9 : memref<128x128xf32, #tpu.memory_space<vmem>>) dst(%dma_wait3A_130 : memref<10112x128xf32, #tpu.memory_space<vmem_shared>>)
          tpu.yield
        }) : () -> ()
        %add3A_100 = arith.constant 2 : i32
        %add3A_101 = arith.addi %mul3A_85, %add3A_100 : i32
        %dma_start3A_102 = arith.constant 0 : i32
        %dma_start3A_103 = tpu.memref_slice %arg7[%add3A_101, %dma_start3A_102] : memref<40x128xi32, #tpu.memory_space<vmem>> -> memref<1x128xi32, #tpu.memory_space<vmem>>
        %dma_start3A_104 = tpu.memref_squeeze %dma_start3A_103 : memref<1x128xi32, #tpu.memory_space<vmem>> -> memref<128xi32, #tpu.memory_space<vmem>>
        %dma_start3A_105 = arith.constant 0 : i32
        %dma_start3A_106 = arith.constant 0 : i32
        %dma_start3A_107 = tpu.memref_slice %arg2[%dma_start3A_105, %dma_start3A_106] : memref<10112x128xf32, #tpu.memory_space<hbm>> -> memref<10112x128xf32, #tpu.memory_space<hbm>>
        tpu.enqueue_indirect_dma source(%dma_start3A_107 : memref<10112x128xf32, #tpu.memory_space<hbm>>) target(%arg9 : memref<128x128xf32, #tpu.memory_space<vmem>>) offsets(%dma_start3A_104 : memref<128xi32, #tpu.memory_space<vmem>>) semaphore(%arg12 : memref<!tpu.dma_semaphore, #tpu.memory_space<semaphore_mem>>)
        %add3A_108 = arith.constant 1 : i32
        %add3A_109 = arith.addi %mul3A_85, %add3A_108 : i32
        %dma_wait3A_110 = arith.constant 0 : i32
        %dma_wait3A_111 = tpu.memref_slice %arg7[%add3A_109, %dma_wait3A_110] : memref<40x128xi32, #tpu.memory_space<vmem>> -> memref<1x128xi32, #tpu.memory_space<vmem>>
        %dma_wait3A_112 = tpu.memref_squeeze %dma_wait3A_111 : memref<1x128xi32, #tpu.memory_space<vmem>> -> memref<128xi32, #tpu.memory_space<vmem>>
        %dma_wait3A_113 = arith.constant 0 : i32
        %dma_wait3A_114 = arith.constant 0 : i32
        %dma_wait3A_115 = tpu.memref_slice %arg2[%dma_wait3A_113, %dma_wait3A_114] : memref<10112x128xf32, #tpu.memory_space<hbm>> -> memref<10112x128xf32, #tpu.memory_space<hbm>>
        tpu.wait_indirect_dma semaphore(%arg13 : memref<!tpu.dma_semaphore, #tpu.memory_space<semaphore_mem>>) src(%dma_wait3A_115 : memref<10112x128xf32, #tpu.memory_space<hbm>>) dst(%arg10 : memref<128x128xf32, #tpu.memory_space<vmem>>)
        %add3A_116 = arith.constant 1 : i32
        %add3A_117 = arith.addi %mul3A_85, %add3A_116 : i32
        "tpu.region"() ({
          %run_scoped3A_118 = tpu.sem_alloc : memref<!tpu.dma_semaphore, #tpu.memory_space<semaphore_mem>>
          %dma_start3A_119 = arith.constant 0 : i32
          %dma_start3A_120 = tpu.memref_slice %arg8[%add3A_117, %dma_start3A_119] : memref<40x128xi32, #tpu.memory_space<vmem>> -> memref<1x128xi32, #tpu.memory_space<vmem>>
          %dma_start3A_121 = tpu.memref_squeeze %dma_start3A_120 : memref<1x128xi32, #tpu.memory_space<vmem>> -> memref<128xi32, #tpu.memory_space<vmem>>
          %dma_start3A_122 = arith.constant 0 : i32
          %dma_start3A_123 = arith.constant 0 : i32
          %dma_start3A_124 = tpu.memref_slice %arg11[%dma_start3A_122, %dma_start3A_123] : memref<10112x128xf32, #tpu.memory_space<vmem_shared>> -> memref<10112x128xf32, #tpu.memory_space<vmem_shared>>
          tpu.enqueue_indirect_dma source(%arg10 : memref<128x128xf32, #tpu.memory_space<vmem>>) target(%dma_start3A_124 : memref<10112x128xf32, #tpu.memory_space<vmem_shared>>) offsets(%dma_start3A_121 : memref<128xi32, #tpu.memory_space<vmem>>) semaphore(%run_scoped3A_118 : memref<!tpu.dma_semaphore, #tpu.memory_space<semaphore_mem>>) {add = true}
          %dma_wait3A_125 = arith.constant 0 : i32
          %dma_wait3A_126 = tpu.memref_slice %arg8[%add3A_117, %dma_wait3A_125] : memref<40x128xi32, #tpu.memory_space<vmem>> -> memref<1x128xi32, #tpu.memory_space<vmem>>
          %dma_wait3A_127 = tpu.memref_squeeze %dma_wait3A_126 : memref<1x128xi32, #tpu.memory_space<vmem>> -> memref<128xi32, #tpu.memory_space<vmem>>
          %dma_wait3A_128 = arith.constant 0 : i32
          %dma_wait3A_129 = arith.constant 0 : i32
          %dma_wait3A_130 = tpu.memref_slice %arg11[%dma_wait3A_128, %dma_wait3A_129] : memref<10112x128xf32, #tpu.memory_space<vmem_shared>> -> memref<10112x128xf32, #tpu.memory_space<vmem_shared>>
          tpu.wait_indirect_dma semaphore(%run_scoped3A_118 : memref<!tpu.dma_semaphore, #tpu.memory_space<semaphore_mem>>) src(%arg10 : memref<128x128xf32, #tpu.memory_space<vmem>>) dst(%dma_wait3A_130 : memref<10112x128xf32, #tpu.memory_space<vmem_shared>>)
          tpu.yield
        }) : () -> ()
      }
      %scan3A_57 = arith.constant 19 : i32
      %dma_start3A_58 = arith.constant 39 : i32
      %dma_start3A_59 = arith.constant 0 : i32
      %dma_start3A_60 = tpu.memref_slice %arg7[%dma_start3A_58, %dma_start3A_59] : memref<40x128xi32, #tpu.memory_space<vmem>> -> memref<1x128xi32, #tpu.memory_space<vmem>>
      %dma_start3A_61 = tpu.memref_squeeze %dma_start3A_60 : memref<1x128xi32, #tpu.memory_space<vmem>> -> memref<128xi32, #tpu.memory_space<vmem>>
      %dma_start3A_62 = arith.constant 0 : i32
      %dma_start3A_63 = arith.constant 0 : i32
      %dma_start3A_64 = tpu.memref_slice %arg2[%dma_start3A_62, %dma_start3A_63] : memref<10112x128xf32, #tpu.memory_space<hbm>> -> memref<10112x128xf32, #tpu.memory_space<hbm>>
      tpu.enqueue_indirect_dma source(%dma_start3A_64 : memref<10112x128xf32, #tpu.memory_space<hbm>>) target(%arg10 : memref<128x128xf32, #tpu.memory_space<vmem>>) offsets(%dma_start3A_61 : memref<128xi32, #tpu.memory_space<vmem>>) semaphore(%arg13 : memref<!tpu.dma_semaphore, #tpu.memory_space<semaphore_mem>>)
      %dma_wait3A = arith.constant 38 : i32
      %dma_wait3A_65 = arith.constant 0 : i32
      %dma_wait3A_66 = tpu.memref_slice %arg7[%dma_wait3A, %dma_wait3A_65] : memref<40x128xi32, #tpu.memory_space<vmem>> -> memref<1x128xi32, #tpu.memory_space<vmem>>
      %dma_wait3A_67 = tpu.memref_squeeze %dma_wait3A_66 : memref<1x128xi32, #tpu.memory_space<vmem>> -> memref<128xi32, #tpu.memory_space<vmem>>
      %dma_wait3A_68 = arith.constant 0 : i32
      %dma_wait3A_69 = arith.constant 0 : i32
      %dma_wait3A_70 = tpu.memref_slice %arg2[%dma_wait3A_68, %dma_wait3A_69] : memref<10112x128xf32, #tpu.memory_space<hbm>> -> memref<10112x128xf32, #tpu.memory_space<hbm>>
      tpu.wait_indirect_dma semaphore(%arg12 : memref<!tpu.dma_semaphore, #tpu.memory_space<semaphore_mem>>) src(%dma_wait3A_70 : memref<10112x128xf32, #tpu.memory_space<hbm>>) dst(%arg9 : memref<128x128xf32, #tpu.memory_space<vmem>>)
      %run_scoped3A = arith.constant 38 : i32
      "tpu.region"() ({
        %run_scoped3A_79 = tpu.sem_alloc : memref<!tpu.dma_semaphore, #tpu.memory_space<semaphore_mem>>
        %dma_start3A_80 = arith.constant 0 : i32
        %dma_start3A_81 = tpu.memref_slice %arg8[%run_scoped3A, %dma_start3A_80] : memref<40x128xi32, #tpu.memory_space<vmem>> -> memref<1x128xi32, #tpu.memory_space<vmem>>
        %dma_start3A_82 = tpu.memref_squeeze %dma_start3A_81 : memref<1x128xi32, #tpu.memory_space<vmem>> -> memref<128xi32, #tpu.memory_space<vmem>>
        %dma_start3A_83 = arith.constant 0 : i32
        %dma_start3A_84 = arith.constant 0 : i32
        %dma_start3A_85 = tpu.memref_slice %arg11[%dma_start3A_83, %dma_start3A_84] : memref<10112x128xf32, #tpu.memory_space<vmem_shared>> -> memref<10112x128xf32, #tpu.memory_space<vmem_shared>>
        tpu.enqueue_indirect_dma source(%arg9 : memref<128x128xf32, #tpu.memory_space<vmem>>) target(%dma_start3A_85 : memref<10112x128xf32, #tpu.memory_space<vmem_shared>>) offsets(%dma_start3A_82 : memref<128xi32, #tpu.memory_space<vmem>>) semaphore(%run_scoped3A_79 : memref<!tpu.dma_semaphore, #tpu.memory_space<semaphore_mem>>) {add = true}
        %dma_wait3A_86 = arith.constant 0 : i32
        %dma_wait3A_87 = tpu.memref_slice %arg8[%run_scoped3A, %dma_wait3A_86] : memref<40x128xi32, #tpu.memory_space<vmem>> -> memref<1x128xi32, #tpu.memory_space<vmem>>
        %dma_wait3A_88 = tpu.memref_squeeze %dma_wait3A_87 : memref<1x128xi32, #tpu.memory_space<vmem>> -> memref<128xi32, #tpu.memory_space<vmem>>
        %dma_wait3A_89 = arith.constant 0 : i32
        %dma_wait3A_90 = arith.constant 0 : i32
        %dma_wait3A_91 = tpu.memref_slice %arg11[%dma_wait3A_89, %dma_wait3A_90] : memref<10112x128xf32, #tpu.memory_space<vmem_shared>> -> memref<10112x128xf32, #tpu.memory_space<vmem_shared>>
        tpu.wait_indirect_dma semaphore(%run_scoped3A_79 : memref<!tpu.dma_semaphore, #tpu.memory_space<semaphore_mem>>) src(%arg9 : memref<128x128xf32, #tpu.memory_space<vmem>>) dst(%dma_wait3A_91 : memref<10112x128xf32, #tpu.memory_space<vmem_shared>>)
        tpu.yield
      }) : () -> ()
      %dma_wait3A_71 = arith.constant 39 : i32
      %dma_wait3A_72 = arith.constant 0 : i32
      %dma_wait3A_73 = tpu.memref_slice %arg7[%dma_wait3A_71, %dma_wait3A_72] : memref<40x128xi32, #tpu.memory_space<vmem>> -> memref<1x128xi32, #tpu.memory_space<vmem>>
      %dma_wait3A_74 = tpu.memref_squeeze %dma_wait3A_73 : memref<1x128xi32, #tpu.memory_space<vmem>> -> memref<128xi32, #tpu.memory_space<vmem>>
      %dma_wait3A_75 = arith.constant 0 : i32
      %dma_wait3A_76 = arith.constant 0 : i32
      %dma_wait3A_77 = tpu.memref_slice %arg2[%dma_wait3A_75, %dma_wait3A_76] : memref<10112x128xf32, #tpu.memory_space<hbm>> -> memref<10112x128xf32, #tpu.memory_space<hbm>>
      tpu.wait_indirect_dma semaphore(%arg13 : memref<!tpu.dma_semaphore, #tpu.memory_space<semaphore_mem>>) src(%dma_wait3A_77 : memref<10112x128xf32, #tpu.memory_space<hbm>>) dst(%arg10 : memref<128x128xf32, #tpu.memory_space<vmem>>)
      %run_scoped3A_78 = arith.constant 39 : i32
      "tpu.region"() ({
        %run_scoped3A_79 = tpu.sem_alloc : memref<!tpu.dma_semaphore, #tpu.memory_space<semaphore_mem>>
        %dma_start3A_80 = arith.constant 0 : i32
        %dma_start3A_81 = tpu.memref_slice %arg8[%run_scoped3A_78, %dma_start3A_80] : memref<40x128xi32, #tpu.memory_space<vmem>> -> memref<1x128xi32, #tpu.memory_space<vmem>>
        %dma_start3A_82 = tpu.memref_squeeze %dma_start3A_81 : memref<1x128xi32, #tpu.memory_space<vmem>> -> memref<128xi32, #tpu.memory_space<vmem>>
        %dma_start3A_83 = arith.constant 0 : i32
        %dma_start3A_84 = arith.constant 0 : i32
        %dma_start3A_85 = tpu.memref_slice %arg11[%dma_start3A_83, %dma_start3A_84] : memref<10112x128xf32, #tpu.memory_space<vmem_shared>> -> memref<10112x128xf32, #tpu.memory_space<vmem_shared>>
        tpu.enqueue_indirect_dma source(%arg10 : memref<128x128xf32, #tpu.memory_space<vmem>>) target(%dma_start3A_85 : memref<10112x128xf32, #tpu.memory_space<vmem_shared>>) offsets(%dma_start3A_82 : memref<128xi32, #tpu.memory_space<vmem>>) semaphore(%run_scoped3A_79 : memref<!tpu.dma_semaphore, #tpu.memory_space<semaphore_mem>>) {add = true}
        %dma_wait3A_86 = arith.constant 0 : i32
        %dma_wait3A_87 = tpu.memref_slice %arg8[%run_scoped3A_78, %dma_wait3A_86] : memref<40x128xi32, #tpu.memory_space<vmem>> -> memref<1x128xi32, #tpu.memory_space<vmem>>
        %dma_wait3A_88 = tpu.memref_squeeze %dma_wait3A_87 : memref<1x128xi32, #tpu.memory_space<vmem>> -> memref<128xi32, #tpu.memory_space<vmem>>
        %dma_wait3A_89 = arith.constant 0 : i32
        %dma_wait3A_90 = arith.constant 0 : i32
        %dma_wait3A_91 = tpu.memref_slice %arg11[%dma_wait3A_89, %dma_wait3A_90] : memref<10112x128xf32, #tpu.memory_space<vmem_shared>> -> memref<10112x128xf32, #tpu.memory_space<vmem_shared>>
        tpu.wait_indirect_dma semaphore(%run_scoped3A_79 : memref<!tpu.dma_semaphore, #tpu.memory_space<semaphore_mem>>) src(%arg10 : memref<128x128xf32, #tpu.memory_space<vmem>>) dst(%dma_wait3A_91 : memref<10112x128xf32, #tpu.memory_space<vmem_shared>>)
        tpu.yield
      }) : () -> ()
    }
    %scan3A_21 = arith.constant 2 : i32
    %barrier3A_22 = arith.constant 0 : index
    tpu.barrier barrier_id(%barrier3A_22)
    %add3A_23 = arith.constant 0 : i32
    %add3A_24 = arith.addi %multiple_of3A, %add3A_23 : i32
    %multiple_of3A_25 = tpu.assume_multiple %add3A_24, 8 : i32
    "tpu.region"() ({
      %run_scoped3A = tpu.sem_alloc : memref<!tpu.dma_semaphore, #tpu.memory_space<semaphore_mem>>
      %dma_start3A = arith.constant 0 : i32
      %dma_start3A_38 = arith.constant 0 : i32
      %dma_start3A_39 = tpu.memref_slice %arg9[%dma_start3A, %dma_start3A_38] : memref<128x128xf32, #tpu.memory_space<vmem>> -> memref<128x128xf32, #tpu.memory_space<vmem>>
      %dma_start3A_40 = arith.constant 0 : i32
      %dma_start3A_41 = tpu.memref_slice %arg11[%multiple_of3A_25, %dma_start3A_40] : memref<10112x128xf32, #tpu.memory_space<vmem_shared>> -> memref<128x128xf32, #tpu.memory_space<vmem_shared>>
      %dma_start3A_42 = arith.constant 0 : i32
      %dma_start3A_43 = arith.constant 0 : i32
      %dma_start3A_44 = tpu.memref_slice %arg9[%dma_start3A_42, %dma_start3A_43] : memref<128x128xf32, #tpu.memory_space<vmem>> -> memref<128x128xf32, #tpu.memory_space<vmem>>
      %dma_start3A_45 = arith.constant 0 : i32
      %dma_start3A_46 = tpu.memref_slice %arg11[%multiple_of3A_25, %dma_start3A_45] : memref<10112x128xf32, #tpu.memory_space<vmem_shared>> -> memref<128x128xf32, #tpu.memory_space<vmem_shared>>
      tpu.enqueue_dma source(%dma_start3A_46 : memref<128x128xf32, #tpu.memory_space<vmem_shared>>) target(%dma_start3A_44 : memref<128x128xf32, #tpu.memory_space<vmem>>) target_semaphore(%run_scoped3A : memref<!tpu.dma_semaphore, #tpu.memory_space<semaphore_mem>>)
      %dma_wait3A = arith.constant 0 : i32
      %dma_wait3A_47 = arith.constant 0 : i32
      %dma_wait3A_48 = tpu.memref_slice %arg9[%dma_wait3A, %dma_wait3A_47] : memref<128x128xf32, #tpu.memory_space<vmem>> -> memref<128x128xf32, #tpu.memory_space<vmem>>
      %dma_wait3A_49 = arith.constant 0 : i32
      %dma_wait3A_50 = tpu.memref_slice %arg11[%multiple_of3A_25, %dma_wait3A_49] : memref<10112x128xf32, #tpu.memory_space<vmem_shared>> -> memref<128x128xf32, #tpu.memory_space<vmem_shared>>
      %dma_wait3A_51 = arith.constant 0 : i32
      %dma_wait3A_52 = arith.constant 0 : i32
      %dma_wait3A_53 = tpu.memref_slice %arg9[%dma_wait3A_51, %dma_wait3A_52] : memref<128x128xf32, #tpu.memory_space<vmem>> -> memref<128x128xf32, #tpu.memory_space<vmem>>
      %dma_wait3A_54 = arith.constant 0 : i32
      %dma_wait3A_55 = tpu.memref_slice %arg11[%multiple_of3A_25, %dma_wait3A_54] : memref<10112x128xf32, #tpu.memory_space<vmem_shared>> -> memref<128x128xf32, #tpu.memory_space<vmem_shared>>
      tpu.wait_dma2 semaphore(%run_scoped3A : memref<!tpu.dma_semaphore, #tpu.memory_space<semaphore_mem>>) src(%dma_wait3A_55 : memref<128x128xf32, #tpu.memory_space<vmem_shared>>) dst(%dma_wait3A_53 : memref<128x128xf32, #tpu.memory_space<vmem>>)
      tpu.yield
    }) : () -> ()
    "tpu.region"() ({
      %run_scoped3A = tpu.sem_alloc : memref<!tpu.dma_semaphore, #tpu.memory_space<semaphore_mem>>
      %dma_start3A = arith.constant 0 : i32
      %dma_start3A_38 = arith.constant 0 : i32
      %dma_start3A_39 = tpu.memref_slice %arg9[%dma_start3A, %dma_start3A_38] : memref<128x128xf32, #tpu.memory_space<vmem>> -> memref<128x128xf32, #tpu.memory_space<vmem>>
      %dma_start3A_40 = arith.constant 0 : i32
      %dma_start3A_41 = tpu.memref_slice %arg6[%arg0, %multiple_of3A_25, %dma_start3A_40] : memref<2x10112x128xf32, #tpu.memory_space<hbm>> -> memref<1x128x128xf32, #tpu.memory_space<hbm>>
      %dma_start3A_42 = tpu.memref_squeeze %dma_start3A_41 : memref<1x128x128xf32, #tpu.memory_space<hbm>> -> memref<128x128xf32, #tpu.memory_space<hbm>>
      %dma_start3A_43 = arith.constant 0 : i32
      %dma_start3A_44 = tpu.memref_slice %arg6[%arg0, %multiple_of3A_25, %dma_start3A_43] : memref<2x10112x128xf32, #tpu.memory_space<hbm>> -> memref<1x128x128xf32, #tpu.memory_space<hbm>>
      %dma_start3A_45 = tpu.memref_squeeze %dma_start3A_44 : memref<1x128x128xf32, #tpu.memory_space<hbm>> -> memref<128x128xf32, #tpu.memory_space<hbm>>
      %dma_start3A_46 = arith.constant 0 : i32
      %dma_start3A_47 = arith.constant 0 : i32
      %dma_start3A_48 = tpu.memref_slice %arg9[%dma_start3A_46, %dma_start3A_47] : memref<128x128xf32, #tpu.memory_space<vmem>> -> memref<128x128xf32, #tpu.memory_space<vmem>>
      tpu.enqueue_dma source(%dma_start3A_48 : memref<128x128xf32, #tpu.memory_space<vmem>>) target(%dma_start3A_45 : memref<128x128xf32, #tpu.memory_space<hbm>>) target_semaphore(%run_scoped3A : memref<!tpu.dma_semaphore, #tpu.memory_space<semaphore_mem>>)
      %dma_wait3A = arith.constant 0 : i32
      %dma_wait3A_49 = arith.constant 0 : i32
      %dma_wait3A_50 = tpu.memref_slice %arg9[%dma_wait3A, %dma_wait3A_49] : memref<128x128xf32, #tpu.memory_space<vmem>> -> memref<128x128xf32, #tpu.memory_space<vmem>>
      %dma_wait3A_51 = arith.constant 0 : i32
      %dma_wait3A_52 = tpu.memref_slice %arg6[%arg0, %multiple_of3A_25, %dma_wait3A_51] : memref<2x10112x128xf32, #tpu.memory_space<hbm>> -> memref<1x128x128xf32, #tpu.memory_space<hbm>>
      %dma_wait3A_53 = tpu.memref_squeeze %dma_wait3A_52 : memref<1x128x128xf32, #tpu.memory_space<hbm>> -> memref<128x128xf32, #tpu.memory_space<hbm>>
      %dma_wait3A_54 = arith.constant 0 : i32
      %dma_wait3A_55 = tpu.memref_slice %arg6[%arg0, %multiple_of3A_25, %dma_wait3A_54] : memref<2x10112x128xf32, #tpu.memory_space<hbm>> -> memref<1x128x128xf32, #tpu.memory_space<hbm>>
      %dma_wait3A_56 = tpu.memref_squeeze %dma_wait3A_55 : memref<1x128x128xf32, #tpu.memory_space<hbm>> -> memref<128x128xf32, #tpu.memory_space<hbm>>
      %dma_wait3A_57 = arith.constant 0 : i32
      %dma_wait3A_58 = arith.constant 0 : i32
      %dma_wait3A_59 = tpu.memref_slice %arg9[%dma_wait3A_57, %dma_wait3A_58] : memref<128x128xf32, #tpu.memory_space<vmem>> -> memref<128x128xf32, #tpu.memory_space<vmem>>
      tpu.wait_dma2 semaphore(%run_scoped3A : memref<!tpu.dma_semaphore, #tpu.memory_space<semaphore_mem>>) src(%dma_wait3A_59 : memref<128x128xf32, #tpu.memory_space<vmem>>) dst(%dma_wait3A_56 : memref<128x128xf32, #tpu.memory_space<hbm>>)
      tpu.yield
    }) : () -> ()
    %add3A_26 = arith.constant 128 : i32
    %add3A_27 = arith.addi %multiple_of3A, %add3A_26 : i32
    %multiple_of3A_28 = tpu.assume_multiple %add3A_27, 8 : i32
    "tpu.region"() ({
      %run_scoped3A = tpu.sem_alloc : memref<!tpu.dma_semaphore, #tpu.memory_space<semaphore_mem>>
      %dma_start3A = arith.constant 0 : i32
      %dma_start3A_38 = arith.constant 0 : i32
      %dma_start3A_39 = tpu.memref_slice %arg9[%dma_start3A, %dma_start3A_38] : memref<128x128xf32, #tpu.memory_space<vmem>> -> memref<128x128xf32, #tpu.memory_space<vmem>>
      %dma_start3A_40 = arith.constant 0 : i32
      %dma_start3A_41 = tpu.memref_slice %arg11[%multiple_of3A_28, %dma_start3A_40] : memref<10112x128xf32, #tpu.memory_space<vmem_shared>> -> memref<128x128xf32, #tpu.memory_space<vmem_shared>>
      %dma_start3A_42 = arith.constant 0 : i32
      %dma_start3A_43 = arith.constant 0 : i32
      %dma_start3A_44 = tpu.memref_slice %arg9[%dma_start3A_42, %dma_start3A_43] : memref<128x128xf32, #tpu.memory_space<vmem>> -> memref<128x128xf32, #tpu.memory_space<vmem>>
      %dma_start3A_45 = arith.constant 0 : i32
      %dma_start3A_46 = tpu.memref_slice %arg11[%multiple_of3A_28, %dma_start3A_45] : memref<10112x128xf32, #tpu.memory_space<vmem_shared>> -> memref<128x128xf32, #tpu.memory_space<vmem_shared>>
      tpu.enqueue_dma source(%dma_start3A_46 : memref<128x128xf32, #tpu.memory_space<vmem_shared>>) target(%dma_start3A_44 : memref<128x128xf32, #tpu.memory_space<vmem>>) target_semaphore(%run_scoped3A : memref<!tpu.dma_semaphore, #tpu.memory_space<semaphore_mem>>)
      %dma_wait3A = arith.constant 0 : i32
      %dma_wait3A_47 = arith.constant 0 : i32
      %dma_wait3A_48 = tpu.memref_slice %arg9[%dma_wait3A, %dma_wait3A_47] : memref<128x128xf32, #tpu.memory_space<vmem>> -> memref<128x128xf32, #tpu.memory_space<vmem>>
      %dma_wait3A_49 = arith.constant 0 : i32
      %dma_wait3A_50 = tpu.memref_slice %arg11[%multiple_of3A_28, %dma_wait3A_49] : memref<10112x128xf32, #tpu.memory_space<vmem_shared>> -> memref<128x128xf32, #tpu.memory_space<vmem_shared>>
      %dma_wait3A_51 = arith.constant 0 : i32
      %dma_wait3A_52 = arith.constant 0 : i32
      %dma_wait3A_53 = tpu.memref_slice %arg9[%dma_wait3A_51, %dma_wait3A_52] : memref<128x128xf32, #tpu.memory_space<vmem>> -> memref<128x128xf32, #tpu.memory_space<vmem>>
      %dma_wait3A_54 = arith.constant 0 : i32
      %dma_wait3A_55 = tpu.memref_slice %arg11[%multiple_of3A_28, %dma_wait3A_54] : memref<10112x128xf32, #tpu.memory_space<vmem_shared>> -> memref<128x128xf32, #tpu.memory_space<vmem_shared>>
      tpu.wait_dma2 semaphore(%run_scoped3A : memref<!tpu.dma_semaphore, #tpu.memory_space<semaphore_mem>>) src(%dma_wait3A_55 : memref<128x128xf32, #tpu.memory_space<vmem_shared>>) dst(%dma_wait3A_53 : memref<128x128xf32, #tpu.memory_space<vmem>>)
      tpu.yield
    }) : () -> ()
    "tpu.region"() ({
      %run_scoped3A = tpu.sem_alloc : memref<!tpu.dma_semaphore, #tpu.memory_space<semaphore_mem>>
      %dma_start3A = arith.constant 0 : i32
      %dma_start3A_38 = arith.constant 0 : i32
      %dma_start3A_39 = tpu.memref_slice %arg9[%dma_start3A, %dma_start3A_38] : memref<128x128xf32, #tpu.memory_space<vmem>> -> memref<128x128xf32, #tpu.memory_space<vmem>>
      %dma_start3A_40 = arith.constant 0 : i32
      %dma_start3A_41 = tpu.memref_slice %arg6[%arg0, %multiple_of3A_28, %dma_start3A_40] : memref<2x10112x128xf32, #tpu.memory_space<hbm>> -> memref<1x128x128xf32, #tpu.memory_space<hbm>>
      %dma_start3A_42 = tpu.memref_squeeze %dma_start3A_41 : memref<1x128x128xf32, #tpu.memory_space<hbm>> -> memref<128x128xf32, #tpu.memory_space<hbm>>
      %dma_start3A_43 = arith.constant 0 : i32
      %dma_start3A_44 = tpu.memref_slice %arg6[%arg0, %multiple_of3A_28, %dma_start3A_43] : memref<2x10112x128xf32, #tpu.memory_space<hbm>> -> memref<1x128x128xf32, #tpu.memory_space<hbm>>
      %dma_start3A_45 = tpu.memref_squeeze %dma_start3A_44 : memref<1x128x128xf32, #tpu.memory_space<hbm>> -> memref<128x128xf32, #tpu.memory_space<hbm>>
      %dma_start3A_46 = arith.constant 0 : i32
      %dma_start3A_47 = arith.constant 0 : i32
      %dma_start3A_48 = tpu.memref_slice %arg9[%dma_start3A_46, %dma_start3A_47] : memref<128x128xf32, #tpu.memory_space<vmem>> -> memref<128x128xf32, #tpu.memory_space<vmem>>
      tpu.enqueue_dma source(%dma_start3A_48 : memref<128x128xf32, #tpu.memory_space<vmem>>) target(%dma_start3A_45 : memref<128x128xf32, #tpu.memory_space<hbm>>) target_semaphore(%run_scoped3A : memref<!tpu.dma_semaphore, #tpu.memory_space<semaphore_mem>>)
      %dma_wait3A = arith.constant 0 : i32
      %dma_wait3A_49 = arith.constant 0 : i32
      %dma_wait3A_50 = tpu.memref_slice %arg9[%dma_wait3A, %dma_wait3A_49] : memref<128x128xf32, #tpu.memory_space<vmem>> -> memref<128x128xf32, #tpu.memory_space<vmem>>
      %dma_wait3A_51 = arith.constant 0 : i32
      %dma_wait3A_52 = tpu.memref_slice %arg6[%arg0, %multiple_of3A_28, %dma_wait3A_51] : memref<2x10112x128xf32, #tpu.memory_space<hbm>> -> memref<1x128x128xf32, #tpu.memory_space<hbm>>
      %dma_wait3A_53 = tpu.memref_squeeze %dma_wait3A_52 : memref<1x128x128xf32, #tpu.memory_space<hbm>> -> memref<128x128xf32, #tpu.memory_space<hbm>>
      %dma_wait3A_54 = arith.constant 0 : i32
      %dma_wait3A_55 = tpu.memref_slice %arg6[%arg0, %multiple_of3A_28, %dma_wait3A_54] : memref<2x10112x128xf32, #tpu.memory_space<hbm>> -> memref<1x128x128xf32, #tpu.memory_space<hbm>>
      %dma_wait3A_56 = tpu.memref_squeeze %dma_wait3A_55 : memref<1x128x128xf32, #tpu.memory_space<hbm>> -> memref<128x128xf32, #tpu.memory_space<hbm>>
      %dma_wait3A_57 = arith.constant 0 : i32
      %dma_wait3A_58 = arith.constant 0 : i32
      %dma_wait3A_59 = tpu.memref_slice %arg9[%dma_wait3A_57, %dma_wait3A_58] : memref<128x128xf32, #tpu.memory_space<vmem>> -> memref<128x128xf32, #tpu.memory_space<vmem>>
      tpu.wait_dma2 semaphore(%run_scoped3A : memref<!tpu.dma_semaphore, #tpu.memory_space<semaphore_mem>>) src(%dma_wait3A_59 : memref<128x128xf32, #tpu.memory_space<vmem>>) dst(%dma_wait3A_56 : memref<128x128xf32, #tpu.memory_space<hbm>>)
      tpu.yield
    }) : () -> ()
    %add3A_29 = arith.constant 256 : i32
    %add3A_30 = arith.addi %multiple_of3A, %add3A_29 : i32
    %multiple_of3A_31 = tpu.assume_multiple %add3A_30, 8 : i32
    "tpu.region"() ({
      %run_scoped3A = tpu.sem_alloc : memref<!tpu.dma_semaphore, #tpu.memory_space<semaphore_mem>>
      %dma_start3A = arith.constant 0 : i32
      %dma_start3A_38 = arith.constant 0 : i32
      %dma_start3A_39 = tpu.memref_slice %arg9[%dma_start3A, %dma_start3A_38] : memref<128x128xf32, #tpu.memory_space<vmem>> -> memref<128x128xf32, #tpu.memory_space<vmem>>
      %dma_start3A_40 = arith.constant 0 : i32
      %dma_start3A_41 = tpu.memref_slice %arg11[%multiple_of3A_31, %dma_start3A_40] : memref<10112x128xf32, #tpu.memory_space<vmem_shared>> -> memref<128x128xf32, #tpu.memory_space<vmem_shared>>
      %dma_start3A_42 = arith.constant 0 : i32
      %dma_start3A_43 = arith.constant 0 : i32
      %dma_start3A_44 = tpu.memref_slice %arg9[%dma_start3A_42, %dma_start3A_43] : memref<128x128xf32, #tpu.memory_space<vmem>> -> memref<128x128xf32, #tpu.memory_space<vmem>>
      %dma_start3A_45 = arith.constant 0 : i32
      %dma_start3A_46 = tpu.memref_slice %arg11[%multiple_of3A_31, %dma_start3A_45] : memref<10112x128xf32, #tpu.memory_space<vmem_shared>> -> memref<128x128xf32, #tpu.memory_space<vmem_shared>>
      tpu.enqueue_dma source(%dma_start3A_46 : memref<128x128xf32, #tpu.memory_space<vmem_shared>>) target(%dma_start3A_44 : memref<128x128xf32, #tpu.memory_space<vmem>>) target_semaphore(%run_scoped3A : memref<!tpu.dma_semaphore, #tpu.memory_space<semaphore_mem>>)
      %dma_wait3A = arith.constant 0 : i32
      %dma_wait3A_47 = arith.constant 0 : i32
      %dma_wait3A_48 = tpu.memref_slice %arg9[%dma_wait3A, %dma_wait3A_47] : memref<128x128xf32, #tpu.memory_space<vmem>> -> memref<128x128xf32, #tpu.memory_space<vmem>>
      %dma_wait3A_49 = arith.constant 0 : i32
      %dma_wait3A_50 = tpu.memref_slice %arg11[%multiple_of3A_31, %dma_wait3A_49] : memref<10112x128xf32, #tpu.memory_space<vmem_shared>> -> memref<128x128xf32, #tpu.memory_space<vmem_shared>>
      %dma_wait3A_51 = arith.constant 0 : i32
      %dma_wait3A_52 = arith.constant 0 : i32
      %dma_wait3A_53 = tpu.memref_slice %arg9[%dma_wait3A_51, %dma_wait3A_52] : memref<128x128xf32, #tpu.memory_space<vmem>> -> memref<128x128xf32, #tpu.memory_space<vmem>>
      %dma_wait3A_54 = arith.constant 0 : i32
      %dma_wait3A_55 = tpu.memref_slice %arg11[%multiple_of3A_31, %dma_wait3A_54] : memref<10112x128xf32, #tpu.memory_space<vmem_shared>> -> memref<128x128xf32, #tpu.memory_space<vmem_shared>>
      tpu.wait_dma2 semaphore(%run_scoped3A : memref<!tpu.dma_semaphore, #tpu.memory_space<semaphore_mem>>) src(%dma_wait3A_55 : memref<128x128xf32, #tpu.memory_space<vmem_shared>>) dst(%dma_wait3A_53 : memref<128x128xf32, #tpu.memory_space<vmem>>)
      tpu.yield
    }) : () -> ()
    "tpu.region"() ({
      %run_scoped3A = tpu.sem_alloc : memref<!tpu.dma_semaphore, #tpu.memory_space<semaphore_mem>>
      %dma_start3A = arith.constant 0 : i32
      %dma_start3A_38 = arith.constant 0 : i32
      %dma_start3A_39 = tpu.memref_slice %arg9[%dma_start3A, %dma_start3A_38] : memref<128x128xf32, #tpu.memory_space<vmem>> -> memref<128x128xf32, #tpu.memory_space<vmem>>
      %dma_start3A_40 = arith.constant 0 : i32
      %dma_start3A_41 = tpu.memref_slice %arg6[%arg0, %multiple_of3A_31, %dma_start3A_40] : memref<2x10112x128xf32, #tpu.memory_space<hbm>> -> memref<1x128x128xf32, #tpu.memory_space<hbm>>
      %dma_start3A_42 = tpu.memref_squeeze %dma_start3A_41 : memref<1x128x128xf32, #tpu.memory_space<hbm>> -> memref<128x128xf32, #tpu.memory_space<hbm>>
      %dma_start3A_43 = arith.constant 0 : i32
      %dma_start3A_44 = tpu.memref_slice %arg6[%arg0, %multiple_of3A_31, %dma_start3A_43] : memref<2x10112x128xf32, #tpu.memory_space<hbm>> -> memref<1x128x128xf32, #tpu.memory_space<hbm>>
      %dma_start3A_45 = tpu.memref_squeeze %dma_start3A_44 : memref<1x128x128xf32, #tpu.memory_space<hbm>> -> memref<128x128xf32, #tpu.memory_space<hbm>>
      %dma_start3A_46 = arith.constant 0 : i32
      %dma_start3A_47 = arith.constant 0 : i32
      %dma_start3A_48 = tpu.memref_slice %arg9[%dma_start3A_46, %dma_start3A_47] : memref<128x128xf32, #tpu.memory_space<vmem>> -> memref<128x128xf32, #tpu.memory_space<vmem>>
      tpu.enqueue_dma source(%dma_start3A_48 : memref<128x128xf32, #tpu.memory_space<vmem>>) target(%dma_start3A_45 : memref<128x128xf32, #tpu.memory_space<hbm>>) target_semaphore(%run_scoped3A : memref<!tpu.dma_semaphore, #tpu.memory_space<semaphore_mem>>)
      %dma_wait3A = arith.constant 0 : i32
      %dma_wait3A_49 = arith.constant 0 : i32
      %dma_wait3A_50 = tpu.memref_slice %arg9[%dma_wait3A, %dma_wait3A_49] : memref<128x128xf32, #tpu.memory_space<vmem>> -> memref<128x128xf32, #tpu.memory_space<vmem>>
      %dma_wait3A_51 = arith.constant 0 : i32
      %dma_wait3A_52 = tpu.memref_slice %arg6[%arg0, %multiple_of3A_31, %dma_wait3A_51] : memref<2x10112x128xf32, #tpu.memory_space<hbm>> -> memref<1x128x128xf32, #tpu.memory_space<hbm>>
      %dma_wait3A_53 = tpu.memref_squeeze %dma_wait3A_52 : memref<1x128x128xf32, #tpu.memory_space<hbm>> -> memref<128x128xf32, #tpu.memory_space<hbm>>
      %dma_wait3A_54 = arith.constant 0 : i32
      %dma_wait3A_55 = tpu.memref_slice %arg6[%arg0, %multiple_of3A_31, %dma_wait3A_54] : memref<2x10112x128xf32, #tpu.memory_space<hbm>> -> memref<1x128x128xf32, #tpu.memory_space<hbm>>
      %dma_wait3A_56 = tpu.memref_squeeze %dma_wait3A_55 : memref<1x128x128xf32, #tpu.memory_space<hbm>> -> memref<128x128xf32, #tpu.memory_space<hbm>>
      %dma_wait3A_57 = arith.constant 0 : i32
      %dma_wait3A_58 = arith.constant 0 : i32
      %dma_wait3A_59 = tpu.memref_slice %arg9[%dma_wait3A_57, %dma_wait3A_58] : memref<128x128xf32, #tpu.memory_space<vmem>> -> memref<128x128xf32, #tpu.memory_space<vmem>>
      tpu.wait_dma2 semaphore(%run_scoped3A : memref<!tpu.dma_semaphore, #tpu.memory_space<semaphore_mem>>) src(%dma_wait3A_59 : memref<128x128xf32, #tpu.memory_space<vmem>>) dst(%dma_wait3A_56 : memref<128x128xf32, #tpu.memory_space<hbm>>)
      tpu.yield
    }) : () -> ()
    %add3A_32 = arith.constant 384 : i32
    %add3A_33 = arith.addi %multiple_of3A, %add3A_32 : i32
    %multiple_of3A_34 = tpu.assume_multiple %add3A_33, 8 : i32
    "tpu.region"() ({
      %run_scoped3A = tpu.sem_alloc : memref<!tpu.dma_semaphore, #tpu.memory_space<semaphore_mem>>
      %dma_start3A = arith.constant 0 : i32
      %dma_start3A_38 = arith.constant 0 : i32
      %dma_start3A_39 = tpu.memref_slice %arg9[%dma_start3A, %dma_start3A_38] : memref<128x128xf32, #tpu.memory_space<vmem>> -> memref<128x128xf32, #tpu.memory_space<vmem>>
      %dma_start3A_40 = arith.constant 0 : i32
      %dma_start3A_41 = tpu.memref_slice %arg11[%multiple_of3A_34, %dma_start3A_40] : memref<10112x128xf32, #tpu.memory_space<vmem_shared>> -> memref<128x128xf32, #tpu.memory_space<vmem_shared>>
      %dma_start3A_42 = arith.constant 0 : i32
      %dma_start3A_43 = arith.constant 0 : i32
      %dma_start3A_44 = tpu.memref_slice %arg9[%dma_start3A_42, %dma_start3A_43] : memref<128x128xf32, #tpu.memory_space<vmem>> -> memref<128x128xf32, #tpu.memory_space<vmem>>
      %dma_start3A_45 = arith.constant 0 : i32
      %dma_start3A_46 = tpu.memref_slice %arg11[%multiple_of3A_34, %dma_start3A_45] : memref<10112x128xf32, #tpu.memory_space<vmem_shared>> -> memref<128x128xf32, #tpu.memory_space<vmem_shared>>
      tpu.enqueue_dma source(%dma_start3A_46 : memref<128x128xf32, #tpu.memory_space<vmem_shared>>) target(%dma_start3A_44 : memref<128x128xf32, #tpu.memory_space<vmem>>) target_semaphore(%run_scoped3A : memref<!tpu.dma_semaphore, #tpu.memory_space<semaphore_mem>>)
      %dma_wait3A = arith.constant 0 : i32
      %dma_wait3A_47 = arith.constant 0 : i32
      %dma_wait3A_48 = tpu.memref_slice %arg9[%dma_wait3A, %dma_wait3A_47] : memref<128x128xf32, #tpu.memory_space<vmem>> -> memref<128x128xf32, #tpu.memory_space<vmem>>
      %dma_wait3A_49 = arith.constant 0 : i32
      %dma_wait3A_50 = tpu.memref_slice %arg11[%multiple_of3A_34, %dma_wait3A_49] : memref<10112x128xf32, #tpu.memory_space<vmem_shared>> -> memref<128x128xf32, #tpu.memory_space<vmem_shared>>
      %dma_wait3A_51 = arith.constant 0 : i32
      %dma_wait3A_52 = arith.constant 0 : i32
      %dma_wait3A_53 = tpu.memref_slice %arg9[%dma_wait3A_51, %dma_wait3A_52] : memref<128x128xf32, #tpu.memory_space<vmem>> -> memref<128x128xf32, #tpu.memory_space<vmem>>
      %dma_wait3A_54 = arith.constant 0 : i32
      %dma_wait3A_55 = tpu.memref_slice %arg11[%multiple_of3A_34, %dma_wait3A_54] : memref<10112x128xf32, #tpu.memory_space<vmem_shared>> -> memref<128x128xf32, #tpu.memory_space<vmem_shared>>
      tpu.wait_dma2 semaphore(%run_scoped3A : memref<!tpu.dma_semaphore, #tpu.memory_space<semaphore_mem>>) src(%dma_wait3A_55 : memref<128x128xf32, #tpu.memory_space<vmem_shared>>) dst(%dma_wait3A_53 : memref<128x128xf32, #tpu.memory_space<vmem>>)
      tpu.yield
    }) : () -> ()
    "tpu.region"() ({
      %run_scoped3A = tpu.sem_alloc : memref<!tpu.dma_semaphore, #tpu.memory_space<semaphore_mem>>
      %dma_start3A = arith.constant 0 : i32
      %dma_start3A_38 = arith.constant 0 : i32
      %dma_start3A_39 = tpu.memref_slice %arg9[%dma_start3A, %dma_start3A_38] : memref<128x128xf32, #tpu.memory_space<vmem>> -> memref<128x128xf32, #tpu.memory_space<vmem>>
      %dma_start3A_40 = arith.constant 0 : i32
      %dma_start3A_41 = tpu.memref_slice %arg6[%arg0, %multiple_of3A_34, %dma_start3A_40] : memref<2x10112x128xf32, #tpu.memory_space<hbm>> -> memref<1x128x128xf32, #tpu.memory_space<hbm>>
      %dma_start3A_42 = tpu.memref_squeeze %dma_start3A_41 : memref<1x128x128xf32, #tpu.memory_space<hbm>> -> memref<128x128xf32, #tpu.memory_space<hbm>>
      %dma_start3A_43 = arith.constant 0 : i32
      %dma_start3A_44 = tpu.memref_slice %arg6[%arg0, %multiple_of3A_34, %dma_start3A_43] : memref<2x10112x128xf32, #tpu.memory_space<hbm>> -> memref<1x128x128xf32, #tpu.memory_space<hbm>>
      %dma_start3A_45 = tpu.memref_squeeze %dma_start3A_44 : memref<1x128x128xf32, #tpu.memory_space<hbm>> -> memref<128x128xf32, #tpu.memory_space<hbm>>
      %dma_start3A_46 = arith.constant 0 : i32
      %dma_start3A_47 = arith.constant 0 : i32
      %dma_start3A_48 = tpu.memref_slice %arg9[%dma_start3A_46, %dma_start3A_47] : memref<128x128xf32, #tpu.memory_space<vmem>> -> memref<128x128xf32, #tpu.memory_space<vmem>>
      tpu.enqueue_dma source(%dma_start3A_48 : memref<128x128xf32, #tpu.memory_space<vmem>>) target(%dma_start3A_45 : memref<128x128xf32, #tpu.memory_space<hbm>>) target_semaphore(%run_scoped3A : memref<!tpu.dma_semaphore, #tpu.memory_space<semaphore_mem>>)
      %dma_wait3A = arith.constant 0 : i32
      %dma_wait3A_49 = arith.constant 0 : i32
      %dma_wait3A_50 = tpu.memref_slice %arg9[%dma_wait3A, %dma_wait3A_49] : memref<128x128xf32, #tpu.memory_space<vmem>> -> memref<128x128xf32, #tpu.memory_space<vmem>>
      %dma_wait3A_51 = arith.constant 0 : i32
      %dma_wait3A_52 = tpu.memref_slice %arg6[%arg0, %multiple_of3A_34, %dma_wait3A_51] : memref<2x10112x128xf32, #tpu.memory_space<hbm>> -> memref<1x128x128xf32, #tpu.memory_space<hbm>>
      %dma_wait3A_53 = tpu.memref_squeeze %dma_wait3A_52 : memref<1x128x128xf32, #tpu.memory_space<hbm>> -> memref<128x128xf32, #tpu.memory_space<hbm>>
      %dma_wait3A_54 = arith.constant 0 : i32
      %dma_wait3A_55 = tpu.memref_slice %arg6[%arg0, %multiple_of3A_34, %dma_wait3A_54] : memref<2x10112x128xf32, #tpu.memory_space<hbm>> -> memref<1x128x128xf32, #tpu.memory_space<hbm>>
      %dma_wait3A_56 = tpu.memref_squeeze %dma_wait3A_55 : memref<1x128x128xf32, #tpu.memory_space<hbm>> -> memref<128x128xf32, #tpu.memory_space<hbm>>
      %dma_wait3A_57 = arith.constant 0 : i32
      %dma_wait3A_58 = arith.constant 0 : i32
      %dma_wait3A_59 = tpu.memref_slice %arg9[%dma_wait3A_57, %dma_wait3A_58] : memref<128x128xf32, #tpu.memory_space<vmem>> -> memref<128x128xf32, #tpu.memory_space<vmem>>
      tpu.wait_dma2 semaphore(%run_scoped3A : memref<!tpu.dma_semaphore, #tpu.memory_space<semaphore_mem>>) src(%dma_wait3A_59 : memref<128x128xf32, #tpu.memory_space<vmem>>) dst(%dma_wait3A_56 : memref<128x128xf32, #tpu.memory_space<hbm>>)
      tpu.yield
    }) : () -> ()
    %add3A_35 = arith.constant 512 : i32
    %add3A_36 = arith.addi %multiple_of3A, %add3A_35 : i32
    %multiple_of3A_37 = tpu.assume_multiple %add3A_36, 8 : i32
    "tpu.region"() ({
      %run_scoped3A = tpu.sem_alloc : memref<!tpu.dma_semaphore, #tpu.memory_space<semaphore_mem>>
      %dma_start3A = arith.constant 0 : i32
      %dma_start3A_38 = arith.constant 0 : i32
      %dma_start3A_39 = tpu.memref_slice %arg9[%dma_start3A, %dma_start3A_38] : memref<128x128xf32, #tpu.memory_space<vmem>> -> memref<120x128xf32, #tpu.memory_space<vmem>>
      %dma_start3A_40 = arith.constant 0 : i32
      %dma_start3A_41 = tpu.memref_slice %arg11[%multiple_of3A_37, %dma_start3A_40] : memref<10112x128xf32, #tpu.memory_space<vmem_shared>> -> memref<120x128xf32, #tpu.memory_space<vmem_shared>>
      %dma_start3A_42 = arith.constant 0 : i32
      %dma_start3A_43 = arith.constant 0 : i32
      %dma_start3A_44 = tpu.memref_slice %arg9[%dma_start3A_42, %dma_start3A_43] : memref<128x128xf32, #tpu.memory_space<vmem>> -> memref<120x128xf32, #tpu.memory_space<vmem>>
      %dma_start3A_45 = arith.constant 0 : i32
      %dma_start3A_46 = tpu.memref_slice %arg11[%multiple_of3A_37, %dma_start3A_45] : memref<10112x128xf32, #tpu.memory_space<vmem_shared>> -> memref<120x128xf32, #tpu.memory_space<vmem_shared>>
      tpu.enqueue_dma source(%dma_start3A_46 : memref<120x128xf32, #tpu.memory_space<vmem_shared>>) target(%dma_start3A_44 : memref<120x128xf32, #tpu.memory_space<vmem>>) target_semaphore(%run_scoped3A : memref<!tpu.dma_semaphore, #tpu.memory_space<semaphore_mem>>)
      %dma_wait3A = arith.constant 0 : i32
      %dma_wait3A_47 = arith.constant 0 : i32
      %dma_wait3A_48 = tpu.memref_slice %arg9[%dma_wait3A, %dma_wait3A_47] : memref<128x128xf32, #tpu.memory_space<vmem>> -> memref<120x128xf32, #tpu.memory_space<vmem>>
      %dma_wait3A_49 = arith.constant 0 : i32
      %dma_wait3A_50 = tpu.memref_slice %arg11[%multiple_of3A_37, %dma_wait3A_49] : memref<10112x128xf32, #tpu.memory_space<vmem_shared>> -> memref<120x128xf32, #tpu.memory_space<vmem_shared>>
      %dma_wait3A_51 = arith.constant 0 : i32
      %dma_wait3A_52 = arith.constant 0 : i32
      %dma_wait3A_53 = tpu.memref_slice %arg9[%dma_wait3A_51, %dma_wait3A_52] : memref<128x128xf32, #tpu.memory_space<vmem>> -> memref<120x128xf32, #tpu.memory_space<vmem>>
      %dma_wait3A_54 = arith.constant 0 : i32
      %dma_wait3A_55 = tpu.memref_slice %arg11[%multiple_of3A_37, %dma_wait3A_54] : memref<10112x128xf32, #tpu.memory_space<vmem_shared>> -> memref<120x128xf32, #tpu.memory_space<vmem_shared>>
      tpu.wait_dma2 semaphore(%run_scoped3A : memref<!tpu.dma_semaphore, #tpu.memory_space<semaphore_mem>>) src(%dma_wait3A_55 : memref<120x128xf32, #tpu.memory_space<vmem_shared>>) dst(%dma_wait3A_53 : memref<120x128xf32, #tpu.memory_space<vmem>>)
      tpu.yield
    }) : () -> ()
    "tpu.region"() ({
      %run_scoped3A = tpu.sem_alloc : memref<!tpu.dma_semaphore, #tpu.memory_space<semaphore_mem>>
      %dma_start3A = arith.constant 0 : i32
      %dma_start3A_38 = arith.constant 0 : i32
      %dma_start3A_39 = tpu.memref_slice %arg9[%dma_start3A, %dma_start3A_38] : memref<128x128xf32, #tpu.memory_space<vmem>> -> memref<120x128xf32, #tpu.memory_space<vmem>>
      %dma_start3A_40 = arith.constant 0 : i32
      %dma_start3A_41 = tpu.memref_slice %arg6[%arg0, %multiple_of3A_37, %dma_start3A_40] : memref<2x10112x128xf32, #tpu.memory_space<hbm>> -> memref<1x120x128xf32, #tpu.memory_space<hbm>>
      %dma_start3A_42 = tpu.memref_squeeze %dma_start3A_41 : memref<1x120x128xf32, #tpu.memory_space<hbm>> -> memref<120x128xf32, #tpu.memory_space<hbm>>
      %dma_start3A_43 = arith.constant 0 : i32
      %dma_start3A_44 = tpu.memref_slice %arg6[%arg0, %multiple_of3A_37, %dma_start3A_43] : memref<2x10112x128xf32, #tpu.memory_space<hbm>> -> memref<1x120x128xf32, #tpu.memory_space<hbm>>
      %dma_start3A_45 = tpu.memref_squeeze %dma_start3A_44 : memref<1x120x128xf32, #tpu.memory_space<hbm>> -> memref<120x128xf32, #tpu.memory_space<hbm>>
      %dma_start3A_46 = arith.constant 0 : i32
      %dma_start3A_47 = arith.constant 0 : i32
      %dma_start3A_48 = tpu.memref_slice %arg9[%dma_start3A_46, %dma_start3A_47] : memref<128x128xf32, #tpu.memory_space<vmem>> -> memref<120x128xf32, #tpu.memory_space<vmem>>
      tpu.enqueue_dma source(%dma_start3A_48 : memref<120x128xf32, #tpu.memory_space<vmem>>) target(%dma_start3A_45 : memref<120x128xf32, #tpu.memory_space<hbm>>) target_semaphore(%run_scoped3A : memref<!tpu.dma_semaphore, #tpu.memory_space<semaphore_mem>>)
      %dma_wait3A = arith.constant 0 : i32
      %dma_wait3A_49 = arith.constant 0 : i32
      %dma_wait3A_50 = tpu.memref_slice %arg9[%dma_wait3A, %dma_wait3A_49] : memref<128x128xf32, #tpu.memory_space<vmem>> -> memref<120x128xf32, #tpu.memory_space<vmem>>
      %dma_wait3A_51 = arith.constant 0 : i32
      %dma_wait3A_52 = tpu.memref_slice %arg6[%arg0, %multiple_of3A_37, %dma_wait3A_51] : memref<2x10112x128xf32, #tpu.memory_space<hbm>> -> memref<1x120x128xf32, #tpu.memory_space<hbm>>
      %dma_wait3A_53 = tpu.memref_squeeze %dma_wait3A_52 : memref<1x120x128xf32, #tpu.memory_space<hbm>> -> memref<120x128xf32, #tpu.memory_space<hbm>>
      %dma_wait3A_54 = arith.constant 0 : i32
      %dma_wait3A_55 = tpu.memref_slice %arg6[%arg0, %multiple_of3A_37, %dma_wait3A_54] : memref<2x10112x128xf32, #tpu.memory_space<hbm>> -> memref<1x120x128xf32, #tpu.memory_space<hbm>>
      %dma_wait3A_56 = tpu.memref_squeeze %dma_wait3A_55 : memref<1x120x128xf32, #tpu.memory_space<hbm>> -> memref<120x128xf32, #tpu.memory_space<hbm>>
      %dma_wait3A_57 = arith.constant 0 : i32
      %dma_wait3A_58 = arith.constant 0 : i32
      %dma_wait3A_59 = tpu.memref_slice %arg9[%dma_wait3A_57, %dma_wait3A_58] : memref<128x128xf32, #tpu.memory_space<vmem>> -> memref<120x128xf32, #tpu.memory_space<vmem>>
      tpu.wait_dma2 semaphore(%run_scoped3A : memref<!tpu.dma_semaphore, #tpu.memory_space<semaphore_mem>>) src(%dma_wait3A_59 : memref<120x128xf32, #tpu.memory_space<vmem>>) dst(%dma_wait3A_56 : memref<120x128xf32, #tpu.memory_space<hbm>>)
      tpu.yield
    }) : () -> ()
    return
  }
}

module attributes {stable_mosaic.version = 14 : i64} {
  func.func @_norms_body(%arg0: memref<2x10112x128xf32, #tpu.memory_space<vmem>>, %arg1: memref<10000x128xf32, #tpu.memory_space<vmem>>, %arg2: memref<10112x128xf32, #tpu.memory_space<vmem>>, %arg3: memref<10112x1xf32, #tpu.memory_space<vmem>>, %arg4: memref<10112x1xf32, #tpu.memory_space<vmem>>) attributes {dimension_semantics = [], scalar_prefetch = 0 : i64, scratch_operands = 0 : i64, tpu.core_type = #tpu.core_type<tc>} {
    %get3A = arith.constant 0 : index
    %get3A_0 = arith.constant 0 : index
    %get3A_1 = arith.constant 0 : index
    %get3A_2 = vector.load %arg0[%get3A, %get3A_0, %get3A_1] : memref<2x10112x128xf32, #tpu.memory_space<vmem>>, vector<2x10112x128xf32>
    %slice3A = vector.extract_strided_slice %get3A_2 {offsets = [0, 0, 0], sizes = [1, 10112, 128], strides = [1, 1, 1]} : vector<2x10112x128xf32> to vector<1x10112x128xf32>
    %squeeze3A = vector.shape_cast %slice3A : vector<1x10112x128xf32> to vector<10112x128xf32>
    %reduce_sum3A = arith.constant dense<0.000000e+00> : vector<10112xf32>
    %reduce_sum3A_3 = vector.multi_reduction <add>, %squeeze3A, %reduce_sum3A [1] : vector<10112x128xf32> to vector<10112xf32>
    %broadcast_in_dim3A = vector.shape_cast %reduce_sum3A_3 : vector<10112xf32> to vector<10112x1xf32>
    %mul3A = arith.constant 7.812500e-03 : f32
    %mul3A_4 = vector.broadcast %mul3A : f32 to vector<10112x1xf32>
    %mul3A_5 = arith.mulf %broadcast_in_dim3A, %mul3A_4 : vector<10112x1xf32>
    %slice3A_6 = vector.extract_strided_slice %get3A_2 {offsets = [1, 0, 0], sizes = [1, 10112, 128], strides = [1, 1, 1]} : vector<2x10112x128xf32> to vector<1x10112x128xf32>
    %squeeze3A_7 = vector.shape_cast %slice3A_6 : vector<1x10112x128xf32> to vector<10112x128xf32>
    %reduce_sum3A_8 = arith.constant dense<0.000000e+00> : vector<10112xf32>
    %reduce_sum3A_9 = vector.multi_reduction <add>, %squeeze3A_7, %reduce_sum3A_8 [1] : vector<10112x128xf32> to vector<10112xf32>
    %broadcast_in_dim3A_10 = vector.shape_cast %reduce_sum3A_9 : vector<10112xf32> to vector<10112x1xf32>
    %mul3A_11 = arith.constant 7.812500e-03 : f32
    %mul3A_12 = vector.broadcast %mul3A_11 : f32 to vector<10112x1xf32>
    %mul3A_13 = arith.mulf %broadcast_in_dim3A_10, %mul3A_12 : vector<10112x1xf32>
    %add3A = arith.constant 1.000000e+00 : f32
    %add3A_14 = vector.broadcast %add3A : f32 to vector<10112x1xf32>
    %add3A_15 = arith.addf %add3A_14, %mul3A_5 : vector<10112x1xf32>
    %rsqrt3A = math.rsqrt %add3A_15 : vector<10112x1xf32>
    %add3A_16 = arith.constant 1.000000e+00 : f32
    %add3A_17 = vector.broadcast %add3A_16 : f32 to vector<10112x1xf32>
    %add3A_18 = arith.addf %add3A_17, %mul3A_13 : vector<10112x1xf32>
    %rsqrt3A_19 = math.rsqrt %add3A_18 : vector<10112x1xf32>
    %swap3A = arith.constant 0 : index
    %swap3A_20 = arith.constant 0 : index
    %swap3A_21 = vector.load %arg4[%swap3A, %swap3A_20] : memref<10112x1xf32, #tpu.memory_space<vmem>>, vector<10112x1xf32>
    tpu.vector_store %arg4[%swap3A, %swap3A_20], %rsqrt3A {strides = array<i32>} : memref<10112x1xf32, #tpu.memory_space<vmem>>, vector<10112x1xf32>,
    %swap3A_22 = arith.constant 0 : index
    %swap3A_23 = arith.constant 0 : index
    %swap3A_24 = vector.load %arg3[%swap3A_22, %swap3A_23] : memref<10112x1xf32, #tpu.memory_space<vmem>>, vector<10112x1xf32>
    tpu.vector_store %arg3[%swap3A_22, %swap3A_23], %rsqrt3A_19 {strides = array<i32>} : memref<10112x1xf32, #tpu.memory_space<vmem>>, vector<10112x1xf32>,
    %get3A_25 = arith.constant 0 : index
    %get3A_26 = arith.constant 0 : index
    %get3A_27 = vector.load %arg1[%get3A_25, %get3A_26] : memref<10000x128xf32, #tpu.memory_space<vmem>>, vector<10000x128xf32>
    %slice3A_28 = vector.extract_strided_slice %rsqrt3A {offsets = [0, 0], sizes = [10000, 1], strides = [1, 1]} : vector<10112x1xf32> to vector<10000x1xf32>
    %mul3A_29 = vector.broadcast %slice3A_28 : vector<10000x1xf32> to vector<10000x128xf32>
    %mul3A_30 = arith.mulf %get3A_27, %mul3A_29 : vector<10000x128xf32>
    %swap3A_31 = arith.constant 0 : index
    %swap3A_32 = arith.constant 0 : index
    %swap3A_33 = vector.load %arg2[%swap3A_31, %swap3A_32] : memref<10112x128xf32, #tpu.memory_space<vmem>>, vector<10000x128xf32>
    tpu.vector_store %arg2[%swap3A_31, %swap3A_32], %mul3A_30 {strides = array<i32>} : memref<10112x128xf32, #tpu.memory_space<vmem>>, vector<10000x128xf32>,
    %broadcast_in_dim3A_34 = arith.constant 0.000000e+00 : f32
    %broadcast_in_dim3A_35 = vector.broadcast %broadcast_in_dim3A_34 : f32 to vector<112x128xf32>
    %swap3A_36 = arith.constant 10000 : index
    %swap3A_37 = arith.constant 0 : index
    %swap3A_38 = vector.load %arg2[%swap3A_36, %swap3A_37] : memref<10112x128xf32, #tpu.memory_space<vmem>>, vector<112x128xf32>
    tpu.vector_store %arg2[%swap3A_36, %swap3A_37], %broadcast_in_dim3A_35 {strides = array<i32>} : memref<10112x128xf32, #tpu.memory_space<vmem>>, vector<112x128xf32>,
    return
  }
}

module attributes {stable_mosaic.version = 14 : i64} {
  func.func @_layer_body(%arg0: i32, %arg1: memref<2x632x128xf32, #tpu.memory_space<vmem>>, %arg2: memref<632x128xf32, #tpu.memory_space<vmem>>, %arg3: memref<632x1xf32, #tpu.memory_space<vmem>>, %arg4: memref<632x1xf32, #tpu.memory_space<vmem>>, %arg5: memref<128x128xf32, #tpu.memory_space<vmem>>, %arg6: memref<1x128xf32, #tpu.memory_space<vmem>>, %arg7: memref<632x128xf32, #tpu.memory_space<vmem>>) attributes {dimension_semantics = [#tpu.dimension_semantics<arbitrary>], iteration_bounds = array<i64: 16>, scalar_prefetch = 0 : i64, scratch_operands = 0 : i64, tpu.core_type = #tpu.core_type<tc>, window_params = [{transform_indices = @transform_0, window_bounds = array<i64: 2, 632, 128>}, {transform_indices = @transform_1, window_bounds = array<i64: 632, 128>}, {transform_indices = @transform_2, window_bounds = array<i64: 632, 1>}, {transform_indices = @transform_3, window_bounds = array<i64: 632, 1>}, {pipeline_mode = #tpu.pipeline_mode<synchronous>, transform_indices = @transform_4, window_bounds = array<i64: 128, 128>}, {pipeline_mode = #tpu.pipeline_mode<synchronous>, transform_indices = @transform_5, window_bounds = array<i64: 1, 128>}, {transform_indices = @transform_6, window_bounds = array<i64: 632, 128>}]} {
    %get3A = arith.constant 0 : index
    %get3A_0 = arith.constant 0 : index
    %get3A_1 = arith.constant 0 : index
    %get3A_2 = vector.load %arg1[%get3A, %get3A_0, %get3A_1] : memref<2x632x128xf32, #tpu.memory_space<vmem>>, vector<1x632x128xf32>
    %get3A_3 = vector.shape_cast %get3A_2 : vector<1x632x128xf32> to vector<632x128xf32>
    %get3A_4 = arith.constant 1 : index
    %get3A_5 = arith.constant 0 : index
    %get3A_6 = arith.constant 0 : index
    %get3A_7 = vector.load %arg1[%get3A_4, %get3A_5, %get3A_6] : memref<2x632x128xf32, #tpu.memory_space<vmem>>, vector<1x632x128xf32>
    %get3A_8 = vector.shape_cast %get3A_7 : vector<1x632x128xf32> to vector<632x128xf32>
    %add3A = arith.addf %get3A_3, %get3A_8 : vector<632x128xf32>
    %get3A_9 = arith.constant 0 : index
    %get3A_10 = arith.constant 0 : index
    %get3A_11 = vector.load %arg2[%get3A_9, %get3A_10] : memref<632x128xf32, #tpu.memory_space<vmem>>, vector<632x128xf32>
    %add3A_12 = arith.addf %add3A, %get3A_11 : vector<632x128xf32>
    %get3A_13 = arith.constant 0 : index
    %get3A_14 = arith.constant 0 : index
    %get3A_15 = vector.load %arg3[%get3A_13, %get3A_14] : memref<632x1xf32, #tpu.memory_space<vmem>>, vector<632x1xf32>
    %mul3A = vector.broadcast %get3A_15 : vector<632x1xf32> to vector<632x128xf32>
    %mul3A_16 = arith.mulf %add3A_12, %mul3A : vector<632x128xf32>
    %get3A_17 = arith.constant 0 : index
    %get3A_18 = arith.constant 0 : index
    %get3A_19 = vector.load %arg5[%get3A_17, %get3A_18] : memref<128x128xf32, #tpu.memory_space<vmem>>, vector<128x128xf32>
    %dot_general3A = arith.constant dense<0.000000e+00> : vector<632x128xf32>
    %dot_general3A_20 = tpu.matmul %mul3A_16, %get3A_19, %dot_general3A {dimension_numbers = #tpu.dot_dimension_numbers<[1], [0], [0], [1], [0, 0, 1, 1], [], []>, transpose_lhs_hint = false} : vector<632x128xf32>, vector<128x128xf32>, vector<632x128xf32> -> vector<632x128xf32>
    %get3A_21 = arith.constant 0 : index
    %get3A_22 = arith.constant 0 : index
    %get3A_23 = vector.load %arg6[%get3A_21, %get3A_22] : memref<1x128xf32, #tpu.memory_space<vmem>>, vector<1x128xf32>
    %add3A_24 = vector.broadcast %get3A_23 : vector<1x128xf32> to vector<632x128xf32>
    %add3A_25 = arith.addf %dot_general3A_20, %add3A_24 : vector<632x128xf32>
    %get3A_26 = arith.constant 0 : index
    %get3A_27 = arith.constant 0 : index
    %get3A_28 = vector.load %arg4[%get3A_26, %get3A_27] : memref<632x1xf32, #tpu.memory_space<vmem>>, vector<632x1xf32>
    %mul3A_29 = vector.broadcast %get3A_28 : vector<632x1xf32> to vector<632x128xf32>
    %mul3A_30 = arith.mulf %add3A_25, %mul3A_29 : vector<632x128xf32>
    %swap3A = arith.constant 0 : index
    %swap3A_31 = arith.constant 0 : index
    %swap3A_32 = vector.load %arg7[%swap3A, %swap3A_31] : memref<632x128xf32, #tpu.memory_space<vmem>>, vector<632x128xf32>
    tpu.vector_store %arg7[%swap3A, %swap3A_31], %mul3A_30 {strides = array<i32>} : memref<632x128xf32, #tpu.memory_space<vmem>>, vector<632x128xf32>,
    return
  }
  func.func @transform_0(%arg0: i32) -> (i32, i32, i32) {
    %c0_i32 = arith.constant 0 : i32
    %c0_i32_0 = arith.constant 0 : i32
    %c0_i32_1 = arith.constant 0 : i32
    return %c0_i32, %arg0, %c0_i32_0 : i32, i32, i32
  }
  func.func @transform_1(%arg0: i32) -> (i32, i32) {
    %c0_i32 = arith.constant 0 : i32
    %c0_i32_0 = arith.constant 0 : i32
    return %arg0, %c0_i32 : i32, i32
  }
  func.func @transform_2(%arg0: i32) -> (i32, i32) {
    %c0_i32 = arith.constant 0 : i32
    %c0_i32_0 = arith.constant 0 : i32
    return %arg0, %c0_i32 : i32, i32
  }
  func.func @transform_3(%arg0: i32) -> (i32, i32) {
    %c0_i32 = arith.constant 0 : i32
    %c0_i32_0 = arith.constant 0 : i32
    return %arg0, %c0_i32 : i32, i32
  }
  func.func @transform_4(%arg0: i32) -> (i32, i32) {
    %c0_i32 = arith.constant 0 : i32
    %c0_i32_0 = arith.constant 0 : i32
    %c0_i32_1 = arith.constant 0 : i32
    return %c0_i32, %c0_i32_0 : i32, i32
  }
  func.func @transform_5(%arg0: i32) -> (i32, i32) {
    %c0_i32 = arith.constant 0 : i32
    %c0_i32_0 = arith.constant 0 : i32
    %c0_i32_1 = arith.constant 0 : i32
    return %c0_i32, %c0_i32_0 : i32, i32
  }
  func.func @transform_6(%arg0: i32) -> (i32, i32) {
    %c0_i32 = arith.constant 0 : i32
    %c0_i32_0 = arith.constant 0 : i32
    return %arg0, %c0_i32 : i32, i32
  }
}

module attributes {stable_mosaic.version = 14 : i64} {
  func.func @_layer_body(%arg0: i32, %arg1: memref<2x2000x128xf32, #tpu.memory_space<vmem>>, %arg2: memref<2000x128xf32, #tpu.memory_space<vmem>>, %arg3: memref<2000x1xf32, #tpu.memory_space<vmem>>, %arg4: memref<2000x1xf32, #tpu.memory_space<vmem>>, %arg5: memref<128x128xf32, #tpu.memory_space<vmem>>, %arg6: memref<1x128xf32, #tpu.memory_space<vmem>>, %arg7: memref<2000x128xf32, #tpu.memory_space<vmem>>) attributes {dimension_semantics = [#tpu.dimension_semantics<arbitrary>], iteration_bounds = array<i64: 5>, scalar_prefetch = 0 : i64, scratch_operands = 0 : i64, tpu.core_type = #tpu.core_type<tc>, window_params = [{transform_indices = @transform_0, window_bounds = array<i64: 2, 2000, 128>}, {transform_indices = @transform_1, window_bounds = array<i64: 2000, 128>}, {transform_indices = @transform_2, window_bounds = array<i64: 2000, 1>}, {transform_indices = @transform_3, window_bounds = array<i64: 2000, 1>}, {pipeline_mode = #tpu.pipeline_mode<synchronous>, transform_indices = @transform_4, window_bounds = array<i64: 128, 128>}, {pipeline_mode = #tpu.pipeline_mode<synchronous>, transform_indices = @transform_5, window_bounds = array<i64: 1, 128>}, {transform_indices = @transform_6, window_bounds = array<i64: 2000, 128>}]} {
    %get3A = arith.constant 0 : index
    %get3A_0 = arith.constant 0 : index
    %get3A_1 = arith.constant 0 : index
    %get3A_2 = vector.load %arg1[%get3A, %get3A_0, %get3A_1] : memref<2x2000x128xf32, #tpu.memory_space<vmem>>, vector<1x2000x128xf32>
    %get3A_3 = vector.shape_cast %get3A_2 : vector<1x2000x128xf32> to vector<2000x128xf32>
    %get3A_4 = arith.constant 1 : index
    %get3A_5 = arith.constant 0 : index
    %get3A_6 = arith.constant 0 : index
    %get3A_7 = vector.load %arg1[%get3A_4, %get3A_5, %get3A_6] : memref<2x2000x128xf32, #tpu.memory_space<vmem>>, vector<1x2000x128xf32>
    %get3A_8 = vector.shape_cast %get3A_7 : vector<1x2000x128xf32> to vector<2000x128xf32>
    %add3A = arith.addf %get3A_3, %get3A_8 : vector<2000x128xf32>
    %get3A_9 = arith.constant 0 : index
    %get3A_10 = arith.constant 0 : index
    %get3A_11 = vector.load %arg2[%get3A_9, %get3A_10] : memref<2000x128xf32, #tpu.memory_space<vmem>>, vector<2000x128xf32>
    %add3A_12 = arith.addf %add3A, %get3A_11 : vector<2000x128xf32>
    %get3A_13 = arith.constant 0 : index
    %get3A_14 = arith.constant 0 : index
    %get3A_15 = vector.load %arg3[%get3A_13, %get3A_14] : memref<2000x1xf32, #tpu.memory_space<vmem>>, vector<2000x1xf32>
    %mul3A = vector.broadcast %get3A_15 : vector<2000x1xf32> to vector<2000x128xf32>
    %mul3A_16 = arith.mulf %add3A_12, %mul3A : vector<2000x128xf32>
    %get3A_17 = arith.constant 0 : index
    %get3A_18 = arith.constant 0 : index
    %get3A_19 = vector.load %arg5[%get3A_17, %get3A_18] : memref<128x128xf32, #tpu.memory_space<vmem>>, vector<128x128xf32>
    %dot_general3A = arith.constant dense<0.000000e+00> : vector<2000x128xf32>
    %dot_general3A_20 = tpu.matmul %mul3A_16, %get3A_19, %dot_general3A {dimension_numbers = #tpu.dot_dimension_numbers<[1], [0], [0], [1], [0, 0, 1, 1], [], []>, transpose_lhs_hint = false} : vector<2000x128xf32>, vector<128x128xf32>, vector<2000x128xf32> -> vector<2000x128xf32>
    %get3A_21 = arith.constant 0 : index
    %get3A_22 = arith.constant 0 : index
    %get3A_23 = vector.load %arg6[%get3A_21, %get3A_22] : memref<1x128xf32, #tpu.memory_space<vmem>>, vector<1x128xf32>
    %add3A_24 = vector.broadcast %get3A_23 : vector<1x128xf32> to vector<2000x128xf32>
    %add3A_25 = arith.addf %dot_general3A_20, %add3A_24 : vector<2000x128xf32>
    %swap3A = arith.constant 0 : index
    %swap3A_26 = arith.constant 0 : index
    %swap3A_27 = vector.load %arg7[%swap3A, %swap3A_26] : memref<2000x128xf32, #tpu.memory_space<vmem>>, vector<2000x128xf32>
    tpu.vector_store %arg7[%swap3A, %swap3A_26], %add3A_25 {strides = array<i32>} : memref<2000x128xf32, #tpu.memory_space<vmem>>, vector<2000x128xf32>,
    return
  }
  func.func @transform_0(%arg0: i32) -> (i32, i32, i32) {
    %c0_i32 = arith.constant 0 : i32
    %c0_i32_0 = arith.constant 0 : i32
    %c0_i32_1 = arith.constant 0 : i32
    return %c0_i32, %arg0, %c0_i32_0 : i32, i32, i32
  }
  func.func @transform_1(%arg0: i32) -> (i32, i32) {
    %c0_i32 = arith.constant 0 : i32
    %c0_i32_0 = arith.constant 0 : i32
    return %arg0, %c0_i32 : i32, i32
  }
  func.func @transform_2(%arg0: i32) -> (i32, i32) {
    %c0_i32 = arith.constant 0 : i32
    %c0_i32_0 = arith.constant 0 : i32
    return %arg0, %c0_i32 : i32, i32
  }
  func.func @transform_3(%arg0: i32) -> (i32, i32) {
    %c0_i32 = arith.constant 0 : i32
    %c0_i32_0 = arith.constant 0 : i32
    return %arg0, %c0_i32 : i32, i32
  }
  func.func @transform_4(%arg0: i32) -> (i32, i32) {
    %c0_i32 = arith.constant 0 : i32
    %c0_i32_0 = arith.constant 0 : i32
    %c0_i32_1 = arith.constant 0 : i32
    return %c0_i32, %c0_i32_0 : i32, i32
  }
  func.func @transform_5(%arg0: i32) -> (i32, i32) {
    %c0_i32 = arith.constant 0 : i32
    %c0_i32_0 = arith.constant 0 : i32
    %c0_i32_1 = arith.constant 0 : i32
    return %c0_i32, %c0_i32_0 : i32, i32
  }
  func.func @transform_6(%arg0: i32) -> (i32, i32) {
    %c0_i32 = arith.constant 0 : i32
    %c0_i32_0 = arith.constant 0 : i32
    return %arg0, %c0_i32 : i32, i32
  }
}

</mosaic_0001>

<sc_bundles>
// kernel: kernel.11.cloned.1.call-start
scs
__scs_entry_jumppad:
0x0: {  	(pc) =	sbr.rel $0x88, $3  }
0x1: {  	(tag) =	ssettag $0x0;
	lr =	simm.s32 $0x1  }
0x2: {  	[smem:$0x3F9B] =	sst lr;
	_ =	strace $0xD0000000  }
0x3: {  	_ = 	snop  }
0x4: {  	_ = 	snop  }
0x5: {  	_ = 	snop  }
0x6: {  	_ = 	snop  }
0x7: {  	_ = 	snop  }
__scs_overlays_trampoline_lowered:
0x8: {  	[smem:$0x3FAA] =	sst s0  }
0x9: {  	[smem:$0x3FAB] =	sst s1  }
0xa: {  	[smem:$0x3FAC] =	sst s2  }
0xb: {  	[smem:$0x3FAD] =	sst s3  }
0xc: {  	[smem:$0x3FAE] =	sst s4  }
0xd: {  	[smem:$0x3FAF] =	sst s5  }
0xe: {  	[smem:$0x3FB0] =	sst s6  }
0xf: {  	[smem:$0x3FB1] =	sst s7  }
0x10: {  	[smem:$0x3FB2] =	sst s8  }
0x11: {  	[smem:$0x3FB3] =	sst s9;
	s0 =	simm.s32 @!p0 $0x0  }
0x12: {  	s1 =	sld [smem:$0x3F99];
	s0 =	simm.s32 @p0 $0x1  }
0x13: {  	[smem:$0x3FB4] =	sst s0;
	s0 =	simm.s32 @!p1 $0x0  }
0x14: {  	s2 =	sld [smem:$0x3F98];
	s0 =	simm.s32 @p1 $0x1  }
0x15: {  	[smem:$0x3FB5] =	sst s0;
	s0 =	simm.s32 @!p2 $0x0  }
0x16: {  	s3 =	sld [smem:$0x3FDB];
	s0 =	simm.s32 @p2 $0x1  }
0x17: {  	s4 =	simm.s32 $0x1BF5;
	[smem:$0x3FB7] =	sst s0  }
0x18: {  	s0 =	sld [smem:$0x3F9A];
	_ =	swait.ge [sflag:s4], $0x0  }
0x19: {  	s7 =	sld [smem:$0x3F9B]  }
0x1a: {  	s8 =	sadd.s32 $0xFFFFE003, lr  }
0x1b: {  	s9 =	sadd.s32 $0xFFFFFEF7, lr;
	s5 =	simm.s32 $0xFFFFFFFF;
	p2 =	slt.u32 s8, $0xFFFFF086  }
0x1c: {  	p1 =	slt.u32 s9, $0xF7A;
	s5 =	simm.s32 @!p2 $0x0  }
0x1d: {  	s5 =	simm.s32 @p1 $0x1;
	p0 =	seq.s32 s7, s2  }
0x1e: {  	s7 =	smul.u32 @!p0 $0xF7A, s2;
	p2 =	seq.s32 @!p0 s5, $0x0  }
0x1f: {  	s9 =	smul.u32 $0xF7A, s1;
	s8 =	simm.s32 @!p0 $0x1BF5;
	p2 =	por !p2, p0  }
0x20: {  	[sflag:s8] =	ssyncset.s32 @!p0 $0xFFFFF086;
	s6 =	sadd.s32 @!p0 s3, s7;
	s7 =	simm.s32 @!p0 $0x108  }
0x21: {  	s3 =	sadd.s32 s3, s9;
	s6 =	sadd.s32 @!p0 $0x88, s6;
	s7 =	simm.s32 @p2 $0x1082  }
0x22: {  	[simem:s7], [sflag:s8] =	dma.local @!p0 [hbm:s6], $0xF7A  }
0x23: {  	s9 =	sor.u32 $0xD0000000, s2;
	s6 =	simm.s32 $0x108;
	_ =	swait.ge @!p0 [sflag:s8], $0x0  }
0x24: {  	s3 =	sadd.s32 $0x88, s3;
	s6 =	simm.s32 @!p1 $0x1082;
	[sflag:s4] =	ssyncset.s32 $0xFFFFF086  }
0x25: {  	[simem:s6], [sflag:s4] =	dma.local [hbm:s3], $0xF7A  }
0x26: {  	[smem:$0x3F9B] =	sst s1;
	(tag) =	ssettag s2;
	_ =	strace s9  }
0x27: {  	s1 =	sld [smem:$0x3FAB]  }
0x28: {  	s2 =	sld [smem:$0x3FAC]  }
0x29: {  	s4 =	sld [smem:$0x3FAE]  }
0x2a: {  	p0 =	seq.s32 s5, $0x0;
	s5 =	sld [smem:$0x3FAF]  }
0x2b: {  	s6 =	sld [smem:$0x3FB0]  }
0x2c: {  	s7 =	sld [smem:$0x3FB1]  }
0x2d: {  	s3 =	simm.s32 $0x108;
	s8 =	sld [smem:$0x3FB2]  }
0x2e: {  	s3 =	simm.s32 @!p0 $0x1082;
	s9 =	sld [smem:$0x3FB3]  }
0x2f: {  	lr =	sadd.s32 s0, s3;
	s0 =	sld [smem:$0x3FAA]  }
0x30: {  	s3 =	sld [smem:$0x3FAD]  }
0x31: {  	[smem:$0x3FB6] =	sst s10  }
0x32: {  	s10 =	sld [smem:$0x3FB4];
	_ =	sdelay $0x3  }
0x33: {  	p0 =	seq.s32 s10, $0x1;
	s10 =	sld [smem:$0x3FB6];
	_ =	sdelay $0x3  }
0x34: {  	[smem:$0x3FB6] =	sst s10  }
0x35: {  	s10 =	sld [smem:$0x3FB5];
	_ =	sdelay $0x3  }
0x36: {  	p1 =	seq.s32 s10, $0x1;
	s10 =	sld [smem:$0x3FB6];
	_ =	sdelay $0x3  }
0x37: {  	[smem:$0x3FB6] =	sst s10  }
0x38: {  	s10 =	sld [smem:$0x3FB7]  }
0x39: {  	_ = 	snop;
	(pc) =	sbr.ind lr, $3  }
0x3a: {  	_ = 	snop  }
0x3b: {  	_ = 	snop  }
0x3c: {  	p2 =	seq.s32 s10, $0x1;
	s10 =	sld [smem:$0x3FB6]  }
0x3d: {  	_ =	shalt  }
0x3e: {  	_ =	shalt  }
0x3f: {  	_ =	shalt  }
0x40: {  	_ =	shalt  }
0x41: {  	_ =	shalt  }
0x42: {  	_ =	shalt  }
0x43: {  	_ =	shalt  }
0x44: {  	_ =	shalt  }
0x45: {  	_ =	shalt  }
0x46: {  	_ =	shalt  }
0x47: {  	_ =	shalt  }
0x48: {  	_ =	shalt  }
0x49: {  	_ =	shalt  }
0x4a: {  	_ =	shalt  }
0x4b: {  	_ =	shalt  }
0x4c: {  	_ =	shalt  }
0x4d: {  	_ =	shalt  }
0x4e: {  	_ =	shalt  }
0x4f: {  	_ =	shalt  }
0x50: {  	_ =	shalt  }
0x51: {  	_ =	shalt  }
0x52: {  	_ =	shalt  }
0x53: {  	_ =	shalt  }
0x54: {  	_ =	shalt  }
0x55: {  	_ =	shalt  }
0x56: {  	_ =	shalt  }
0x57: {  	_ =	shalt  }
0x58: {  	_ =	shalt  }
0x59: {  	_ =	shalt  }
0x5a: {  	_ =	shalt  }
0x5b: {  	_ =	shalt  }
0x5c: {  	_ =	shalt  }
0x5d: {  	_ =	shalt  }
0x5e: {  	_ =	shalt  }
0x5f: {  	_ =	shalt  }
0x60: {  	_ =	shalt  }
0x61: {  	_ =	shalt  }
0x62: {  	_ =	shalt  }
0x63: {  	_ =	shalt  }
0x64: {  	_ =	shalt  }
0x65: {  	_ =	shalt  }
0x66: {  	_ =	shalt  }
0x67: {  	_ =	shalt  }
0x68: {  	_ =	shalt  }
0x69: {  	_ =	shalt  }
0x6a: {  	_ =	shalt  }
0x6b: {  	_ =	shalt  }
0x6c: {  	_ =	shalt  }
0x6d: {  	_ =	shalt  }
0x6e: {  	_ =	shalt  }
0x6f: {  	_ =	shalt  }
0x70: {  	_ =	shalt  }
0x71: {  	_ =	shalt  }
0x72: {  	_ =	shalt  }
0x73: {  	_ =	shalt  }
0x74: {  	_ =	shalt  }
0x75: {  	_ =	shalt  }
0x76: {  	_ =	shalt  }
0x77: {  	_ =	shalt  }
0x78: {  	_ =	shalt  }
0x79: {  	_ =	shalt  }
0x7a: {  	_ =	shalt  }
0x7b: {  	_ =	shalt  }
0x7c: {  	_ =	shalt  }
0x7d: {  	_ =	shalt  }
0x7e: {  	_ =	shalt  }
0x7f: {  	_ =	shalt  }
0x80: {  	_ =	shalt  }
0x81: {  	_ =	shalt  }
0x82: {  	_ =	shalt  }
0x83: {  	_ =	shalt  }
0x84: {  	_ =	shalt  }
0x85: {  	_ =	shalt  }
0x86: {  	_ =	shalt  }
0x87: {  	_ =	shalt  }
.Lfunc_end0:
.L_simem_size_0:
called_computation.1_lowered:
.L_overlay_start_0:
0x88: {  	s2 =	sld [smem:$0x3FD9]  }
0x89: {  	s3 =	sld [smem:$0x3FFE];
	_ =	sdelay $0x1  }
0x8a: {  	s1 =	srdreg.scid  }
0x8b: {  	s0 =	sand.u32 $0x1, s1  }
0x8c: {  	s16 =	sshll.u32 s0, $0xA;
	s2 =	sadd.s32 s3, s2  }
0x8d: {  	s2 =	sadd.s32 s2, s16  }
0x8e: {  	[smem:$0x3FC2] =	sst s2  }
0x8f: {  	_ = 	snop  }
0x90: {  	(tm) =	ssettm $0x1  }
0x91: {  	s17 =	sld [smem:$0x3FFB];
	_ =	sdelay $0x3  }
0x92: {  	_ =	strace s17  }
0x93: {  	s2 =	sld [smem:$0x3FFC];
	_ =	sdelay $0x3  }
0x94: {  	_ =	strace s2  }
0x95: {  	s2 =	sld [smem:$0x3FFD];
	_ =	sdelay $0x3  }
0x96: {  	_ =	strace s2  }
0x97: {  	_ =	strace $0x8FFFFFFF  }
0x98: {  	s18 =	sld [smem:$0x3FDB];
	_ =	sdelay $0x1  }
0x99: {  	s19 =	simm.s32 $_scs_section_size  }
0x9a: {  	s4 =	simm.s32 $_size__tile_overlayer_lowered;
	s5 =	simm.s32 $_tile_overlayer_lowered  }
0x9b: {  	s22 =	simm.s32 $0x1BFF;
	s21 =	sshll.u32 s5, $0x1;
	s2 =	sadd.s32 s19, s18  }
0x9c: {  	s6 =	simm.s32 $0x0;
	s20 =	sshll.u32 s4, $0x1;
	s4 =	sadd.s32 s21, s2  }
0x9d: {  	[timem:s6], [sflag:s22] =	dma.local [hbm:s4], s20  }
0x9e: {  	_ =	swait.ge [sflag:s22], s20  }
0x9f: {  	s3 =	ssub.s32 $0x0, s20;
	[sflag:s22] =	ssyncset.done $0x0  }
0xa0: {  	[sflag:s22] =	ssyncadd.s32 s3;
	_ =	sdelay $0x1  }
0xa1: {  	s23 =	simm.s32 $0x1B8B  }
0xa2: {  	_ =	swait.ge [sflag:s23], $0x1  }
0xa3: {  	[sflag:s23] =	ssyncset.done $0x0  }
0xa4: {  	s25 =	simm.s32 $0x1B8E;
	s24 =	sld [smem:$0x3FFE];
	[sflag:s23] =	ssyncadd.s32 $0xFFFFFFFF  }
0xa5: {  	s26 =	simm.s32 $execute0_lowered;
	[smem:$0x3FD2] =	sst s25  }
0xa6: {  	s4 =	sshll.u32 s26, $0x1;
	_ =	strace $0x80000049;
	[dreg:$0x1] =	wrdreg $0xFFFFFFFF  }
0xa7: {  	s28 =	simm.s32 $_size_execute0_lowered;
	s2 =	sadd.s32 s2, s4;
	[dreg:$0x0] =	wrdreg $0x0  }
0xa8: {  	s4 =	sshll.u32 s28, $0x1;
	[dreg:$0x2] =	wrdreg s2  }
0xa9: {  	[dreg:$0x3] =	wrdreg s4  }
0xaa: {  	[dreg:$0x4] =	wrdreg $0xC0  }
0xab: {  	_ =	task [dreg:s6], $0x5FFFF  }
0xac: {  	[dreg:$0x1] =	wrdreg $0xFFFFFFFF  }
0xad: {  	[dreg:$0x0] =	wrdreg $0x60  }
0xae: {  	[dreg:$0x2] =	wrdreg s24  }
0xaf: {  	[dreg:$0x3] =	wrdreg $0xA8000  }
0xb0: {  	[dreg:$0x4] =	wrdreg $0x9  }
0xb1: {  	_ =	task.clear_ibuf [dreg:s6], $0x5FFFF;
	_ =	strace $0x90000049  }
0xb2: {  	s29 =	simm.s32 $0x9;
	_ =	strace $0x8000004B  }
0xb3: {  	_ =	swait.ge [sflag:s29], $0x1  }
0xb4: {  	[sflag:s29] =	ssyncadd.s32 $0xFFFFFFFF  }
0xb5: {  	_ =	strace $0x9000004B  }
0xb6: {  	_ =	sfence  }
0xb7: {  	s30 =	sld [smem:$0x0];
	_ =	sdelay $0x2  }
0xb8: {  	s31 =	sshll.u32 s1, $0xD;
	s1 =	sshrl.u32 s1, $0x2  }
0xb9: {  	s3 =	sand.u32 $0x4000, s31;
	s1 =	sadd.s32 s1, s30  }
0xba: {  	s0 =	sor.u32 s3, s0;
	s1 =	sshll.u32 s1, $0x11  }
0xbb: {  	s0 =	sor.u32 s1, s0  }
0xbc: {  	s0 =	sadd.s32 $0x8F2B, s0  }
0xbd: {  	[sflag:s0] =	ssyncadd.remote.s32 $0x1  }
0xbe: {  	_ =	sfence.sel $0xFFFF  }
0xbf: {  	[dreg:$0x0] =	wrdreg $0xFFFFFFFF;
	(pc) =	sbr.abs _section_cstart, $3  }
0xc0: {  	[dreg:$0x1] =	wrdreg $0xFFFFFFFF  }
0xc1: {  	_ =	task.clear_ibuf [dreg:s6], $0x2FFFF;
	_ =	strace $0x9FFFFFFF  }
0xc2: {  	(tm) =	ssettm $0x7FFFFFFF  }
0xc3: {  	_ =	shalt  }
tec
execute0_lowered:
.L_overlay_start_1:
0x0: {  	(tag) =	ssettag $0x1  }
0x1: {  	s0 =	rddreg [dreg:$0x0]  }
0x2: {  	s1 =	rddreg [dreg:$0x1];
	s2 =	simm.s32 $0x0  }
0x3: {  	s5 =	srdreg.scid;
	s9 =	stileid.u32;
	s28 =	simm.s32 $0x2  }
0x4: {  	s29 =	simm.s32 $0x1380;
	s30 =	simm.s32 $0x2700;
	s31 =	simm.s32 $0x2780  }
0x5: {  	[smem:$0x7FF] =	sst s2;
	s4 =	sadd.s32 $0x17200, s0;
	s3 =	sadd.s32 $0x2A00, s0  }
0x6: {  	s20 =	sadd.s32 $0xCA00, s0;
	s5 =	sand.u32 $0x1, s5;
	s7 =	smul.u32 $0x4F000, s9  }
0x7: {  	s6 =	sadd.s32 $0x16A00, s0;
	s0 =	sadd.s32 $0x3EA00, s0;
	s11 =	smul.u32 $0x13C00, s9  }
0x8: {  	_ =	strace $0x8000004A;
	[dreg:$0x3] =	wrdreg s6;
	s18 =	ssub.s32 $0x2, s5  }
0x9: {  	s19 =	sshll.u32 s5, $0x4;
	s5 =	smul.u32 $0x13C000, s5;
	s8 =	sshrl.u32 s18, $0x1  }
0xa: {  	s7 =	sshrl.u32 s7, $0x2;
	s12 =	sor.u32 s9, s19;
	s13 =	sadd.s32 $0x4000, s11  }
0xb: {  	s14 =	sadd.s32 $0x8000, s11;
	s15 =	sadd.s32 $0xC000, s11;
	s17 =	sadd.s32 $0x10000, s11  }
0xc: {  	s16 =	ssub.s32 s18, s8;
	s6 =	sadd.s32 s7, s1;
	s7 =	sadd.s32 s13, s1  }
0xd: {  	s8 =	sadd.s32 s14, s1;
	s9 =	sadd.s32 s15, s1;
	s10 =	sadd.s32 s17, s1  }
0xe: {  	s11 =	sadd.s32 s11, s5;
	s18 =	smul.u32 $0x2800, s12;
	s21 =	sadd.s32 s5, s13  }
0xf: {  	s22 =	sadd.s32 s5, s14;
	s24 =	sadd.s32 s5, s15;
	s5 =	sadd.s32 s5, s17  }
0x10: {  	s11 =	sshrl.u32 s11, $0x3;
	s12 =	sshrl.u32 s21, $0x3;
	s13 =	sshrl.u32 s22, $0x3  }
0x11: {  	s14 =	sshrl.u32 s24, $0x3;
	s5 =	sshrl.u32 s5, $0x3;
	s16 =	smax.u32 s16, $0x1  }
0x12: {  	s21 =	simm.s32 $0x2800;
	s22 =	simm.s32 $0x3;
	s24 =	simm.s32 $0x80  }
0x13: {  	s11 =	sadd.s32 s0, s11;
	s23 =	sadd.s32 s0, s12;
	s25 =	sadd.s32 s0, s13  }
0x14: {  	s14 =	sadd.s32 s0, s14;
	s18 =	sshrl.u32 s18, $0x3;
	[dreg:$0x4] =	wrdreg s11  }
0x15: {  	s15 =	sadd.s32 s0, s5;
	s0 =	simm.s32 $0x0;
	[dreg:$0x5] =	wrdreg s23  }
0x16: {  	[dreg:$0x6] =	wrdreg s25;
	s26 =	sadd.s32 $0x280, s18;
	s17 =	sadd.s32 s3, s18  }
0x17: {  	s18 =	sadd.s32 s20, s18;
	s23 =	simm.s32 $0x1400;
	s25 =	simm.s32 $0x6800  }
0x18: {  	s19 =	sadd.s32 s3, s26;
	s20 =	sadd.s32 s20, s26;
	s26 =	simm.s32 $0x1  }
.LBB2_1:
0x19: {  	s3 =	rddreg [dreg:$0x3]  }
0x1a: {  	[tilespmem:s21], [sflag:$0x3] =	stream.linear.gather [hbm4b:s3+s2], $0x4000, $0x38;
	[tilespmem:$0x1E400] =	vst v63  }
0x1b: {  	_ =	swait.ge [sflag:s22], $0x4000  }
0x1c: {  	[sflag:s22] =	ssyncset.done $0x0  }
0x1d: {  	[sflag:s22] =	ssyncadd.s32 $0xFFFFC000  }
0x1e: {  	[spmem:s6] =	stream.linear.scatter [tilespmem:s21], [sflag:$0x3], $0x4000, $0x38;
	[tilespmem:$0x1E400] =	vst v63  }
0x1f: {  	_ =	swait.ge [sflag:s22], $0x4000  }
0x20: {  	[sflag:s22] =	ssyncset.done $0x0  }
0x21: {  	[sflag:s22] =	ssyncadd.s32 $0xFFFFC000  }
0x22: {  	[spmem:s7] =	stream.linear.scatter [tilespmem:s21], [sflag:$0x3], $0x4000, $0x38;
	[tilespmem:$0x1E400] =	vst v63  }
0x23: {  	_ =	swait.ge [sflag:s22], $0x4000  }
0x24: {  	[sflag:s22] =	ssyncset.done $0x0  }
0x25: {  	[sflag:s22] =	ssyncadd.s32 $0xFFFFC000  }
0x26: {  	[spmem:s8] =	stream.linear.scatter [tilespmem:s21], [sflag:$0x3], $0x4000, $0x38;
	[tilespmem:$0x1E400] =	vst v63  }
0x27: {  	_ =	swait.ge [sflag:s22], $0x4000  }
0x28: {  	[sflag:s22] =	ssyncset.done $0x0  }
0x29: {  	[sflag:s22] =	ssyncadd.s32 $0xFFFFC000  }
0x2a: {  	[spmem:s9] =	stream.linear.scatter [tilespmem:s21], [sflag:$0x3], $0x4000, $0x38;
	[tilespmem:$0x1E400] =	vst v63  }
0x2b: {  	_ =	swait.ge [sflag:s22], $0x4000  }
0x2c: {  	[sflag:s22] =	ssyncset.done $0x0  }
0x2d: {  	[sflag:s22] =	ssyncadd.s32 $0xFFFFC000  }
0x2e: {  	[spmem:s10] =	stream.linear.scatter [tilespmem:s21], [sflag:$0x3], $0x3C00, $0x38;
	[tilespmem:$0x1E400] =	vst v63  }
0x2f: {  	_ =	swait.ge [sflag:s22], $0x3C00  }
0x30: {  	[sflag:s22] =	ssyncset.done $0x0  }
0x31: {  	[sflag:s22] =	ssyncadd.s32 $0xFFFFC400  }
0x32: {  	[bflag:$0x0] =	sbarrier.arrive $0xFFFF  }
0x33: {  	[tilespmem:s2], [sflag:$0x3] =	stream.linear.gather [hbm4b:s17+s2], $0x1400, $0x38;
	[tilespmem:$0x1E400] =	vst v63  }
0x34: {  	_ =	swait.ge [sflag:s22], $0x1400  }
0x35: {  	[sflag:s22] =	ssyncset.done $0x0  }
0x36: {  	[sflag:s22] =	ssyncadd.s32 $0xFFFFEC00  }
0x37: {  	[tilespmem:s23], [sflag:$0x3] =	stream.linear.gather [hbm4b:s18+s2], $0x1400, $0x38;
	[tilespmem:$0x1E400] =	vst v63  }
0x38: {  	_ =	swait.ge [sflag:s22], $0x1400  }
0x39: {  	[sflag:s22] =	ssyncset.done $0x0  }
0x3a: {  	[sflag:s22] =	ssyncadd.s32 $0xFFFFEC00  }
0x3b: {  	[tilespmem:s21], [sflag:$0x1] =	stream.indirect.gather [hbm4b:s4+s24], $0x80, s2, s24, $0xb8;
	[tilespmem:$0x1E400] =	vst v63  }
0x3c: {  	s5 =	simm.s32 $0x80  }
0x3d: {  	[tilespmem:s25], [sflag:$0x2] =	stream.indirect.gather [hbm4b:s4+s24], $0x80, s5, s24, $0xb8;
	[tilespmem:$0x1E400] =	vst v63  }
0x3e: {  	_ =	swait.ge [sflag:s26], $0x4000  }
0x3f: {  	[sflag:s26] =	ssyncset.done $0x0  }
0x40: {  	s11 =	simm.s32 $0x1400;
	[sflag:s26] =	ssyncadd.s32 $0xFFFFC000  }
0x41: {  	[spmem:s1] =	stream.indirect.scatter.add.f32 [tilespmem:s21], [sflag:$0x3], $0x80, s11, s24, $0xb8;
	[tilespmem:$0x1E400] =	vst v63  }
0x42: {  	_ =	swait.ge [sflag:s22], $0x4000  }
0x43: {  	[sflag:s22] =	ssyncset.done $0x0  }
0x44: {  	s12 =	simm.s32 $0x100;
	[sflag:s22] =	ssyncadd.s32 $0xFFFFC000  }
0x45: {  	[tilespmem:s21], [sflag:$0x1] =	stream.indirect.gather [hbm4b:s4+s24], $0x80, s12, s24, $0xb8;
	[tilespmem:$0x1E400] =	vst v63  }
0x46: {  	_ =	swait.ge [sflag:s28], $0x4000  }
0x47: {  	[sflag:s28] =	ssyncset.done $0x0  }
0x48: {  	s13 =	simm.s32 $0x1480;
	[sflag:s28] =	ssyncadd.s32 $0xFFFFC000  }
0x49: {  	[spmem:s1] =	stream.indirect.scatter.add.f32 [tilespmem:s25], [sflag:$0x3], $0x80, s13, s24, $0xb8;
	[tilespmem:$0x1E400] =	vst v63  }
0x4a: {  	_ =	swait.ge [sflag:s22], $0x4000  }
0x4b: {  	s3 =	simm.s32 $0x100;
	s5 =	simm.s32 $0x800;
	[sflag:s22] =	ssyncset.done $0x0  }
.LBB2_2:
0x4c: {  	s11 =	sadd.s32 $0x80, s3  }
0x4d: {  	[sflag:s22] =	ssyncadd.s32 $0xFFFFC000;
	s12 =	smov.u32 s5;
	s13 =	sadd.s32 $0x400, s5  }
0x4e: {  	[tilespmem:s25], [sflag:$0x2] =	stream.indirect.gather [hbm4b:s4+s24], $0x80, s11, s24, $0xb8;
	[tilespmem:$0x1E400] =	vst v63  }
0x4f: {  	p0 =	sne.s32 s5, $0x4800;
	_ =	swait.ge [sflag:s26], $0x4000  }
0x50: {  	[sflag:s26] =	ssyncset.done $0x0  }
0x51: {  	s5 =	sadd.s32 $0x1400, s3;
	[sflag:s26] =	ssyncadd.s32 $0xFFFFC000  }
0x52: {  	[spmem:s1] =	stream.indirect.scatter.add.f32 [tilespmem:s21], [sflag:$0x3], $0x80, s5, s24, $0xb8;
	[tilespmem:$0x1E400] =	vst v63  }
0x53: {  	_ =	swait.ge [sflag:s22], $0x4000  }
0x54: {  	[sflag:s22] =	ssyncset.done $0x0  }
0x55: {  	s5 =	sadd.s32 $0x100, s3;
	[sflag:s22] =	ssyncadd.s32 $0xFFFFC000  }
0x56: {  	[tilespmem:s21], [sflag:$0x1] =	stream.indirect.gather [hbm4b:s4+s24], $0x80, s5, s24, $0xb8;
	[tilespmem:$0x1E400] =	vst v63  }
0x57: {  	_ =	swait.ge [sflag:s28], $0x4000  }
.Ltmp0:
0x58: {  	[sflag:s28] =	ssyncset.done $0x0;
	(pc) =	sbr.rel @p0 .LBB2_2-.Ltmp0, $4  }
0x59: {  	s3 =	sadd.s32 $0x1480, s3;
	[sflag:s28] =	ssyncadd.s32 $0xFFFFC000  }
0x5a: {  	[spmem:s1] =	stream.indirect.scatter.add.f32 [tilespmem:s25], [sflag:$0x3], $0x80, s3, s24, $0xb8;
	[tilespmem:$0x1E400] =	vst v63  }
0x5b: {  	_ =	swait.ge [sflag:s22], $0x4000  }
0x5c: {  	s5 =	smov.u32 s13;
	s3 =	sshra.s32 s12, $0x2;
	[sflag:s22] =	ssyncset.done $0x0  }
0x5d: {  	s5 =	sadd.s32 $0x80, s3;
	[sflag:s22] =	ssyncadd.s32 $0xFFFFC000  }
0x5e: {  	[tilespmem:s25], [sflag:$0x2] =	stream.indirect.gather [hbm4b:s4+s24], $0x80, s5, s24, $0xb8;
	[tilespmem:$0x1E400] =	vst v63  }
0x5f: {  	_ =	swait.ge [sflag:s26], $0x4000  }
0x60: {  	[sflag:s26] =	ssyncset.done $0x0  }
0x61: {  	s13 =	sadd.s32 $0x1400, s3;
	[sflag:s26] =	ssyncadd.s32 $0xFFFFC000  }
0x62: {  	[spmem:s1] =	stream.indirect.scatter.add.f32 [tilespmem:s21], [sflag:$0x3], $0x80, s13, s24, $0xb8;
	[tilespmem:$0x1E400] =	vst v63  }
0x63: {  	_ =	swait.ge [sflag:s22], $0x4000  }
0x64: {  	[sflag:s22] =	ssyncset.done $0x0  }
0x65: {  	s11 =	sadd.s32 $0x100, s3;
	[sflag:s22] =	ssyncadd.s32 $0xFFFFC000  }
0x66: {  	[tilespmem:s21], [sflag:$0x1] =	stream.indirect.gather [hbm4b:s4+s24], $0x80, s11, s24, $0xb8;
	[tilespmem:$0x1E400] =	vst v63  }
0x67: {  	_ =	swait.ge [sflag:s28], $0x4000  }
0x68: {  	[sflag:s28] =	ssyncset.done $0x0  }
0x69: {  	s12 =	sadd.s32 $0x1480, s3;
	[sflag:s28] =	ssyncadd.s32 $0xFFFFC000  }
0x6a: {  	[spmem:s1] =	stream.indirect.scatter.add.f32 [tilespmem:s25], [sflag:$0x3], $0x80, s12, s24, $0xb8;
	[tilespmem:$0x1E400] =	vst v63  }
0x6b: {  	_ =	swait.ge [sflag:s22], $0x4000  }
0x6c: {  	[sflag:s22] =	ssyncset.done $0x0  }
0x6d: {  	[sflag:s22] =	ssyncadd.s32 $0xFFFFC000  }
0x6e: {  	[tilespmem:s25], [sflag:$0x2] =	stream.indirect.gather [hbm4b:s4+s24], $0x80, s29, s24, $0xb8;
	[tilespmem:$0x1E400] =	vst v63  }
0x6f: {  	_ =	swait.ge [sflag:s26], $0x4000  }
0x70: {  	[sflag:s26] =	ssyncset.done $0x0  }
0x71: {  	[sflag:s26] =	ssyncadd.s32 $0xFFFFC000  }
0x72: {  	[spmem:s1] =	stream.indirect.scatter.add.f32 [tilespmem:s21], [sflag:$0x3], $0x80, s30, s24, $0xb8;
	[tilespmem:$0x1E400] =	vst v63  }
0x73: {  	_ =	swait.ge [sflag:s22], $0x4000  }
0x74: {  	[sflag:s22] =	ssyncset.done $0x0  }
0x75: {  	[sflag:s22] =	ssyncadd.s32 $0xFFFFC000  }
0x76: {  	_ =	swait.ge [sflag:s28], $0x4000  }
0x77: {  	[sflag:s28] =	ssyncset.done $0x0  }
0x78: {  	[sflag:s28] =	ssyncadd.s32 $0xFFFFC000  }
0x79: {  	[spmem:s1] =	stream.indirect.scatter.add.f32 [tilespmem:s25], [sflag:$0x3], $0x80, s31, s24, $0xb8;
	[tilespmem:$0x1E400] =	vst v63  }
0x7a: {  	_ =	swait.ge [sflag:s22], $0x4000  }
0x7b: {  	[sflag:s22] =	ssyncset.done $0x0  }
0x7c: {  	s13 =	simm.s32 $0x0;
	[sflag:s22] =	ssyncadd.s32 $0xFFFFC000  }
0x7d: {  	[tilespmem:s13], [sflag:$0x3] =	stream.linear.gather [hbm4b:s19+s13], $0x1400, $0x38;
	[tilespmem:$0x1E400] =	vst v63  }
0x7e: {  	_ =	swait.ge [sflag:s22], $0x1400  }
0x7f: {  	[sflag:s22] =	ssyncset.done $0x0  }
0x80: {  	[sflag:s22] =	ssyncadd.s32 $0xFFFFEC00  }
0x81: {  	[tilespmem:s23], [sflag:$0x3] =	stream.linear.gather [hbm4b:s20+s13], $0x1400, $0x38;
	[tilespmem:$0x1E400] =	vst v63  }
0x82: {  	_ =	swait.ge [sflag:s22], $0x1400  }
0x83: {  	[sflag:s22] =	ssyncset.done $0x0  }
0x84: {  	[sflag:s22] =	ssyncadd.s32 $0xFFFFEC00  }
0x85: {  	[tilespmem:s21], [sflag:$0x1] =	stream.indirect.gather [hbm4b:s4+s24], $0x80, s13, s24, $0xb8;
	[tilespmem:$0x1E400] =	vst v63  }
0x86: {  	s5 =	simm.s32 $0x80  }
0x87: {  	[tilespmem:s25], [sflag:$0x2] =	stream.indirect.gather [hbm4b:s4+s24], $0x80, s5, s24, $0xb8;
	[tilespmem:$0x1E400] =	vst v63  }
0x88: {  	_ =	swait.ge [sflag:s26], $0x4000  }
0x89: {  	[sflag:s26] =	ssyncset.done $0x0  }
0x8a: {  	s11 =	simm.s32 $0x1400;
	[sflag:s26] =	ssyncadd.s32 $0xFFFFC000  }
0x8b: {  	[spmem:s1] =	stream.indirect.scatter.add.f32 [tilespmem:s21], [sflag:$0x3], $0x80, s11, s24, $0xb8;
	[tilespmem:$0x1E400] =	vst v63  }
0x8c: {  	_ =	swait.ge [sflag:s22], $0x4000  }
0x8d: {  	[sflag:s22] =	ssyncset.done $0x0  }
0x8e: {  	s12 =	simm.s32 $0x100;
	[sflag:s22] =	ssyncadd.s32 $0xFFFFC000  }
0x8f: {  	[tilespmem:s21], [sflag:$0x1] =	stream.indirect.gather [hbm4b:s4+s24], $0x80, s12, s24, $0xb8;
	[tilespmem:$0x1E400] =	vst v63  }
0x90: {  	_ =	swait.ge [sflag:s28], $0x4000  }
0x91: {  	[sflag:s28] =	ssyncset.done $0x0  }
0x92: {  	s13 =	simm.s32 $0x1480;
	[sflag:s28] =	ssyncadd.s32 $0xFFFFC000  }
0x93: {  	[spmem:s1] =	stream.indirect.scatter.add.f32 [tilespmem:s25], [sflag:$0x3], $0x80, s13, s24, $0xb8;
	[tilespmem:$0x1E400] =	vst v63  }
0x94: {  	_ =	swait.ge [sflag:s22], $0x4000  }
0x95: {  	s3 =	simm.s32 $0x100;
	s5 =	simm.s32 $0x800;
	[sflag:s22] =	ssyncset.done $0x0  }
.LBB2_4:
0x96: {  	s11 =	sadd.s32 $0x80, s3  }
0x97: {  	[sflag:s22] =	ssyncadd.s32 $0xFFFFC000;
	s12 =	smov.u32 s5;
	s13 =	sadd.s32 $0x400, s5  }
0x98: {  	[tilespmem:s25], [sflag:$0x2] =	stream.indirect.gather [hbm4b:s4+s24], $0x80, s11, s24, $0xb8;
	[tilespmem:$0x1E400] =	vst v63  }
0x99: {  	p0 =	sne.s32 s5, $0x4800;
	_ =	swait.ge [sflag:s26], $0x4000  }
0x9a: {  	[sflag:s26] =	ssyncset.done $0x0  }
0x9b: {  	s5 =	sadd.s32 $0x1400, s3;
	[sflag:s26] =	ssyncadd.s32 $0xFFFFC000  }
0x9c: {  	[spmem:s1] =	stream.indirect.scatter.add.f32 [tilespmem:s21], [sflag:$0x3], $0x80, s5, s24, $0xb8;
	[tilespmem:$0x1E400] =	vst v63  }
0x9d: {  	_ =	swait.ge [sflag:s22], $0x4000  }
0x9e: {  	[sflag:s22] =	ssyncset.done $0x0  }
0x9f: {  	s5 =	sadd.s32 $0x100, s3;
	[sflag:s22] =	ssyncadd.s32 $0xFFFFC000  }
0xa0: {  	[tilespmem:s21], [sflag:$0x1] =	stream.indirect.gather [hbm4b:s4+s24], $0x80, s5, s24, $0xb8;
	[tilespmem:$0x1E400] =	vst v63  }
0xa1: {  	_ =	swait.ge [sflag:s28], $0x4000  }
.Ltmp1:
0xa2: {  	[sflag:s28] =	ssyncset.done $0x0;
	(pc) =	sbr.rel @p0 .LBB2_4-.Ltmp1, $4  }
0xa3: {  	s3 =	sadd.s32 $0x1480, s3;
	[sflag:s28] =	ssyncadd.s32 $0xFFFFC000  }
0xa4: {  	[spmem:s1] =	stream.indirect.scatter.add.f32 [tilespmem:s25], [sflag:$0x3], $0x80, s3, s24, $0xb8;
	[tilespmem:$0x1E400] =	vst v63  }
0xa5: {  	_ =	swait.ge [sflag:s22], $0x4000  }
0xa6: {  	s5 =	smov.u32 s13;
	s3 =	sshra.s32 s12, $0x2;
	[sflag:s22] =	ssyncset.done $0x0  }
0xa7: {  	s5 =	sadd.s32 $0x80, s3;
	[sflag:s22] =	ssyncadd.s32 $0xFFFFC000  }
0xa8: {  	[tilespmem:s25], [sflag:$0x2] =	stream.indirect.gather [hbm4b:s4+s24], $0x80, s5, s24, $0xb8;
	[tilespmem:$0x1E400] =	vst v63  }
0xa9: {  	_ =	swait.ge [sflag:s26], $0x4000  }
0xaa: {  	[sflag:s26] =	ssyncset.done $0x0  }
0xab: {  	s12 =	sadd.s32 $0x1400, s3;
	[sflag:s26] =	ssyncadd.s32 $0xFFFFC000  }
0xac: {  	[spmem:s1] =	stream.indirect.scatter.add.f32 [tilespmem:s21], [sflag:$0x3], $0x80, s12, s24, $0xb8;
	[tilespmem:$0x1E400] =	vst v63  }
0xad: {  	_ =	swait.ge [sflag:s22], $0x4000  }
0xae: {  	[sflag:s22] =	ssyncset.done $0x0  }
0xaf: {  	s13 =	sadd.s32 $0x100, s3;
	[sflag:s22] =	ssyncadd.s32 $0xFFFFC000  }
0xb0: {  	[tilespmem:s21], [sflag:$0x1] =	stream.indirect.gather [hbm4b:s4+s24], $0x80, s13, s24, $0xb8;
	[tilespmem:$0x1E400] =	vst v63  }
0xb1: {  	_ =	swait.ge [sflag:s28], $0x4000  }
0xb2: {  	[sflag:s28] =	ssyncset.done $0x0  }
0xb3: {  	s5 =	sadd.s32 $0x1480, s3;
	[sflag:s28] =	ssyncadd.s32 $0xFFFFC000  }
0xb4: {  	[spmem:s1] =	stream.indirect.scatter.add.f32 [tilespmem:s25], [sflag:$0x3], $0x80, s5, s24, $0xb8;
	[tilespmem:$0x1E400] =	vst v63  }
0xb5: {  	_ =	swait.ge [sflag:s22], $0x4000  }
0xb6: {  	[sflag:s22] =	ssyncset.done $0x0  }
0xb7: {  	[sflag:s22] =	ssyncadd.s32 $0xFFFFC000  }
0xb8: {  	[tilespmem:s25], [sflag:$0x2] =	stream.indirect.gather [hbm4b:s4+s24], $0x80, s29, s24, $0xb8;
	[tilespmem:$0x1E400] =	vst v63  }
0xb9: {  	_ =	swait.ge [sflag:s26], $0x4000  }
0xba: {  	[sflag:s26] =	ssyncset.done $0x0  }
0xbb: {  	[sflag:s26] =	ssyncadd.s32 $0xFFFFC000  }
0xbc: {  	[spmem:s1] =	stream.indirect.scatter.add.f32 [tilespmem:s21], [sflag:$0x3], $0x80, s30, s24, $0xb8;
	[tilespmem:$0x1E400] =	vst v63  }
0xbd: {  	_ =	swait.ge [sflag:s22], $0x4000  }
0xbe: {  	[sflag:s22] =	ssyncset.done $0x0  }
0xbf: {  	[sflag:s22] =	ssyncadd.s32 $0xFFFFC000  }
0xc0: {  	_ =	swait.ge [sflag:s28], $0x4000  }
0xc1: {  	[sflag:s28] =	ssyncset.done $0x0  }
0xc2: {  	[sflag:s28] =	ssyncadd.s32 $0xFFFFC000  }
0xc3: {  	[spmem:s1] =	stream.indirect.scatter.add.f32 [tilespmem:s25], [sflag:$0x3], $0x80, s31, s24, $0xb8;
	[tilespmem:$0x1E400] =	vst v63  }
0xc4: {  	_ =	swait.ge [sflag:s22], $0x4000  }
0xc5: {  	[sflag:s22] =	ssyncset.done $0x0  }
0xc6: {  	[sflag:s22] =	ssyncadd.s32 $0xFFFFC000  }
0xc7: {  	[bflag:$0x0] =	sbarrier.arrive $0xFFFF  }
0xc8: {  	[tilespmem:s21], [sflag:$0x3] =	stream.linear.gather [spmem:s6], $0x4000, $0x38;
	[tilespmem:$0x1E400] =	vst v63  }
0xc9: {  	_ =	swait.ge [sflag:s22], $0x4000  }
0xca: {  	[sflag:s22] =	ssyncset.done $0x0  }
0xcb: {  	s11 =	rddreg [dreg:$0x4];
	[sflag:s22] =	ssyncadd.s32 $0xFFFFC000  }
0xcc: {  	[hbm4b:s11+s2] =	stream.linear.scatter [tilespmem:s21], [sflag:$0x3], $0x4000, $0x38;
	[tilespmem:$0x1E400] =	vst v63  }
0xcd: {  	_ =	swait.ge [sflag:s22], $0x4000  }
0xce: {  	[sflag:s22] =	ssyncset.done $0x0  }
0xcf: {  	[sflag:s22] =	ssyncadd.s32 $0xFFFFC000  }
0xd0: {  	[tilespmem:s21], [sflag:$0x3] =	stream.linear.gather [spmem:s7], $0x4000, $0x38;
	[tilespmem:$0x1E400] =	vst v63  }
0xd1: {  	_ =	swait.ge [sflag:s22], $0x4000  }
0xd2: {  	[sflag:s22] =	ssyncset.done $0x0  }
0xd3: {  	s12 =	rddreg [dreg:$0x5];
	[sflag:s22] =	ssyncadd.s32 $0xFFFFC000  }
0xd4: {  	[hbm4b:s12+s2] =	stream.linear.scatter [tilespmem:s21], [sflag:$0x3], $0x4000, $0x38;
	[tilespmem:$0x1E400] =	vst v63  }
0xd5: {  	_ =	swait.ge [sflag:s22], $0x4000  }
0xd6: {  	[sflag:s22] =	ssyncset.done $0x0  }
0xd7: {  	[sflag:s22] =	ssyncadd.s32 $0xFFFFC000  }
0xd8: {  	[tilespmem:s21], [sflag:$0x3] =	stream.linear.gather [spmem:s8], $0x4000, $0x38;
	[tilespmem:$0x1E400] =	vst v63  }
0xd9: {  	_ =	swait.ge [sflag:s22], $0x4000  }
0xda: {  	[sflag:s22] =	ssyncset.done $0x0  }
0xdb: {  	s13 =	rddreg [dreg:$0x6];
	[sflag:s22] =	ssyncadd.s32 $0xFFFFC000  }
0xdc: {  	[hbm4b:s13+s2] =	stream.linear.scatter [tilespmem:s21], [sflag:$0x3], $0x4000, $0x38;
	[tilespmem:$0x1E400] =	vst v63  }
0xdd: {  	_ =	swait.ge [sflag:s22], $0x4000  }
0xde: {  	[sflag:s22] =	ssyncset.done $0x0  }
0xdf: {  	[sflag:s22] =	ssyncadd.s32 $0xFFFFC000  }
0xe0: {  	[tilespmem:s21], [sflag:$0x3] =	stream.linear.gather [spmem:s9], $0x4000, $0x38;
	[tilespmem:$0x1E400] =	vst v63  }
0xe1: {  	_ =	swait.ge [sflag:s22], $0x4000  }
0xe2: {  	[sflag:s22] =	ssyncset.done $0x0  }
0xe3: {  	[sflag:s22] =	ssyncadd.s32 $0xFFFFC000  }
0xe4: {  	[hbm4b:s14+s2] =	stream.linear.scatter [tilespmem:s21], [sflag:$0x3], $0x4000, $0x38;
	[tilespmem:$0x1E400] =	vst v63  }
0xe5: {  	_ =	swait.ge [sflag:s22], $0x4000  }
0xe6: {  	[sflag:s22] =	ssyncset.done $0x0  }
0xe7: {  	[sflag:s22] =	ssyncadd.s32 $0xFFFFC000  }
0xe8: {  	[tilespmem:s21], [sflag:$0x3] =	stream.linear.gather [spmem:s10], $0x3C00, $0x38;
	[tilespmem:$0x1E400] =	vst v63  }
0xe9: {  	s0 =	sadd.s32 $0x1, s0;
	_ =	swait.ge [sflag:s22], $0x3C00  }
0xea: {  	p0 =	sne.s32 s0, s16;
	[sflag:s22] =	ssyncset.done $0x0  }
.Ltmp2:
0xeb: {  	[sflag:s22] =	ssyncadd.s32 $0xFFFFC400;
	(pc) =	sbr.rel @p0 .LBB2_1-.Ltmp2, $4  }
0xec: {  	[hbm4b:s15+s2] =	stream.linear.scatter [tilespmem:s21], [sflag:$0x3], $0x3C00, $0x38;
	[tilespmem:$0x1E400] =	vst v63  }
0xed: {  	_ =	swait.ge [sflag:s22], $0x3C00  }
0xee: {  	[sflag:s22] =	ssyncset.done $0x0  }
0xef: {  	[sflag:s22] =	ssyncadd.s32 $0xFFFFC400  }
0xf0: {  	_ =	sfence.sel $0x180000  }
0xf1: {  	[bflag:$0x0] =	sbarrier.arrive $0xFFFF  }
0xf2: {  	_ =	strace $0x9000004A  }
0xf3: {  	s0 =	stileid.u32;
	[bflag:$0x2] =	sbarrier.arrive $0xFFFF  }
0xf4: {  	p0 =	sne.s32 s0, $0x0;
	s0 =	rddreg [dreg:$0x2]  }
0xf5: {  	s0 =	sadd.s32 @!p0 $0x100000, s0  }
0xf6: {  	[sflag:s0] =	ssyncadd.tile.s32 @!p0 $0x1;
	_ =	shalt  }
.Lfunc_end2:
_tile_overlayer_lowered:
.L_overlay_start_2:
0xf7: {  	(tag) =	ssettag $0x2  }
0xf8: {  	s0 =	rddreg [dreg:$0x0];
	s2 =	stileid.u32  }
0xf9: {  	s1 =	rddreg [dreg:$0x1];
	p0 =	sne.s32 s2, $0x0  }
0xfa: {  	s3 =	rddreg [dreg:$0x2];
	[bflag:$0x3] =	sbarrier.arrive $0xFFFF;
	s2 =	simm.s32 @!p0 $0x1C03  }
0xfb: {  	[timem:s3], [sflag:s2] =	dma.local @!p0 [hbm:s0], s1  }
0xfc: {  	s0 =	simm.s32 @!p0 $0x3  }
0xfd: {  	_ =	swait.ge @!p0 [sflag:s0], s1  }
0xfe: {  	s1 =	ssub.s32 @!p0 $0x0, s1;
	[sflag:s0] =	ssyncset.done @!p0 $0x0  }
0xff: {  	[sflag:s0] =	ssyncadd.s32 @!p0 s1  }
0x100: {  	[bflag:$0x3] =	sbarrier.arrive $0xFFFF  }
0x101: {  	_ =	shalt  }

// kernel: kernel.14.cloned.1.call-start
scs
__scs_entry_jumppad:
0x0: {  	(pc) =	sbr.rel $0x88, $3  }
0x1: {  	(tag) =	ssettag $0x0;
	lr =	simm.s32 $0x1  }
0x2: {  	[smem:$0x3F9B] =	sst lr;
	_ =	strace $0xD0000000  }
0x3: {  	_ = 	snop  }
0x4: {  	_ = 	snop  }
0x5: {  	_ = 	snop  }
0x6: {  	_ = 	snop  }
0x7: {  	_ = 	snop  }
__scs_overlays_trampoline_lowered:
0x8: {  	[smem:$0x3FAA] =	sst s0  }
0x9: {  	[smem:$0x3FAB] =	sst s1  }
0xa: {  	[smem:$0x3FAC] =	sst s2  }
0xb: {  	[smem:$0x3FAD] =	sst s3  }
0xc: {  	[smem:$0x3FAE] =	sst s4  }
0xd: {  	[smem:$0x3FAF] =	sst s5  }
0xe: {  	[smem:$0x3FB0] =	sst s6  }
0xf: {  	[smem:$0x3FB1] =	sst s7  }
0x10: {  	[smem:$0x3FB2] =	sst s8  }
0x11: {  	[smem:$0x3FB3] =	sst s9;
	s0 =	simm.s32 @!p0 $0x0  }
0x12: {  	s1 =	sld [smem:$0x3F99];
	s0 =	simm.s32 @p0 $0x1  }
0x13: {  	[smem:$0x3FB4] =	sst s0;
	s0 =	simm.s32 @!p1 $0x0  }
0x14: {  	s2 =	sld [smem:$0x3F98];
	s0 =	simm.s32 @p1 $0x1  }
0x15: {  	[smem:$0x3FB5] =	sst s0;
	s0 =	simm.s32 @!p2 $0x0  }
0x16: {  	s3 =	sld [smem:$0x3FDB];
	s0 =	simm.s32 @p2 $0x1  }
0x17: {  	s4 =	simm.s32 $0x1BF5;
	[smem:$0x3FB7] =	sst s0  }
0x18: {  	s0 =	sld [smem:$0x3F9A];
	_ =	swait.ge [sflag:s4], $0x0  }
0x19: {  	s7 =	sld [smem:$0x3F9B]  }
0x1a: {  	s8 =	sadd.s32 $0xFFFFE003, lr  }
0x1b: {  	s9 =	sadd.s32 $0xFFFFFEF7, lr;
	s5 =	simm.s32 $0xFFFFFFFF;
	p2 =	slt.u32 s8, $0xFFFFF086  }
0x1c: {  	p1 =	slt.u32 s9, $0xF7A;
	s5 =	simm.s32 @!p2 $0x0  }
0x1d: {  	s5 =	simm.s32 @p1 $0x1;
	p0 =	seq.s32 s7, s2  }
0x1e: {  	s7 =	smul.u32 @!p0 $0xF7A, s2;
	p2 =	seq.s32 @!p0 s5, $0x0  }
0x1f: {  	s9 =	smul.u32 $0xF7A, s1;
	s8 =	simm.s32 @!p0 $0x1BF5;
	p2 =	por !p2, p0  }
0x20: {  	[sflag:s8] =	ssyncset.s32 @!p0 $0xFFFFF086;
	s6 =	sadd.s32 @!p0 s3, s7;
	s7 =	simm.s32 @!p0 $0x108  }
0x21: {  	s3 =	sadd.s32 s3, s9;
	s6 =	sadd.s32 @!p0 $0x88, s6;
	s7 =	simm.s32 @p2 $0x1082  }
0x22: {  	[simem:s7], [sflag:s8] =	dma.local @!p0 [hbm:s6], $0xF7A  }
0x23: {  	s9 =	sor.u32 $0xD0000000, s2;
	s6 =	simm.s32 $0x108;
	_ =	swait.ge @!p0 [sflag:s8], $0x0  }
0x24: {  	s3 =	sadd.s32 $0x88, s3;
	s6 =	simm.s32 @!p1 $0x1082;
	[sflag:s4] =	ssyncset.s32 $0xFFFFF086  }
0x25: {  	[simem:s6], [sflag:s4] =	dma.local [hbm:s3], $0xF7A  }
0x26: {  	[smem:$0x3F9B] =	sst s1;
	(tag) =	ssettag s2;
	_ =	strace s9  }
0x27: {  	s1 =	sld [smem:$0x3FAB]  }
0x28: {  	s2 =	sld [smem:$0x3FAC]  }
0x29: {  	s4 =	sld [smem:$0x3FAE]  }
0x2a: {  	p0 =	seq.s32 s5, $0x0;
	s5 =	sld [smem:$0x3FAF]  }
0x2b: {  	s6 =	sld [smem:$0x3FB0]  }
0x2c: {  	s7 =	sld [smem:$0x3FB1]  }
0x2d: {  	s3 =	simm.s32 $0x108;
	s8 =	sld [smem:$0x3FB2]  }
0x2e: {  	s3 =	simm.s32 @!p0 $0x1082;
	s9 =	sld [smem:$0x3FB3]  }
0x2f: {  	lr =	sadd.s32 s0, s3;
	s0 =	sld [smem:$0x3FAA]  }
0x30: {  	s3 =	sld [smem:$0x3FAD]  }
0x31: {  	[smem:$0x3FB6] =	sst s10  }
0x32: {  	s10 =	sld [smem:$0x3FB4];
	_ =	sdelay $0x3  }
0x33: {  	p0 =	seq.s32 s10, $0x1;
	s10 =	sld [smem:$0x3FB6];
	_ =	sdelay $0x3  }
0x34: {  	[smem:$0x3FB6] =	sst s10  }
0x35: {  	s10 =	sld [smem:$0x3FB5];
	_ =	sdelay $0x3  }
0x36: {  	p1 =	seq.s32 s10, $0x1;
	s10 =	sld [smem:$0x3FB6];
	_ =	sdelay $0x3  }
0x37: {  	[smem:$0x3FB6] =	sst s10  }
0x38: {  	s10 =	sld [smem:$0x3FB7]  }
0x39: {  	_ = 	snop;
	(pc) =	sbr.ind lr, $3  }
0x3a: {  	_ = 	snop  }
0x3b: {  	_ = 	snop  }
0x3c: {  	p2 =	seq.s32 s10, $0x1;
	s10 =	sld [smem:$0x3FB6]  }
0x3d: {  	_ =	shalt  }
0x3e: {  	_ =	shalt  }
0x3f: {  	_ =	shalt  }
0x40: {  	_ =	shalt  }
0x41: {  	_ =	shalt  }
0x42: {  	_ =	shalt  }
0x43: {  	_ =	shalt  }
0x44: {  	_ =	shalt  }
0x45: {  	_ =	shalt  }
0x46: {  	_ =	shalt  }
0x47: {  	_ =	shalt  }
0x48: {  	_ =	shalt  }
0x49: {  	_ =	shalt  }
0x4a: {  	_ =	shalt  }
0x4b: {  	_ =	shalt  }
0x4c: {  	_ =	shalt  }
0x4d: {  	_ =	shalt  }
0x4e: {  	_ =	shalt  }
0x4f: {  	_ =	shalt  }
0x50: {  	_ =	shalt  }
0x51: {  	_ =	shalt  }
0x52: {  	_ =	shalt  }
0x53: {  	_ =	shalt  }
0x54: {  	_ =	shalt  }
0x55: {  	_ =	shalt  }
0x56: {  	_ =	shalt  }
0x57: {  	_ =	shalt  }
0x58: {  	_ =	shalt  }
0x59: {  	_ =	shalt  }
0x5a: {  	_ =	shalt  }
0x5b: {  	_ =	shalt  }
0x5c: {  	_ =	shalt  }
0x5d: {  	_ =	shalt  }
0x5e: {  	_ =	shalt  }
0x5f: {  	_ =	shalt  }
0x60: {  	_ =	shalt  }
0x61: {  	_ =	shalt  }
0x62: {  	_ =	shalt  }
0x63: {  	_ =	shalt  }
0x64: {  	_ =	shalt  }
0x65: {  	_ =	shalt  }
0x66: {  	_ =	shalt  }
0x67: {  	_ =	shalt  }
0x68: {  	_ =	shalt  }
0x69: {  	_ =	shalt  }
0x6a: {  	_ =	shalt  }
0x6b: {  	_ =	shalt  }
0x6c: {  	_ =	shalt  }
0x6d: {  	_ =	shalt  }
0x6e: {  	_ =	shalt  }
0x6f: {  	_ =	shalt  }
0x70: {  	_ =	shalt  }
0x71: {  	_ =	shalt  }
0x72: {  	_ =	shalt  }
0x73: {  	_ =	shalt  }
0x74: {  	_ =	shalt  }
0x75: {  	_ =	shalt  }
0x76: {  	_ =	shalt  }
0x77: {  	_ =	shalt  }
0x78: {  	_ =	shalt  }
0x79: {  	_ =	shalt  }
0x7a: {  	_ =	shalt  }
0x7b: {  	_ =	shalt  }
0x7c: {  	_ =	shalt  }
0x7d: {  	_ =	shalt  }
0x7e: {  	_ =	shalt  }
0x7f: {  	_ =	shalt  }
0x80: {  	_ =	shalt  }
0x81: {  	_ =	shalt  }
0x82: {  	_ =	shalt  }
0x83: {  	_ =	shalt  }
0x84: {  	_ =	shalt  }
0x85: {  	_ =	shalt  }
0x86: {  	_ =	shalt  }
0x87: {  	_ =	shalt  }
.Lfunc_end0:
.L_simem_size_0:
called_computation.2_lowered:
.L_overlay_start_0:
0x88: {  	s2 =	sld [smem:$0x3FD9]  }
0x89: {  	s3 =	sld [smem:$0x3FFE];
	_ =	sdelay $0x1  }
0x8a: {  	s1 =	srdreg.scid  }
0x8b: {  	s0 =	sand.u32 $0x1, s1  }
0x8c: {  	s16 =	sshll.u32 s0, $0xA;
	s2 =	sadd.s32 s3, s2  }
0x8d: {  	s2 =	sadd.s32 s2, s16  }
0x8e: {  	[smem:$0x3FC2] =	sst s2  }
0x8f: {  	_ = 	snop  }
0x90: {  	(tm) =	ssettm $0x1  }
0x91: {  	s17 =	sld [smem:$0x3FFB];
	_ =	sdelay $0x3  }
0x92: {  	_ =	strace s17  }
0x93: {  	s2 =	sld [smem:$0x3FFC];
	_ =	sdelay $0x3  }
0x94: {  	_ =	strace s2  }
0x95: {  	s2 =	sld [smem:$0x3FFD];
	_ =	sdelay $0x3  }
0x96: {  	_ =	strace s2  }
0x97: {  	_ =	strace $0x8FFFFFFF  }
0x98: {  	s18 =	sld [smem:$0x3FDB];
	_ =	sdelay $0x1  }
0x99: {  	s19 =	simm.s32 $_scs_section_size  }
0x9a: {  	s4 =	simm.s32 $_size__tile_overlayer_lowered;
	s5 =	simm.s32 $_tile_overlayer_lowered  }
0x9b: {  	s22 =	simm.s32 $0x1BFF;
	s21 =	sshll.u32 s5, $0x1;
	s2 =	sadd.s32 s19, s18  }
0x9c: {  	s6 =	simm.s32 $0x0;
	s20 =	sshll.u32 s4, $0x1;
	s4 =	sadd.s32 s21, s2  }
0x9d: {  	[timem:s6], [sflag:s22] =	dma.local [hbm:s4], s20  }
0x9e: {  	_ =	swait.ge [sflag:s22], s20  }
0x9f: {  	s3 =	ssub.s32 $0x0, s20;
	[sflag:s22] =	ssyncset.done $0x0  }
0xa0: {  	[sflag:s22] =	ssyncadd.s32 s3;
	_ =	sdelay $0x1  }
0xa1: {  	s23 =	simm.s32 $0x1B8B  }
0xa2: {  	_ =	swait.ge [sflag:s23], $0x1  }
0xa3: {  	[sflag:s23] =	ssyncset.done $0x0  }
0xa4: {  	s25 =	simm.s32 $0x1B8E;
	s24 =	sld [smem:$0x3FFE];
	[sflag:s23] =	ssyncadd.s32 $0xFFFFFFFF  }
0xa5: {  	s26 =	simm.s32 $execute0_lowered;
	[smem:$0x3FD2] =	sst s25  }
0xa6: {  	s4 =	sshll.u32 s26, $0x1;
	_ =	strace $0x8000004C;
	[dreg:$0x1] =	wrdreg $0xFFFFFFFF  }
0xa7: {  	s28 =	simm.s32 $_size_execute0_lowered;
	s2 =	sadd.s32 s2, s4;
	[dreg:$0x0] =	wrdreg $0x0  }
0xa8: {  	s4 =	sshll.u32 s28, $0x1;
	[dreg:$0x2] =	wrdreg s2  }
0xa9: {  	[dreg:$0x3] =	wrdreg s4  }
0xaa: {  	[dreg:$0x4] =	wrdreg $0xC0  }
0xab: {  	_ =	task [dreg:s6], $0x5FFFF  }
0xac: {  	[dreg:$0x1] =	wrdreg $0xFFFFFFFF  }
0xad: {  	[dreg:$0x0] =	wrdreg $0x60  }
0xae: {  	[dreg:$0x2] =	wrdreg s24  }
0xaf: {  	[dreg:$0x3] =	wrdreg $0xA8000  }
0xb0: {  	[dreg:$0x4] =	wrdreg $0x9  }
0xb1: {  	_ =	task.clear_ibuf [dreg:s6], $0x5FFFF;
	_ =	strace $0x9000004C  }
0xb2: {  	s29 =	simm.s32 $0x9;
	_ =	strace $0x8000004E  }
0xb3: {  	_ =	swait.ge [sflag:s29], $0x1  }
0xb4: {  	[sflag:s29] =	ssyncadd.s32 $0xFFFFFFFF  }
0xb5: {  	_ =	strace $0x9000004E  }
0xb6: {  	_ =	sfence  }
0xb7: {  	s30 =	sld [smem:$0x0];
	_ =	sdelay $0x2  }
0xb8: {  	s31 =	sshll.u32 s1, $0xD;
	s1 =	sshrl.u32 s1, $0x2  }
0xb9: {  	s3 =	sand.u32 $0x4000, s31;
	s1 =	sadd.s32 s1, s30  }
0xba: {  	s0 =	sor.u32 s3, s0;
	s1 =	sshll.u32 s1, $0x11  }
0xbb: {  	s0 =	sor.u32 s1, s0  }
0xbc: {  	s0 =	sadd.s32 $0x8F2B, s0  }
0xbd: {  	[sflag:s0] =	ssyncadd.remote.s32 $0x1  }
0xbe: {  	_ =	sfence.sel $0xFFFF  }
0xbf: {  	[dreg:$0x0] =	wrdreg $0xFFFFFFFF;
	(pc) =	sbr.abs _section_cstart, $3  }
0xc0: {  	[dreg:$0x1] =	wrdreg $0xFFFFFFFF  }
0xc1: {  	_ =	task.clear_ibuf [dreg:s6], $0x2FFFF;
	_ =	strace $0x9FFFFFFF  }
0xc2: {  	(tm) =	ssettm $0x7FFFFFFF  }
0xc3: {  	_ =	shalt  }
tec
execute0_lowered:
.L_overlay_start_1:
0x0: {  	(tag) =	ssettag $0x1  }
0x1: {  	s0 =	rddreg [dreg:$0x0]  }
0x2: {  	s1 =	rddreg [dreg:$0x1];
	s2 =	simm.s32 $0x0  }
0x3: {  	s5 =	srdreg.scid;
	s9 =	stileid.u32;
	s28 =	simm.s32 $0x2  }
0x4: {  	s29 =	simm.s32 $0x1380;
	s30 =	simm.s32 $0x2700;
	s31 =	simm.s32 $0x2780  }
0x5: {  	[smem:$0x7FF] =	sst s2;
	s4 =	sadd.s32 $0x17200, s0;
	s3 =	sadd.s32 $0x2A00, s0  }
0x6: {  	s20 =	sadd.s32 $0xCA00, s0;
	s5 =	sand.u32 $0x1, s5;
	s7 =	smul.u32 $0x4F000, s9  }
0x7: {  	s6 =	sadd.s32 $0x16A00, s0;
	s0 =	sadd.s32 $0x3EA00, s0;
	s11 =	smul.u32 $0x13C00, s9  }
0x8: {  	_ =	strace $0x8000004D;
	[dreg:$0x3] =	wrdreg s6;
	s18 =	ssub.s32 $0x2, s5  }
0x9: {  	s19 =	sshll.u32 s5, $0x4;
	s5 =	smul.u32 $0x13C000, s5;
	s8 =	sshrl.u32 s18, $0x1  }
0xa: {  	s7 =	sshrl.u32 s7, $0x2;
	s12 =	sor.u32 s9, s19;
	s13 =	sadd.s32 $0x4000, s11  }
0xb: {  	s14 =	sadd.s32 $0x8000, s11;
	s15 =	sadd.s32 $0xC000, s11;
	s17 =	sadd.s32 $0x10000, s11  }
0xc: {  	s16 =	ssub.s32 s18, s8;
	s6 =	sadd.s32 s7, s1;
	s7 =	sadd.s32 s13, s1  }
0xd: {  	s8 =	sadd.s32 s14, s1;
	s9 =	sadd.s32 s15, s1;
	s10 =	sadd.s32 s17, s1  }
0xe: {  	s11 =	sadd.s32 s11, s5;
	s18 =	smul.u32 $0x2800, s12;
	s21 =	sadd.s32 s5, s13  }
0xf: {  	s22 =	sadd.s32 s5, s14;
	s24 =	sadd.s32 s5, s15;
	s5 =	sadd.s32 s5, s17  }
0x10: {  	s11 =	sshrl.u32 s11, $0x3;
	s12 =	sshrl.u32 s21, $0x3;
	s13 =	sshrl.u32 s22, $0x3  }
0x11: {  	s14 =	sshrl.u32 s24, $0x3;
	s5 =	sshrl.u32 s5, $0x3;
	s16 =	smax.u32 s16, $0x1  }
0x12: {  	s21 =	simm.s32 $0x2800;
	s22 =	simm.s32 $0x3;
	s24 =	simm.s32 $0x80  }
0x13: {  	s11 =	sadd.s32 s0, s11;
	s23 =	sadd.s32 s0, s12;
	s25 =	sadd.s32 s0, s13  }
0x14: {  	s14 =	sadd.s32 s0, s14;
	s18 =	sshrl.u32 s18, $0x3;
	[dreg:$0x4] =	wrdreg s11  }
0x15: {  	s15 =	sadd.s32 s0, s5;
	s0 =	simm.s32 $0x0;
	[dreg:$0x5] =	wrdreg s23  }
0x16: {  	[dreg:$0x6] =	wrdreg s25;
	s26 =	sadd.s32 $0x280, s18;
	s17 =	sadd.s32 s3, s18  }
0x17: {  	s18 =	sadd.s32 s20, s18;
	s23 =	simm.s32 $0x1400;
	s25 =	simm.s32 $0x6800  }
0x18: {  	s19 =	sadd.s32 s3, s26;
	s20 =	sadd.s32 s20, s26;
	s26 =	simm.s32 $0x1  }
.LBB2_1:
0x19: {  	s3 =	rddreg [dreg:$0x3]  }
0x1a: {  	[tilespmem:s21], [sflag:$0x3] =	stream.linear.gather [hbm4b:s3+s2], $0x4000, $0x38;
	[tilespmem:$0x1E400] =	vst v63  }
0x1b: {  	_ =	swait.ge [sflag:s22], $0x4000  }
0x1c: {  	[sflag:s22] =	ssyncset.done $0x0  }
0x1d: {  	[sflag:s22] =	ssyncadd.s32 $0xFFFFC000  }
0x1e: {  	[spmem:s6] =	stream.linear.scatter [tilespmem:s21], [sflag:$0x3], $0x4000, $0x38;
	[tilespmem:$0x1E400] =	vst v63  }
0x1f: {  	_ =	swait.ge [sflag:s22], $0x4000  }
0x20: {  	[sflag:s22] =	ssyncset.done $0x0  }
0x21: {  	[sflag:s22] =	ssyncadd.s32 $0xFFFFC000  }
0x22: {  	[spmem:s7] =	stream.linear.scatter [tilespmem:s21], [sflag:$0x3], $0x4000, $0x38;
	[tilespmem:$0x1E400] =	vst v63  }
0x23: {  	_ =	swait.ge [sflag:s22], $0x4000  }
0x24: {  	[sflag:s22] =	ssyncset.done $0x0  }
0x25: {  	[sflag:s22] =	ssyncadd.s32 $0xFFFFC000  }
0x26: {  	[spmem:s8] =	stream.linear.scatter [tilespmem:s21], [sflag:$0x3], $0x4000, $0x38;
	[tilespmem:$0x1E400] =	vst v63  }
0x27: {  	_ =	swait.ge [sflag:s22], $0x4000  }
0x28: {  	[sflag:s22] =	ssyncset.done $0x0  }
0x29: {  	[sflag:s22] =	ssyncadd.s32 $0xFFFFC000  }
0x2a: {  	[spmem:s9] =	stream.linear.scatter [tilespmem:s21], [sflag:$0x3], $0x4000, $0x38;
	[tilespmem:$0x1E400] =	vst v63  }
0x2b: {  	_ =	swait.ge [sflag:s22], $0x4000  }
0x2c: {  	[sflag:s22] =	ssyncset.done $0x0  }
0x2d: {  	[sflag:s22] =	ssyncadd.s32 $0xFFFFC000  }
0x2e: {  	[spmem:s10] =	stream.linear.scatter [tilespmem:s21], [sflag:$0x3], $0x3C00, $0x38;
	[tilespmem:$0x1E400] =	vst v63  }
0x2f: {  	_ =	swait.ge [sflag:s22], $0x3C00  }
0x30: {  	[sflag:s22] =	ssyncset.done $0x0  }
0x31: {  	[sflag:s22] =	ssyncadd.s32 $0xFFFFC400  }
0x32: {  	[bflag:$0x0] =	sbarrier.arrive $0xFFFF  }
0x33: {  	[tilespmem:s2], [sflag:$0x3] =	stream.linear.gather [hbm4b:s17+s2], $0x1400, $0x38;
	[tilespmem:$0x1E400] =	vst v63  }
0x34: {  	_ =	swait.ge [sflag:s22], $0x1400  }
0x35: {  	[sflag:s22] =	ssyncset.done $0x0  }
0x36: {  	[sflag:s22] =	ssyncadd.s32 $0xFFFFEC00  }
0x37: {  	[tilespmem:s23], [sflag:$0x3] =	stream.linear.gather [hbm4b:s18+s2], $0x1400, $0x38;
	[tilespmem:$0x1E400] =	vst v63  }
0x38: {  	_ =	swait.ge [sflag:s22], $0x1400  }
0x39: {  	[sflag:s22] =	ssyncset.done $0x0  }
0x3a: {  	[sflag:s22] =	ssyncadd.s32 $0xFFFFEC00  }
0x3b: {  	[tilespmem:s21], [sflag:$0x1] =	stream.indirect.gather [hbm4b:s4+s24], $0x80, s2, s24, $0xb8;
	[tilespmem:$0x1E400] =	vst v63  }
0x3c: {  	s5 =	simm.s32 $0x80  }
0x3d: {  	[tilespmem:s25], [sflag:$0x2] =	stream.indirect.gather [hbm4b:s4+s24], $0x80, s5, s24, $0xb8;
	[tilespmem:$0x1E400] =	vst v63  }
0x3e: {  	_ =	swait.ge [sflag:s26], $0x4000  }
0x3f: {  	[sflag:s26] =	ssyncset.done $0x0  }
0x40: {  	s11 =	simm.s32 $0x1400;
	[sflag:s26] =	ssyncadd.s32 $0xFFFFC000  }
0x41: {  	[spmem:s1] =	stream.indirect.scatter.add.f32 [tilespmem:s21], [sflag:$0x3], $0x80, s11, s24, $0xb8;
	[tilespmem:$0x1E400] =	vst v63  }
0x42: {  	_ =	swait.ge [sflag:s22], $0x4000  }
0x43: {  	[sflag:s22] =	ssyncset.done $0x0  }
0x44: {  	s12 =	simm.s32 $0x100;
	[sflag:s22] =	ssyncadd.s32 $0xFFFFC000  }
0x45: {  	[tilespmem:s21], [sflag:$0x1] =	stream.indirect.gather [hbm4b:s4+s24], $0x80, s12, s24, $0xb8;
	[tilespmem:$0x1E400] =	vst v63  }
0x46: {  	_ =	swait.ge [sflag:s28], $0x4000  }
0x47: {  	[sflag:s28] =	ssyncset.done $0x0  }
0x48: {  	s13 =	simm.s32 $0x1480;
	[sflag:s28] =	ssyncadd.s32 $0xFFFFC000  }
0x49: {  	[spmem:s1] =	stream.indirect.scatter.add.f32 [tilespmem:s25], [sflag:$0x3], $0x80, s13, s24, $0xb8;
	[tilespmem:$0x1E400] =	vst v63  }
0x4a: {  	_ =	swait.ge [sflag:s22], $0x4000  }
0x4b: {  	s3 =	simm.s32 $0x100;
	s5 =	simm.s32 $0x800;
	[sflag:s22] =	ssyncset.done $0x0  }
.LBB2_2:
0x4c: {  	s11 =	sadd.s32 $0x80, s3  }
0x4d: {  	[sflag:s22] =	ssyncadd.s32 $0xFFFFC000;
	s12 =	smov.u32 s5;
	s13 =	sadd.s32 $0x400, s5  }
0x4e: {  	[tilespmem:s25], [sflag:$0x2] =	stream.indirect.gather [hbm4b:s4+s24], $0x80, s11, s24, $0xb8;
	[tilespmem:$0x1E400] =	vst v63  }
0x4f: {  	p0 =	sne.s32 s5, $0x4800;
	_ =	swait.ge [sflag:s26], $0x4000  }
0x50: {  	[sflag:s26] =	ssyncset.done $0x0  }
0x51: {  	s5 =	sadd.s32 $0x1400, s3;
	[sflag:s26] =	ssyncadd.s32 $0xFFFFC000  }
0x52: {  	[spmem:s1] =	stream.indirect.scatter.add.f32 [tilespmem:s21], [sflag:$0x3], $0x80, s5, s24, $0xb8;
	[tilespmem:$0x1E400] =	vst v63  }
0x53: {  	_ =	swait.ge [sflag:s22], $0x4000  }
0x54: {  	[sflag:s22] =	ssyncset.done $0x0  }
0x55: {  	s5 =	sadd.s32 $0x100, s3;
	[sflag:s22] =	ssyncadd.s32 $0xFFFFC000  }
0x56: {  	[tilespmem:s21], [sflag:$0x1] =	stream.indirect.gather [hbm4b:s4+s24], $0x80, s5, s24, $0xb8;
	[tilespmem:$0x1E400] =	vst v63  }
0x57: {  	_ =	swait.ge [sflag:s28], $0x4000  }
.Ltmp0:
0x58: {  	[sflag:s28] =	ssyncset.done $0x0;
	(pc) =	sbr.rel @p0 .LBB2_2-.Ltmp0, $4  }
0x59: {  	s3 =	sadd.s32 $0x1480, s3;
	[sflag:s28] =	ssyncadd.s32 $0xFFFFC000  }
0x5a: {  	[spmem:s1] =	stream.indirect.scatter.add.f32 [tilespmem:s25], [sflag:$0x3], $0x80, s3, s24, $0xb8;
	[tilespmem:$0x1E400] =	vst v63  }
0x5b: {  	_ =	swait.ge [sflag:s22], $0x4000  }
0x5c: {  	s5 =	smov.u32 s13;
	s3 =	sshra.s32 s12, $0x2;
	[sflag:s22] =	ssyncset.done $0x0  }
0x5d: {  	s5 =	sadd.s32 $0x80, s3;
	[sflag:s22] =	ssyncadd.s32 $0xFFFFC000  }
0x5e: {  	[tilespmem:s25], [sflag:$0x2] =	stream.indirect.gather [hbm4b:s4+s24], $0x80, s5, s24, $0xb8;
	[tilespmem:$0x1E400] =	vst v63  }
0x5f: {  	_ =	swait.ge [sflag:s26], $0x4000  }
0x60: {  	[sflag:s26] =	ssyncset.done $0x0  }
0x61: {  	s13 =	sadd.s32 $0x1400, s3;
	[sflag:s26] =	ssyncadd.s32 $0xFFFFC000  }
0x62: {  	[spmem:s1] =	stream.indirect.scatter.add.f32 [tilespmem:s21], [sflag:$0x3], $0x80, s13, s24, $0xb8;
	[tilespmem:$0x1E400] =	vst v63  }
0x63: {  	_ =	swait.ge [sflag:s22], $0x4000  }
0x64: {  	[sflag:s22] =	ssyncset.done $0x0  }
0x65: {  	s11 =	sadd.s32 $0x100, s3;
	[sflag:s22] =	ssyncadd.s32 $0xFFFFC000  }
0x66: {  	[tilespmem:s21], [sflag:$0x1] =	stream.indirect.gather [hbm4b:s4+s24], $0x80, s11, s24, $0xb8;
	[tilespmem:$0x1E400] =	vst v63  }
0x67: {  	_ =	swait.ge [sflag:s28], $0x4000  }
0x68: {  	[sflag:s28] =	ssyncset.done $0x0  }
0x69: {  	s12 =	sadd.s32 $0x1480, s3;
	[sflag:s28] =	ssyncadd.s32 $0xFFFFC000  }
0x6a: {  	[spmem:s1] =	stream.indirect.scatter.add.f32 [tilespmem:s25], [sflag:$0x3], $0x80, s12, s24, $0xb8;
	[tilespmem:$0x1E400] =	vst v63  }
0x6b: {  	_ =	swait.ge [sflag:s22], $0x4000  }
0x6c: {  	[sflag:s22] =	ssyncset.done $0x0  }
0x6d: {  	[sflag:s22] =	ssyncadd.s32 $0xFFFFC000  }
0x6e: {  	[tilespmem:s25], [sflag:$0x2] =	stream.indirect.gather [hbm4b:s4+s24], $0x80, s29, s24, $0xb8;
	[tilespmem:$0x1E400] =	vst v63  }
0x6f: {  	_ =	swait.ge [sflag:s26], $0x4000  }
0x70: {  	[sflag:s26] =	ssyncset.done $0x0  }
0x71: {  	[sflag:s26] =	ssyncadd.s32 $0xFFFFC000  }
0x72: {  	[spmem:s1] =	stream.indirect.scatter.add.f32 [tilespmem:s21], [sflag:$0x3], $0x80, s30, s24, $0xb8;
	[tilespmem:$0x1E400] =	vst v63  }
0x73: {  	_ =	swait.ge [sflag:s22], $0x4000  }
0x74: {  	[sflag:s22] =	ssyncset.done $0x0  }
0x75: {  	[sflag:s22] =	ssyncadd.s32 $0xFFFFC000  }
0x76: {  	_ =	swait.ge [sflag:s28], $0x4000  }
0x77: {  	[sflag:s28] =	ssyncset.done $0x0  }
0x78: {  	[sflag:s28] =	ssyncadd.s32 $0xFFFFC000  }
0x79: {  	[spmem:s1] =	stream.indirect.scatter.add.f32 [tilespmem:s25], [sflag:$0x3], $0x80, s31, s24, $0xb8;
	[tilespmem:$0x1E400] =	vst v63  }
0x7a: {  	_ =	swait.ge [sflag:s22], $0x4000  }
0x7b: {  	[sflag:s22] =	ssyncset.done $0x0  }
0x7c: {  	s13 =	simm.s32 $0x0;
	[sflag:s22] =	ssyncadd.s32 $0xFFFFC000  }
0x7d: {  	[tilespmem:s13], [sflag:$0x3] =	stream.linear.gather [hbm4b:s19+s13], $0x1400, $0x38;
	[tilespmem:$0x1E400] =	vst v63  }
0x7e: {  	_ =	swait.ge [sflag:s22], $0x1400  }
0x7f: {  	[sflag:s22] =	ssyncset.done $0x0  }
0x80: {  	[sflag:s22] =	ssyncadd.s32 $0xFFFFEC00  }
0x81: {  	[tilespmem:s23], [sflag:$0x3] =	stream.linear.gather [hbm4b:s20+s13], $0x1400, $0x38;
	[tilespmem:$0x1E400] =	vst v63  }
0x82: {  	_ =	swait.ge [sflag:s22], $0x1400  }
0x83: {  	[sflag:s22] =	ssyncset.done $0x0  }
0x84: {  	[sflag:s22] =	ssyncadd.s32 $0xFFFFEC00  }
0x85: {  	[tilespmem:s21], [sflag:$0x1] =	stream.indirect.gather [hbm4b:s4+s24], $0x80, s13, s24, $0xb8;
	[tilespmem:$0x1E400] =	vst v63  }
0x86: {  	s5 =	simm.s32 $0x80  }
0x87: {  	[tilespmem:s25], [sflag:$0x2] =	stream.indirect.gather [hbm4b:s4+s24], $0x80, s5, s24, $0xb8;
	[tilespmem:$0x1E400] =	vst v63  }
0x88: {  	_ =	swait.ge [sflag:s26], $0x4000  }
0x89: {  	[sflag:s26] =	ssyncset.done $0x0  }
0x8a: {  	s11 =	simm.s32 $0x1400;
	[sflag:s26] =	ssyncadd.s32 $0xFFFFC000  }
0x8b: {  	[spmem:s1] =	stream.indirect.scatter.add.f32 [tilespmem:s21], [sflag:$0x3], $0x80, s11, s24, $0xb8;
	[tilespmem:$0x1E400] =	vst v63  }
0x8c: {  	_ =	swait.ge [sflag:s22], $0x4000  }
0x8d: {  	[sflag:s22] =	ssyncset.done $0x0  }
0x8e: {  	s12 =	simm.s32 $0x100;
	[sflag:s22] =	ssyncadd.s32 $0xFFFFC000  }
0x8f: {  	[tilespmem:s21], [sflag:$0x1] =	stream.indirect.gather [hbm4b:s4+s24], $0x80, s12, s24, $0xb8;
	[tilespmem:$0x1E400] =	vst v63  }
0x90: {  	_ =	swait.ge [sflag:s28], $0x4000  }
0x91: {  	[sflag:s28] =	ssyncset.done $0x0  }
0x92: {  	s13 =	simm.s32 $0x1480;
	[sflag:s28] =	ssyncadd.s32 $0xFFFFC000  }
0x93: {  	[spmem:s1] =	stream.indirect.scatter.add.f32 [tilespmem:s25], [sflag:$0x3], $0x80, s13, s24, $0xb8;
	[tilespmem:$0x1E400] =	vst v63  }
0x94: {  	_ =	swait.ge [sflag:s22], $0x4000  }
0x95: {  	s3 =	simm.s32 $0x100;
	s5 =	simm.s32 $0x800;
	[sflag:s22] =	ssyncset.done $0x0  }
.LBB2_4:
0x96: {  	s11 =	sadd.s32 $0x80, s3  }
0x97: {  	[sflag:s22] =	ssyncadd.s32 $0xFFFFC000;
	s12 =	smov.u32 s5;
	s13 =	sadd.s32 $0x400, s5  }
0x98: {  	[tilespmem:s25], [sflag:$0x2] =	stream.indirect.gather [hbm4b:s4+s24], $0x80, s11, s24, $0xb8;
	[tilespmem:$0x1E400] =	vst v63  }
0x99: {  	p0 =	sne.s32 s5, $0x4800;
	_ =	swait.ge [sflag:s26], $0x4000  }
0x9a: {  	[sflag:s26] =	ssyncset.done $0x0  }
0x9b: {  	s5 =	sadd.s32 $0x1400, s3;
	[sflag:s26] =	ssyncadd.s32 $0xFFFFC000  }
0x9c: {  	[spmem:s1] =	stream.indirect.scatter.add.f32 [tilespmem:s21], [sflag:$0x3], $0x80, s5, s24, $0xb8;
	[tilespmem:$0x1E400] =	vst v63  }
0x9d: {  	_ =	swait.ge [sflag:s22], $0x4000  }
0x9e: {  	[sflag:s22] =	ssyncset.done $0x0  }
0x9f: {  	s5 =	sadd.s32 $0x100, s3;
	[sflag:s22] =	ssyncadd.s32 $0xFFFFC000  }
0xa0: {  	[tilespmem:s21], [sflag:$0x1] =	stream.indirect.gather [hbm4b:s4+s24], $0x80, s5, s24, $0xb8;
	[tilespmem:$0x1E400] =	vst v63  }
0xa1: {  	_ =	swait.ge [sflag:s28], $0x4000  }
.Ltmp1:
0xa2: {  	[sflag:s28] =	ssyncset.done $0x0;
	(pc) =	sbr.rel @p0 .LBB2_4-.Ltmp1, $4  }
0xa3: {  	s3 =	sadd.s32 $0x1480, s3;
	[sflag:s28] =	ssyncadd.s32 $0xFFFFC000  }
0xa4: {  	[spmem:s1] =	stream.indirect.scatter.add.f32 [tilespmem:s25], [sflag:$0x3], $0x80, s3, s24, $0xb8;
	[tilespmem:$0x1E400] =	vst v63  }
0xa5: {  	_ =	swait.ge [sflag:s22], $0x4000  }
0xa6: {  	s5 =	smov.u32 s13;
	s3 =	sshra.s32 s12, $0x2;
	[sflag:s22] =	ssyncset.done $0x0  }
0xa7: {  	s5 =	sadd.s32 $0x80, s3;
	[sflag:s22] =	ssyncadd.s32 $0xFFFFC000  }
0xa8: {  	[tilespmem:s25], [sflag:$0x2] =	stream.indirect.gather [hbm4b:s4+s24], $0x80, s5, s24, $0xb8;
	[tilespmem:$0x1E400] =	vst v63  }
0xa9: {  	_ =	swait.ge [sflag:s26], $0x4000  }
0xaa: {  	[sflag:s26] =	ssyncset.done $0x0  }
0xab: {  	s12 =	sadd.s32 $0x1400, s3;
	[sflag:s26] =	ssyncadd.s32 $0xFFFFC000  }
0xac: {  	[spmem:s1] =	stream.indirect.scatter.add.f32 [tilespmem:s21], [sflag:$0x3], $0x80, s12, s24, $0xb8;
	[tilespmem:$0x1E400] =	vst v63  }
0xad: {  	_ =	swait.ge [sflag:s22], $0x4000  }
0xae: {  	[sflag:s22] =	ssyncset.done $0x0  }
0xaf: {  	s13 =	sadd.s32 $0x100, s3;
	[sflag:s22] =	ssyncadd.s32 $0xFFFFC000  }
0xb0: {  	[tilespmem:s21], [sflag:$0x1] =	stream.indirect.gather [hbm4b:s4+s24], $0x80, s13, s24, $0xb8;
	[tilespmem:$0x1E400] =	vst v63  }
0xb1: {  	_ =	swait.ge [sflag:s28], $0x4000  }
0xb2: {  	[sflag:s28] =	ssyncset.done $0x0  }
0xb3: {  	s5 =	sadd.s32 $0x1480, s3;
	[sflag:s28] =	ssyncadd.s32 $0xFFFFC000  }
0xb4: {  	[spmem:s1] =	stream.indirect.scatter.add.f32 [tilespmem:s25], [sflag:$0x3], $0x80, s5, s24, $0xb8;
	[tilespmem:$0x1E400] =	vst v63  }
0xb5: {  	_ =	swait.ge [sflag:s22], $0x4000  }
0xb6: {  	[sflag:s22] =	ssyncset.done $0x0  }
0xb7: {  	[sflag:s22] =	ssyncadd.s32 $0xFFFFC000  }
0xb8: {  	[tilespmem:s25], [sflag:$0x2] =	stream.indirect.gather [hbm4b:s4+s24], $0x80, s29, s24, $0xb8;
	[tilespmem:$0x1E400] =	vst v63  }
0xb9: {  	_ =	swait.ge [sflag:s26], $0x4000  }
0xba: {  	[sflag:s26] =	ssyncset.done $0x0  }
0xbb: {  	[sflag:s26] =	ssyncadd.s32 $0xFFFFC000  }
0xbc: {  	[spmem:s1] =	stream.indirect.scatter.add.f32 [tilespmem:s21], [sflag:$0x3], $0x80, s30, s24, $0xb8;
	[tilespmem:$0x1E400] =	vst v63  }
0xbd: {  	_ =	swait.ge [sflag:s22], $0x4000  }
0xbe: {  	[sflag:s22] =	ssyncset.done $0x0  }
0xbf: {  	[sflag:s22] =	ssyncadd.s32 $0xFFFFC000  }
0xc0: {  	_ =	swait.ge [sflag:s28], $0x4000  }
0xc1: {  	[sflag:s28] =	ssyncset.done $0x0  }
0xc2: {  	[sflag:s28] =	ssyncadd.s32 $0xFFFFC000  }
0xc3: {  	[spmem:s1] =	stream.indirect.scatter.add.f32 [tilespmem:s25], [sflag:$0x3], $0x80, s31, s24, $0xb8;
	[tilespmem:$0x1E400] =	vst v63  }
0xc4: {  	_ =	swait.ge [sflag:s22], $0x4000  }
0xc5: {  	[sflag:s22] =	ssyncset.done $0x0  }
0xc6: {  	[sflag:s22] =	ssyncadd.s32 $0xFFFFC000  }
0xc7: {  	[bflag:$0x0] =	sbarrier.arrive $0xFFFF  }
0xc8: {  	[tilespmem:s21], [sflag:$0x3] =	stream.linear.gather [spmem:s6], $0x4000, $0x38;
	[tilespmem:$0x1E400] =	vst v63  }
0xc9: {  	_ =	swait.ge [sflag:s22], $0x4000  }
0xca: {  	[sflag:s22] =	ssyncset.done $0x0  }
0xcb: {  	s11 =	rddreg [dreg:$0x4];
	[sflag:s22] =	ssyncadd.s32 $0xFFFFC000  }
0xcc: {  	[hbm4b:s11+s2] =	stream.linear.scatter [tilespmem:s21], [sflag:$0x3], $0x4000, $0x38;
	[tilespmem:$0x1E400] =	vst v63  }
0xcd: {  	_ =	swait.ge [sflag:s22], $0x4000  }
0xce: {  	[sflag:s22] =	ssyncset.done $0x0  }
0xcf: {  	[sflag:s22] =	ssyncadd.s32 $0xFFFFC000  }
0xd0: {  	[tilespmem:s21], [sflag:$0x3] =	stream.linear.gather [spmem:s7], $0x4000, $0x38;
	[tilespmem:$0x1E400] =	vst v63  }
0xd1: {  	_ =	swait.ge [sflag:s22], $0x4000  }
0xd2: {  	[sflag:s22] =	ssyncset.done $0x0  }
0xd3: {  	s12 =	rddreg [dreg:$0x5];
	[sflag:s22] =	ssyncadd.s32 $0xFFFFC000  }
0xd4: {  	[hbm4b:s12+s2] =	stream.linear.scatter [tilespmem:s21], [sflag:$0x3], $0x4000, $0x38;
	[tilespmem:$0x1E400] =	vst v63  }
0xd5: {  	_ =	swait.ge [sflag:s22], $0x4000  }
0xd6: {  	[sflag:s22] =	ssyncset.done $0x0  }
0xd7: {  	[sflag:s22] =	ssyncadd.s32 $0xFFFFC000  }
0xd8: {  	[tilespmem:s21], [sflag:$0x3] =	stream.linear.gather [spmem:s8], $0x4000, $0x38;
	[tilespmem:$0x1E400] =	vst v63  }
0xd9: {  	_ =	swait.ge [sflag:s22], $0x4000  }
0xda: {  	[sflag:s22] =	ssyncset.done $0x0  }
0xdb: {  	s13 =	rddreg [dreg:$0x6];
	[sflag:s22] =	ssyncadd.s32 $0xFFFFC000  }
0xdc: {  	[hbm4b:s13+s2] =	stream.linear.scatter [tilespmem:s21], [sflag:$0x3], $0x4000, $0x38;
	[tilespmem:$0x1E400] =	vst v63  }
0xdd: {  	_ =	swait.ge [sflag:s22], $0x4000  }
0xde: {  	[sflag:s22] =	ssyncset.done $0x0  }
0xdf: {  	[sflag:s22] =	ssyncadd.s32 $0xFFFFC000  }
0xe0: {  	[tilespmem:s21], [sflag:$0x3] =	stream.linear.gather [spmem:s9], $0x4000, $0x38;
	[tilespmem:$0x1E400] =	vst v63  }
0xe1: {  	_ =	swait.ge [sflag:s22], $0x4000  }
0xe2: {  	[sflag:s22] =	ssyncset.done $0x0  }
0xe3: {  	[sflag:s22] =	ssyncadd.s32 $0xFFFFC000  }
0xe4: {  	[hbm4b:s14+s2] =	stream.linear.scatter [tilespmem:s21], [sflag:$0x3], $0x4000, $0x38;
	[tilespmem:$0x1E400] =	vst v63  }
0xe5: {  	_ =	swait.ge [sflag:s22], $0x4000  }
0xe6: {  	[sflag:s22] =	ssyncset.done $0x0  }
0xe7: {  	[sflag:s22] =	ssyncadd.s32 $0xFFFFC000  }
0xe8: {  	[tilespmem:s21], [sflag:$0x3] =	stream.linear.gather [spmem:s10], $0x3C00, $0x38;
	[tilespmem:$0x1E400] =	vst v63  }
0xe9: {  	s0 =	sadd.s32 $0x1, s0;
	_ =	swait.ge [sflag:s22], $0x3C00  }
0xea: {  	p0 =	sne.s32 s0, s16;
	[sflag:s22] =	ssyncset.done $0x0  }
.Ltmp2:
0xeb: {  	[sflag:s22] =	ssyncadd.s32 $0xFFFFC400;
	(pc) =	sbr.rel @p0 .LBB2_1-.Ltmp2, $4  }
0xec: {  	[hbm4b:s15+s2] =	stream.linear.scatter [tilespmem:s21], [sflag:$0x3], $0x3C00, $0x38;
	[tilespmem:$0x1E400] =	vst v63  }
0xed: {  	_ =	swait.ge [sflag:s22], $0x3C00  }
0xee: {  	[sflag:s22] =	ssyncset.done $0x0  }
0xef: {  	[sflag:s22] =	ssyncadd.s32 $0xFFFFC400  }
0xf0: {  	_ =	sfence.sel $0x180000  }
0xf1: {  	[bflag:$0x0] =	sbarrier.arrive $0xFFFF  }
0xf2: {  	_ =	strace $0x9000004D  }
0xf3: {  	s0 =	stileid.u32;
	[bflag:$0x2] =	sbarrier.arrive $0xFFFF  }
0xf4: {  	p0 =	sne.s32 s0, $0x0;
	s0 =	rddreg [dreg:$0x2]  }
0xf5: {  	s0 =	sadd.s32 @!p0 $0x100000, s0  }
0xf6: {  	[sflag:s0] =	ssyncadd.tile.s32 @!p0 $0x1;
	_ =	shalt  }
.Lfunc_end2:
_tile_overlayer_lowered:
.L_overlay_start_2:
0xf7: {  	(tag) =	ssettag $0x2  }
0xf8: {  	s0 =	rddreg [dreg:$0x0];
	s2 =	stileid.u32  }
0xf9: {  	s1 =	rddreg [dreg:$0x1];
	p0 =	sne.s32 s2, $0x0  }
0xfa: {  	s3 =	rddreg [dreg:$0x2];
	[bflag:$0x3] =	sbarrier.arrive $0xFFFF;
	s2 =	simm.s32 @!p0 $0x1C03  }
0xfb: {  	[timem:s3], [sflag:s2] =	dma.local @!p0 [hbm:s0], s1  }
0xfc: {  	s0 =	simm.s32 @!p0 $0x3  }
0xfd: {  	_ =	swait.ge @!p0 [sflag:s0], s1  }
0xfe: {  	s1 =	ssub.s32 @!p0 $0x0, s1;
	[sflag:s0] =	ssyncset.done @!p0 $0x0  }
0xff: {  	[sflag:s0] =	ssyncadd.s32 @!p0 s1  }
0x100: {  	[bflag:$0x3] =	sbarrier.arrive $0xFFFF  }
0x101: {  	_ =	shalt  }

// kernel: kernel.8.cloned.1.call-start
scs
__scs_entry_jumppad:
0x0: {  	(pc) =	sbr.rel $0x88, $3  }
0x1: {  	(tag) =	ssettag $0x0;
	lr =	simm.s32 $0x1  }
0x2: {  	[smem:$0x3F9B] =	sst lr;
	_ =	strace $0xD0000000  }
0x3: {  	_ = 	snop  }
0x4: {  	_ = 	snop  }
0x5: {  	_ = 	snop  }
0x6: {  	_ = 	snop  }
0x7: {  	_ = 	snop  }
__scs_overlays_trampoline_lowered:
0x8: {  	[smem:$0x3FAA] =	sst s0  }
0x9: {  	[smem:$0x3FAB] =	sst s1  }
0xa: {  	[smem:$0x3FAC] =	sst s2  }
0xb: {  	[smem:$0x3FAD] =	sst s3  }
0xc: {  	[smem:$0x3FAE] =	sst s4  }
0xd: {  	[smem:$0x3FAF] =	sst s5  }
0xe: {  	[smem:$0x3FB0] =	sst s6  }
0xf: {  	[smem:$0x3FB1] =	sst s7  }
0x10: {  	[smem:$0x3FB2] =	sst s8  }
0x11: {  	[smem:$0x3FB3] =	sst s9;
	s0 =	simm.s32 @!p0 $0x0  }
0x12: {  	s1 =	sld [smem:$0x3F99];
	s0 =	simm.s32 @p0 $0x1  }
0x13: {  	[smem:$0x3FB4] =	sst s0;
	s0 =	simm.s32 @!p1 $0x0  }
0x14: {  	s2 =	sld [smem:$0x3F98];
	s0 =	simm.s32 @p1 $0x1  }
0x15: {  	[smem:$0x3FB5] =	sst s0;
	s0 =	simm.s32 @!p2 $0x0  }
0x16: {  	s3 =	sld [smem:$0x3FDB];
	s0 =	simm.s32 @p2 $0x1  }
0x17: {  	s4 =	simm.s32 $0x1BF5;
	[smem:$0x3FB7] =	sst s0  }
0x18: {  	s0 =	sld [smem:$0x3F9A];
	_ =	swait.ge [sflag:s4], $0x0  }
0x19: {  	s7 =	sld [smem:$0x3F9B]  }
0x1a: {  	s8 =	sadd.s32 $0xFFFFE003, lr  }
0x1b: {  	s9 =	sadd.s32 $0xFFFFFEF7, lr;
	s5 =	simm.s32 $0xFFFFFFFF;
	p2 =	slt.u32 s8, $0xFFFFF086  }
0x1c: {  	p1 =	slt.u32 s9, $0xF7A;
	s5 =	simm.s32 @!p2 $0x0  }
0x1d: {  	s5 =	simm.s32 @p1 $0x1;
	p0 =	seq.s32 s7, s2  }
0x1e: {  	s7 =	smul.u32 @!p0 $0xF7A, s2;
	p2 =	seq.s32 @!p0 s5, $0x0  }
0x1f: {  	s9 =	smul.u32 $0xF7A, s1;
	s8 =	simm.s32 @!p0 $0x1BF5;
	p2 =	por !p2, p0  }
0x20: {  	[sflag:s8] =	ssyncset.s32 @!p0 $0xFFFFF086;
	s6 =	sadd.s32 @!p0 s3, s7;
	s7 =	simm.s32 @!p0 $0x108  }
0x21: {  	s3 =	sadd.s32 s3, s9;
	s6 =	sadd.s32 @!p0 $0x88, s6;
	s7 =	simm.s32 @p2 $0x1082  }
0x22: {  	[simem:s7], [sflag:s8] =	dma.local @!p0 [hbm:s6], $0xF7A  }
0x23: {  	s9 =	sor.u32 $0xD0000000, s2;
	s6 =	simm.s32 $0x108;
	_ =	swait.ge @!p0 [sflag:s8], $0x0  }
0x24: {  	s3 =	sadd.s32 $0x88, s3;
	s6 =	simm.s32 @!p1 $0x1082;
	[sflag:s4] =	ssyncset.s32 $0xFFFFF086  }
0x25: {  	[simem:s6], [sflag:s4] =	dma.local [hbm:s3], $0xF7A  }
0x26: {  	[smem:$0x3F9B] =	sst s1;
	(tag) =	ssettag s2;
	_ =	strace s9  }
0x27: {  	s1 =	sld [smem:$0x3FAB]  }
0x28: {  	s2 =	sld [smem:$0x3FAC]  }
0x29: {  	s4 =	sld [smem:$0x3FAE]  }
0x2a: {  	p0 =	seq.s32 s5, $0x0;
	s5 =	sld [smem:$0x3FAF]  }
0x2b: {  	s6 =	sld [smem:$0x3FB0]  }
0x2c: {  	s7 =	sld [smem:$0x3FB1]  }
0x2d: {  	s3 =	simm.s32 $0x108;
	s8 =	sld [smem:$0x3FB2]  }
0x2e: {  	s3 =	simm.s32 @!p0 $0x1082;
	s9 =	sld [smem:$0x3FB3]  }
0x2f: {  	lr =	sadd.s32 s0, s3;
	s0 =	sld [smem:$0x3FAA]  }
0x30: {  	s3 =	sld [smem:$0x3FAD]  }
0x31: {  	[smem:$0x3FB6] =	sst s10  }
0x32: {  	s10 =	sld [smem:$0x3FB4];
	_ =	sdelay $0x3  }
0x33: {  	p0 =	seq.s32 s10, $0x1;
	s10 =	sld [smem:$0x3FB6];
	_ =	sdelay $0x3  }
0x34: {  	[smem:$0x3FB6] =	sst s10  }
0x35: {  	s10 =	sld [smem:$0x3FB5];
	_ =	sdelay $0x3  }
0x36: {  	p1 =	seq.s32 s10, $0x1;
	s10 =	sld [smem:$0x3FB6];
	_ =	sdelay $0x3  }
0x37: {  	[smem:$0x3FB6] =	sst s10  }
0x38: {  	s10 =	sld [smem:$0x3FB7]  }
0x39: {  	_ = 	snop;
	(pc) =	sbr.ind lr, $3  }
0x3a: {  	_ = 	snop  }
0x3b: {  	_ = 	snop  }
0x3c: {  	p2 =	seq.s32 s10, $0x1;
	s10 =	sld [smem:$0x3FB6]  }
0x3d: {  	_ =	shalt  }
0x3e: {  	_ =	shalt  }
0x3f: {  	_ =	shalt  }
0x40: {  	_ =	shalt  }
0x41: {  	_ =	shalt  }
0x42: {  	_ =	shalt  }
0x43: {  	_ =	shalt  }
0x44: {  	_ =	shalt  }
0x45: {  	_ =	shalt  }
0x46: {  	_ =	shalt  }
0x47: {  	_ =	shalt  }
0x48: {  	_ =	shalt  }
0x49: {  	_ =	shalt  }
0x4a: {  	_ =	shalt  }
0x4b: {  	_ =	shalt  }
0x4c: {  	_ =	shalt  }
0x4d: {  	_ =	shalt  }
0x4e: {  	_ =	shalt  }
0x4f: {  	_ =	shalt  }
0x50: {  	_ =	shalt  }
0x51: {  	_ =	shalt  }
0x52: {  	_ =	shalt  }
0x53: {  	_ =	shalt  }
0x54: {  	_ =	shalt  }
0x55: {  	_ =	shalt  }
0x56: {  	_ =	shalt  }
0x57: {  	_ =	shalt  }
0x58: {  	_ =	shalt  }
0x59: {  	_ =	shalt  }
0x5a: {  	_ =	shalt  }
0x5b: {  	_ =	shalt  }
0x5c: {  	_ =	shalt  }
0x5d: {  	_ =	shalt  }
0x5e: {  	_ =	shalt  }
0x5f: {  	_ =	shalt  }
0x60: {  	_ =	shalt  }
0x61: {  	_ =	shalt  }
0x62: {  	_ =	shalt  }
0x63: {  	_ =	shalt  }
0x64: {  	_ =	shalt  }
0x65: {  	_ =	shalt  }
0x66: {  	_ =	shalt  }
0x67: {  	_ =	shalt  }
0x68: {  	_ =	shalt  }
0x69: {  	_ =	shalt  }
0x6a: {  	_ =	shalt  }
0x6b: {  	_ =	shalt  }
0x6c: {  	_ =	shalt  }
0x6d: {  	_ =	shalt  }
0x6e: {  	_ =	shalt  }
0x6f: {  	_ =	shalt  }
0x70: {  	_ =	shalt  }
0x71: {  	_ =	shalt  }
0x72: {  	_ =	shalt  }
0x73: {  	_ =	shalt  }
0x74: {  	_ =	shalt  }
0x75: {  	_ =	shalt  }
0x76: {  	_ =	shalt  }
0x77: {  	_ =	shalt  }
0x78: {  	_ =	shalt  }
0x79: {  	_ =	shalt  }
0x7a: {  	_ =	shalt  }
0x7b: {  	_ =	shalt  }
0x7c: {  	_ =	shalt  }
0x7d: {  	_ =	shalt  }
0x7e: {  	_ =	shalt  }
0x7f: {  	_ =	shalt  }
0x80: {  	_ =	shalt  }
0x81: {  	_ =	shalt  }
0x82: {  	_ =	shalt  }
0x83: {  	_ =	shalt  }
0x84: {  	_ =	shalt  }
0x85: {  	_ =	shalt  }
0x86: {  	_ =	shalt  }
0x87: {  	_ =	shalt  }
.Lfunc_end0:
.L_simem_size_0:
called_computation_lowered:
.L_overlay_start_0:
0x88: {  	s2 =	sld [smem:$0x3FD9]  }
0x89: {  	s3 =	sld [smem:$0x3FFE];
	_ =	sdelay $0x1  }
0x8a: {  	s1 =	srdreg.scid  }
0x8b: {  	s0 =	sand.u32 $0x1, s1  }
0x8c: {  	s17 =	sshll.u32 s0, $0xA;
	s2 =	sadd.s32 s3, s2  }
0x8d: {  	s2 =	sadd.s32 s2, s17  }
0x8e: {  	[smem:$0x3FC2] =	sst s2  }
0x8f: {  	_ = 	snop  }
0x90: {  	s2 =	sld [smem:$0x3FD0];
	(tm) =	ssettm $0x1  }
0x91: {  	s18 =	sld [smem:$0x3FFB];
	_ =	sdelay $0x3  }
0x92: {  	_ =	strace s18  }
0x93: {  	s3 =	sld [smem:$0x3FFC];
	_ =	sdelay $0x3  }
0x94: {  	_ =	strace s3  }
0x95: {  	s3 =	sld [smem:$0x3FFD];
	_ =	sdelay $0x3  }
0x96: {  	_ =	strace s3  }
0x97: {  	_ =	strace $0x8FFFFFFF  }
0x98: {  	s19 =	sld [smem:$0x3FDB];
	_ =	sdelay $0x1  }
0x99: {  	s4 =	simm.s32 $_scs_section_size  }
0x9a: {  	s5 =	simm.s32 $_size__tile_overlayer_lowered;
	s6 =	simm.s32 $_tile_overlayer_lowered  }
0x9b: {  	s22 =	simm.s32 $0x1BFF;
	s21 =	sshll.u32 s6, $0x1;
	s3 =	sadd.s32 s4, s19  }
0x9c: {  	s7 =	simm.s32 $0x0;
	s20 =	sshll.u32 s5, $0x1;
	s5 =	sadd.s32 s21, s3  }
0x9d: {  	[timem:s7], [sflag:s22] =	dma.local [hbm:s5], s20  }
0x9e: {  	_ =	swait.ge [sflag:s22], s20  }
0x9f: {  	s4 =	ssub.s32 $0x0, s20;
	[sflag:s22] =	ssyncset.done $0x0  }
0xa0: {  	[sflag:s22] =	ssyncadd.s32 s4;
	_ =	sdelay $0x1  }
0xa1: {  	s23 =	simm.s32 $0x1B8B  }
0xa2: {  	_ =	swait.ge [sflag:s23], $0x1  }
0xa3: {  	[sflag:s23] =	ssyncset.done $0x0  }
0xa4: {  	s25 =	simm.s32 $0x1B8E;
	s24 =	sld [smem:$0x3FFE];
	[sflag:s23] =	ssyncadd.s32 $0xFFFFFFFF  }
0xa5: {  	s26 =	simm.s32 $execute0_lowered;
	[smem:$0x3FD2] =	sst s25  }
0xa6: {  	s5 =	sshll.u32 s26, $0x1;
	_ =	strace $0x80000046;
	[dreg:$0x1] =	wrdreg $0xFFFFFFFF  }
0xa7: {  	s28 =	simm.s32 $_size_execute0_lowered;
	s3 =	sadd.s32 s3, s5;
	[dreg:$0x0] =	wrdreg $0x0  }
0xa8: {  	s5 =	sshll.u32 s28, $0x1;
	[dreg:$0x2] =	wrdreg s3  }
0xa9: {  	[dreg:$0x3] =	wrdreg s5  }
0xaa: {  	[dreg:$0x4] =	wrdreg $0xC0  }
0xab: {  	_ =	task [dreg:s7], $0x5FFFF  }
0xac: {  	[dreg:$0x1] =	wrdreg $0xFFFFFFFF  }
0xad: {  	[dreg:$0x0] =	wrdreg $0x60  }
0xae: {  	[dreg:$0x2] =	wrdreg s24  }
0xaf: {  	[dreg:$0x3] =	wrdreg s2  }
0xb0: {  	[dreg:$0x4] =	wrdreg $0x90000  }
0xb1: {  	[dreg:$0x5] =	wrdreg $0x9  }
0xb2: {  	_ =	task.clear_ibuf [dreg:s7], $0x6FFFF;
	_ =	strace $0x90000046  }
0xb3: {  	s29 =	simm.s32 $0x9;
	_ =	strace $0x80000048  }
0xb4: {  	_ =	swait.ge [sflag:s29], $0x1  }
0xb5: {  	[sflag:s29] =	ssyncadd.s32 $0xFFFFFFFF  }
0xb6: {  	_ =	strace $0x90000048  }
0xb7: {  	_ =	sfence  }
0xb8: {  	s30 =	sld [smem:$0x0];
	_ =	sdelay $0x2  }
0xb9: {  	s31 =	sshll.u32 s1, $0xD;
	s1 =	sshrl.u32 s1, $0x2  }
0xba: {  	s3 =	sand.u32 $0x4000, s31;
	s1 =	sadd.s32 s1, s30  }
0xbb: {  	s0 =	sor.u32 s3, s0;
	s1 =	sshll.u32 s1, $0x11  }
0xbc: {  	s0 =	sor.u32 s1, s0  }
0xbd: {  	s0 =	sadd.s32 $0x8F2B, s0  }
0xbe: {  	[sflag:s0] =	ssyncadd.remote.s32 $0x1  }
0xbf: {  	_ =	sfence.sel $0xFFFF  }
0xc0: {  	[dreg:$0x0] =	wrdreg $0xFFFFFFFF;
	(pc) =	sbr.abs _section_cstart, $3  }
0xc1: {  	[dreg:$0x1] =	wrdreg $0xFFFFFFFF  }
0xc2: {  	_ =	task.clear_ibuf [dreg:s7], $0x2FFFF;
	_ =	strace $0x9FFFFFFF  }
0xc3: {  	(tm) =	ssettm $0x7FFFFFFF  }
tec
execute0_lowered:
.L_overlay_start_1:
0x0: {  	(tag) =	ssettag $0x1  }
0x1: {  	s6 =	rddreg [dreg:$0x0]  }
0x2: {  	s11 =	rddreg [dreg:$0x1]  }
0x3: {  	s1 =	rddreg [dreg:$0x2]  }
0x4: {  	s0 =	rddreg [dreg:$0x3];
	s3 =	simm.s32 $0x0;
	s4 =	srdreg.scid  }
0x5: {  	s2 =	stileid.u32;
	s22 =	simm.s32 $0x180;
	s23 =	simm.s32 $0x1  }
0x6: {  	s24 =	simm.s32 $0x0;
	[smem:$0x7FF] =	sst s3;
	s9 =	smul.u32 $0x4F000, s2  }
0x7: {  	s8 =	sand.u32 $0x1, s4;
	s4 =	sadd.s32 $0x16A00, s6;
	s12 =	smul.u32 $0x13C00, s2  }
0x8: {  	s5 =	sadd.s32 $0x17200, s6;
	s16 =	sadd.s32 $0x17A00, s6;
	s15 =	smul.u32 $0x5000, s2  }
0x9: {  	_ =	strace $0x80000047;
	s7 =	ssub.s32 $0x2, s8;
	s14 =	smul.u32 $0x50000, s8  }
0xa: {  	s20 =	smul.u32 $0x13C000, s8;
	s10 =	sshrl.u32 s7, $0x1;
	s28 =	sshrl.u32 s9, $0x2  }
0xb: {  	s13 =	sadd.s32 $0x4000, s12;
	s18 =	sadd.s32 $0x8000, s12;
	s19 =	sadd.s32 $0xC000, s12  }
0xc: {  	s21 =	sadd.s32 $0x10000, s12;
	s17 =	ssub.s32 s7, s10;
	s6 =	sadd.s32 s28, s1  }
0xd: {  	s7 =	sadd.s32 s13, s1;
	s8 =	sadd.s32 s18, s1;
	s9 =	sadd.s32 s19, s1  }
0xe: {  	s10 =	sadd.s32 s21, s1;
	s14 =	sadd.s32 s15, s14;
	s12 =	sadd.s32 s12, s20  }
0xf: {  	s13 =	sadd.s32 s20, s13;
	s29 =	sadd.s32 s20, s18;
	s30 =	sadd.s32 s20, s19  }
0x10: {  	s31 =	sadd.s32 s20, s21;
	s19 =	simm.s32 $0x2;
	s20 =	simm.s32 $0x80  }
0x11: {  	s21 =	simm.s32 $0x100;
	s14 =	sshrl.u32 s14, $0x3;
	s12 =	sshrl.u32 s12, $0x3  }
0x12: {  	s13 =	sshrl.u32 s13, $0x3;
	s15 =	sshrl.u32 s30, $0x3;
	s18 =	sshrl.u32 s31, $0x3  }
0x13: {  	s17 =	smax.u32 s17, $0x1;
	s11 =	sadd.s32 s11, s14;
	s12 =	sadd.s32 s16, s12  }
0x14: {  	s13 =	sadd.s32 s16, s13;
	s14 =	sshrl.u32 s29, $0x3;
	s15 =	sadd.s32 s16, s15  }
0x15: {  	s14 =	sadd.s32 s16, s14;
	s16 =	sadd.s32 s16, s18;
	s18 =	simm.s32 $0x5000  }
.LBB2_1:
0x16: {  	[tilespmem:s18], [sflag:$0x2] =	stream.linear.gather [hbm4b:s4+s3], $0x4000, $0x38;
	[tilespmem:$0x1CC00] =	vst v63  }
0x17: {  	_ =	swait.ge [sflag:s19], $0x4000  }
0x18: {  	[sflag:s19] =	ssyncset.done $0x0  }
0x19: {  	[sflag:s19] =	ssyncadd.s32 $0xFFFFC000  }
0x1a: {  	[spmem:s6] =	stream.linear.scatter [tilespmem:s18], [sflag:$0x2], $0x4000, $0x38;
	[tilespmem:$0x1CC00] =	vst v63  }
0x1b: {  	_ =	swait.ge [sflag:s19], $0x4000  }
0x1c: {  	[sflag:s19] =	ssyncset.done $0x0  }
0x1d: {  	[sflag:s19] =	ssyncadd.s32 $0xFFFFC000  }
0x1e: {  	[spmem:s7] =	stream.linear.scatter [tilespmem:s18], [sflag:$0x2], $0x4000, $0x38;
	[tilespmem:$0x1CC00] =	vst v63  }
0x1f: {  	_ =	swait.ge [sflag:s19], $0x4000  }
0x20: {  	[sflag:s19] =	ssyncset.done $0x0  }
0x21: {  	[sflag:s19] =	ssyncadd.s32 $0xFFFFC000  }
0x22: {  	[spmem:s8] =	stream.linear.scatter [tilespmem:s18], [sflag:$0x2], $0x4000, $0x38;
	[tilespmem:$0x1CC00] =	vst v63  }
0x23: {  	_ =	swait.ge [sflag:s19], $0x4000  }
0x24: {  	[sflag:s19] =	ssyncset.done $0x0  }
0x25: {  	[sflag:s19] =	ssyncadd.s32 $0xFFFFC000  }
0x26: {  	[spmem:s9] =	stream.linear.scatter [tilespmem:s18], [sflag:$0x2], $0x4000, $0x38;
	[tilespmem:$0x1CC00] =	vst v63  }
0x27: {  	_ =	swait.ge [sflag:s19], $0x4000  }
0x28: {  	[sflag:s19] =	ssyncset.done $0x0  }
0x29: {  	[sflag:s19] =	ssyncadd.s32 $0xFFFFC000  }
0x2a: {  	[spmem:s10] =	stream.linear.scatter [tilespmem:s18], [sflag:$0x2], $0x3C00, $0x38;
	[tilespmem:$0x1CC00] =	vst v63  }
0x2b: {  	_ =	swait.ge [sflag:s19], $0x3C00  }
0x2c: {  	[sflag:s19] =	ssyncset.done $0x0  }
0x2d: {  	[sflag:s19] =	ssyncadd.s32 $0xFFFFC400  }
0x2e: {  	[tilespmem:s3], [sflag:$0x2] =	stream.linear.gather [hbm4b:s11+s3], $0x5000, $0x38;
	[tilespmem:$0x1CC00] =	vst v63  }
0x2f: {  	_ =	swait.ge [sflag:s19], $0x5000  }
0x30: {  	[sflag:s19] =	ssyncset.done $0x0  }
0x31: {  	[sflag:s19] =	ssyncadd.s32 $0xFFFFB000  }
0x32: {  	[tilespmem:s18], [sflag:$0x2] =	stream.linear.gather [hbm4b:s5+s3], $0x4000, $0x38;
	[tilespmem:$0x1CC00] =	vst v63  }
0x33: {  	_ =	swait.ge [sflag:s19], $0x4000  }
0x34: {  	[sflag:s19] =	ssyncset.done $0x0  }
0x35: {  	[sflag:s19] =	ssyncadd.s32 $0xFFFFC000  }
0x36: {  	[bflag:$0x0] =	sbarrier.arrive $0xFFFF  }
0x37: {  	[spmem:s1] =	stream.indirect.scatter.add.f32 [tilespmem:s18], [sflag:$0x1], $0x80, s3, s20, $0xb8;
	[tilespmem:$0x1CC00] =	vst v63  }
0x38: {  	_ = 	snop  }
0x39: {  	[spmem:s1] =	stream.indirect.scatter.add.f32 [tilespmem:s18], [sflag:$0x1], $0x80, s20, s20, $0xb8;
	[tilespmem:$0x1CC00] =	vst v63  }
0x3a: {  	_ = 	snop  }
0x3b: {  	[spmem:s1] =	stream.indirect.scatter.add.f32 [tilespmem:s18], [sflag:$0x1], $0x80, s21, s20, $0xb8;
	[tilespmem:$0x1CC00] =	vst v63  }
0x3c: {  	_ = 	snop  }
0x3d: {  	[spmem:s1] =	stream.indirect.scatter.add.f32 [tilespmem:s18], [sflag:$0x1], $0x80, s22, s20, $0xb8;
	[tilespmem:$0x1CC00] =	vst v63  }
0x3e: {  	_ =	swait.ge [sflag:s23], $0x4000  }
0x3f: {  	[sflag:s23] =	ssyncset.done $0x0  }
0x40: {  	s25 =	simm.s32 $0xA00;
	s26 =	simm.s32 $0x200;
	[sflag:s23] =	ssyncadd.s32 $0xFFFFC000  }
.LBB2_2:
0x41: {  	[spmem:s1] =	stream.indirect.scatter.add.f32 [tilespmem:s18], [sflag:$0x1], $0x80, s26, s20, $0xb8;
	[tilespmem:$0x1CC00] =	vst v63  }
0x42: {  	s26 =	smov.u32 s25;
	p0 =	sne.s32 s25, $0x13E00  }
.Ltmp0:
0x43: {  	s25 =	sadd.s32 $0x200, s25;
	(pc) =	sbr.rel @p0 .LBB2_2-.Ltmp0, $4  }
0x44: {  	_ = 	snop  }
0x45: {  	_ =	swait.ge [sflag:s23], $0x4000  }
0x46: {  	[sflag:s23] =	ssyncset.done $0x0  }
0x47: {  	s26 =	sshra.s32 s26, $0x2;
	[sflag:s23] =	ssyncadd.s32 $0xFFFFC000  }
0x48: {  	[spmem:s1] =	stream.indirect.scatter.add.f32 [tilespmem:s18], [sflag:$0x1], $0x80, s26, s20, $0xb8;
	[tilespmem:$0x1CC00] =	vst v63  }
0x49: {  	_ =	swait.ge [sflag:s23], $0x4000  }
0x4a: {  	[sflag:s23] =	ssyncset.done $0x0  }
0x4b: {  	[sflag:s23] =	ssyncadd.s32 $0xFFFFC000  }
0x4c: {  	_ =	swait.ge [sflag:s23], $0x4000  }
0x4d: {  	[sflag:s23] =	ssyncset.done $0x0  }
0x4e: {  	[sflag:s23] =	ssyncadd.s32 $0xFFFFC000  }
0x4f: {  	_ =	swait.ge [sflag:s23], $0x4000  }
0x50: {  	[sflag:s23] =	ssyncset.done $0x0  }
0x51: {  	[sflag:s23] =	ssyncadd.s32 $0xFFFFC000  }
0x52: {  	_ =	swait.ge [sflag:s23], $0x4000  }
0x53: {  	[sflag:s23] =	ssyncset.done $0x0  }
0x54: {  	[sflag:s23] =	ssyncadd.s32 $0xFFFFC000  }
0x55: {  	[bflag:$0x0] =	sbarrier.arrive $0xFFFF  }
0x56: {  	[tilespmem:s18], [sflag:$0x2] =	stream.linear.gather [spmem:s6], $0x4000, $0x38;
	[tilespmem:$0x1CC00] =	vst v63  }
0x57: {  	_ =	swait.ge [sflag:s19], $0x4000  }
0x58: {  	[sflag:s19] =	ssyncset.done $0x0  }
0x59: {  	[sflag:s19] =	ssyncadd.s32 $0xFFFFC000  }
0x5a: {  	[hbm4b:s12+s3] =	stream.linear.scatter [tilespmem:s18], [sflag:$0x2], $0x4000, $0x38;
	[tilespmem:$0x1CC00] =	vst v63  }
0x5b: {  	_ =	swait.ge [sflag:s19], $0x4000  }
0x5c: {  	[sflag:s19] =	ssyncset.done $0x0  }
0x5d: {  	[sflag:s19] =	ssyncadd.s32 $0xFFFFC000  }
0x5e: {  	[tilespmem:s18], [sflag:$0x2] =	stream.linear.gather [spmem:s7], $0x4000, $0x38;
	[tilespmem:$0x1CC00] =	vst v63  }
0x5f: {  	_ =	swait.ge [sflag:s19], $0x4000  }
0x60: {  	[sflag:s19] =	ssyncset.done $0x0  }
0x61: {  	[sflag:s19] =	ssyncadd.s32 $0xFFFFC000  }
0x62: {  	[hbm4b:s13+s3] =	stream.linear.scatter [tilespmem:s18], [sflag:$0x2], $0x4000, $0x38;
	[tilespmem:$0x1CC00] =	vst v63  }
0x63: {  	_ =	swait.ge [sflag:s19], $0x4000  }
0x64: {  	[sflag:s19] =	ssyncset.done $0x0  }
0x65: {  	[sflag:s19] =	ssyncadd.s32 $0xFFFFC000  }
0x66: {  	[tilespmem:s18], [sflag:$0x2] =	stream.linear.gather [spmem:s8], $0x4000, $0x38;
	[tilespmem:$0x1CC00] =	vst v63  }
0x67: {  	_ =	swait.ge [sflag:s19], $0x4000  }
0x68: {  	[sflag:s19] =	ssyncset.done $0x0  }
0x69: {  	[sflag:s19] =	ssyncadd.s32 $0xFFFFC000  }
0x6a: {  	[hbm4b:s14+s3] =	stream.linear.scatter [tilespmem:s18], [sflag:$0x2], $0x4000, $0x38;
	[tilespmem:$0x1CC00] =	vst v63  }
0x6b: {  	_ =	swait.ge [sflag:s19], $0x4000  }
0x6c: {  	[sflag:s19] =	ssyncset.done $0x0  }
0x6d: {  	[sflag:s19] =	ssyncadd.s32 $0xFFFFC000  }
0x6e: {  	[tilespmem:s18], [sflag:$0x2] =	stream.linear.gather [spmem:s9], $0x4000, $0x38;
	[tilespmem:$0x1CC00] =	vst v63  }
0x6f: {  	_ =	swait.ge [sflag:s19], $0x4000  }
0x70: {  	[sflag:s19] =	ssyncset.done $0x0  }
0x71: {  	[sflag:s19] =	ssyncadd.s32 $0xFFFFC000  }
0x72: {  	[hbm4b:s15+s3] =	stream.linear.scatter [tilespmem:s18], [sflag:$0x2], $0x4000, $0x38;
	[tilespmem:$0x1CC00] =	vst v63  }
0x73: {  	_ =	swait.ge [sflag:s19], $0x4000  }
0x74: {  	[sflag:s19] =	ssyncset.done $0x0  }
0x75: {  	[sflag:s19] =	ssyncadd.s32 $0xFFFFC000  }
0x76: {  	[tilespmem:s18], [sflag:$0x2] =	stream.linear.gather [spmem:s10], $0x3C00, $0x38;
	[tilespmem:$0x1CC00] =	vst v63  }
0x77: {  	s24 =	sadd.s32 $0x1, s24;
	_ =	swait.ge [sflag:s19], $0x3C00  }
0x78: {  	p0 =	sne.s32 s24, s17;
	[sflag:s19] =	ssyncset.done $0x0  }
.Ltmp1:
0x79: {  	[sflag:s19] =	ssyncadd.s32 $0xFFFFC400;
	(pc) =	sbr.rel @p0 .LBB2_1-.Ltmp1, $4  }
0x7a: {  	[hbm4b:s16+s3] =	stream.linear.scatter [tilespmem:s18], [sflag:$0x2], $0x3C00, $0x38;
	[tilespmem:$0x1CC00] =	vst v63  }
0x7b: {  	_ =	swait.ge [sflag:s19], $0x3C00  }
0x7c: {  	[sflag:s19] =	ssyncset.done $0x0  }
0x7d: {  	[sflag:s19] =	ssyncadd.s32 $0xFFFFC400  }
0x7e: {  	_ =	sfence.sel $0x180000  }
0x7f: {  	[bflag:$0x0] =	sbarrier.arrive $0xFFFF  }
0x80: {  	p0 =	sne.s32 s2, $0x0;
	_ =	strace $0x90000047  }
0x81: {  	s0 =	sadd.s32 @!p0 $0x100000, s0;
	[bflag:$0x2] =	sbarrier.arrive $0xFFFF  }
0x82: {  	[sflag:s0] =	ssyncadd.tile.s32 @!p0 $0x1;
	_ =	shalt  }
.Lfunc_end2:
_tile_overlayer_lowered:
.L_overlay_start_2:
0x83: {  	(tag) =	ssettag $0x2  }
0x84: {  	s0 =	rddreg [dreg:$0x0];
	s2 =	stileid.u32  }
0x85: {  	s1 =	rddreg [dreg:$0x1];
	p0 =	sne.s32 s2, $0x0  }
0x86: {  	s3 =	rddreg [dreg:$0x2];
	[bflag:$0x3] =	sbarrier.arrive $0xFFFF;
	s2 =	simm.s32 @!p0 $0x1C02  }
0x87: {  	[timem:s3], [sflag:s2] =	dma.local @!p0 [hbm:s0], s1  }
0x88: {  	s0 =	simm.s32 @!p0 $0x2  }
0x89: {  	_ =	swait.ge @!p0 [sflag:s0], s1  }
0x8a: {  	s1 =	ssub.s32 @!p0 $0x0, s1;
	[sflag:s0] =	ssyncset.done @!p0 $0x0  }
0x8b: {  	[sflag:s0] =	ssyncadd.s32 @!p0 s1  }
0x8c: {  	[bflag:$0x3] =	sbarrier.arrive $0xFFFF  }
0x8d: {  	_ =	shalt  }

</sc_bundles>
